<compile_context>
chip_gen: v7x
topology: tpu7x:2x2x1
jax: 0.10.2.dev20260603
libtpu: 0.0.44.dev20260713+nightly
codegen_flags: <defaults>
</compile_context>

<pallas_src>
import functools

import jax
import jax.numpy as jnp
from jax import lax
from jax.experimental import pallas as pl
from jax.experimental.pallas import tpu as pltpu
from jax.experimental.pallas import tpu_sc as plsc

N = 10000
NP = 10240
KN = 10
NEG = -3.4e38


_NR = 1024


def _rownorm_body(x_ref, d_ref):
    xr = x_ref[...]
    d_ref[...] = jnp.sum(xr * xr, axis=1, keepdims=True)


def _rownorm(x):
    c = x.shape[1]
    return pl.pallas_call(
        _rownorm_body,
        grid=(NP // _NR,),
        in_specs=[pl.BlockSpec((_NR, c), lambda i: (i, 0))],
        out_specs=pl.BlockSpec((_NR, 1), lambda i: (i, 0)),
        out_shape=jax.ShapeDtypeStruct((NP, 1), jnp.float32),
    )(x)



_KR = 512
_KC = 2048


def _knn_body(x_ref, xt_ref, dr_ref, dc_ref, idx_ref, vals_s, idxs_s):
    j = pl.program_id(1)
    xr = x_ref[...]
    xc = xt_ref[...]
    s = jnp.dot(xr, xc, preferred_element_type=jnp.float32)
    col = lax.broadcasted_iota(jnp.int32, (_KR, _KC), 1) + j * _KC
    key = (dr_ref[...] + dc_ref[...]) - 2.0 * s
    key = jnp.where(col < N, key, jnp.inf)

    @pl.when(j == 0)
    def _init():
        vals_s[...] = jnp.full((_KR, KN), jnp.inf, jnp.float32)
        idxs_s[...] = jnp.zeros((_KR, KN), jnp.int32)

    slot = lax.broadcasted_iota(jnp.int32, (_KR, KN), 1)
    big = jnp.int32(2**30)

    def cond(carry):
        r, go, _, _, _ = carry
        return (r < KN) & go

    def round_body(carry):
        r, _, vals, idxs, d = carry
        m = jnp.min(d, axis=1)
        p = jnp.min(jnp.where(d == m[:, None], col, big), axis=1)
        d = jnp.where(col == p[:, None], jnp.inf, d)
        w = jnp.max(vals, axis=1)
        ws = jnp.min(jnp.where(vals == w[:, None], slot, big), axis=1)
        ins = m < w
        repl = (slot == ws[:, None]) & ins[:, None]
        vals = jnp.where(repl, m[:, None], vals)
        idxs = jnp.where(repl, p[:, None], idxs)
        return r + 1, jnp.any(ins), vals, idxs, d

    _, _, vals, idxs, _ = lax.while_loop(
        cond, round_body,
        (jnp.int32(0), jnp.bool_(True), vals_s[...], idxs_s[...], key))
    vals_s[...] = vals
    idxs_s[...] = idxs

    @pl.when(j == NP // _KC - 1)
    def _done():
        idx_ref[...] = idxs_s[...]


def _knn(x, xt, dn, dnt):
    c = x.shape[1]
    return pl.pallas_call(
        _knn_body,
        grid=(NP // _KR, NP // _KC),
        in_specs=[
            pl.BlockSpec((_KR, c), lambda i, j: (i, 0)),
            pl.BlockSpec((c, _KC), lambda i, j: (0, j)),
            pl.BlockSpec((_KR, 1), lambda i, j: (i, 0)),
            pl.BlockSpec((1, _KC), lambda i, j: (0, j)),
        ],
        out_specs=pl.BlockSpec((_KR, KN), lambda i, j: (i, 0)),
        out_shape=jax.ShapeDtypeStruct((NP, KN), jnp.int32),
        scratch_shapes=[
            pltpu.VMEM((_KR, KN), jnp.float32),
            pltpu.VMEM((_KR, KN), jnp.int32),
        ],
    )(x, xt, dn, dnt)



_B = NP * KN
_CHUNK = 400


def _sc_gather(table, idx):
    info = plsc.get_sparse_core_info()
    nw = info.num_cores * info.num_subcores
    b_per_w = _B // nw
    nchunk = b_per_w // _CHUNK
    d = table.shape[1]
    mesh = plsc.VectorSubcoreMesh(core_axis_name="c", subcore_axis_name="s")

    @functools.partial(
        pl.kernel,
        mesh=mesh,
        out_type=jax.ShapeDtypeStruct((_B, d), jnp.float32),
        scratch_types=[
            pltpu.VMEM((b_per_w,), jnp.int32),
            pltpu.VMEM((_CHUNK, d), jnp.float32),
            pltpu.VMEM((_CHUNK, d), jnp.float32),
            pltpu.SemaphoreType.DMA,
            pltpu.SemaphoreType.DMA,
        ],
    )
    def gk(table_hbm, idx_hbm, out_hbm, idx_v, buf0, buf1, sem0, sem1):
        wid = lax.axis_index("s") * info.num_cores + lax.axis_index("c")
        base = wid * b_per_w
        pltpu.sync_copy(idx_hbm.at[pl.ds(base, b_per_w)], idx_v)
        bufs = (buf0, buf1)
        sems = (sem0, sem1)
        cps = []
        for jj in range(nchunk):
            cp = pltpu.async_copy(
                table_hbm.at[idx_v.at[pl.ds(jj * _CHUNK, _CHUNK)]],
                bufs[jj % 2], sems[jj % 2])
            cps.append(cp)
            if jj >= 1:
                cps[jj - 1].wait()
                pltpu.sync_copy(
                    bufs[(jj - 1) % 2],
                    out_hbm.at[pl.ds(base + (jj - 1) * _CHUNK, _CHUNK)])
        cps[nchunk - 1].wait()
        pltpu.sync_copy(
            bufs[(nchunk - 1) % 2],
            out_hbm.at[pl.ds(base + (nchunk - 1) * _CHUNK, _CHUNK)])

    return gk(table, idx)



_PR = 512


def _edge_exact_body(c, g_ref, x_ref, w1_ref, w2_ref, al_ref, o_ref):
    a1 = al_ref[0]
    a2 = al_ref[1]
    xi = x_ref[...]
    w1 = w1_ref[...]
    w2 = w2_ref[...]
    acc = jnp.full((_PR, 64), NEG, jnp.float32)
    for t in range(KN):
        xj = g_ref[:, t, 0:c]
        feat = jnp.concatenate([xj - xi, xi], axis=1)
        h = jnp.dot(feat, w1, preferred_element_type=jnp.float32)
        h = jnp.where(h >= 0, h, a1 * h)
        h = jnp.dot(h, w2, preferred_element_type=jnp.float32)
        h = jnp.where(h >= 0, h, a2 * h)
        acc = jnp.maximum(acc, h)
    o_ref[...] = acc


def _edge_exact(g3, x, w1, w2, alphas):
    c = x.shape[1]
    return pl.pallas_call(
        functools.partial(_edge_exact_body, c),
        grid=(NP // _PR,),
        in_specs=[
            pl.BlockSpec((_PR, KN, 128), lambda i: (i, 0, 0)),
            pl.BlockSpec((_PR, c), lambda i: (i, 0)),
            pl.BlockSpec((2 * c, 64), lambda i: (0, 0)),
            pl.BlockSpec((64, 64), lambda i: (0, 0)),
            pl.BlockSpec(memory_space=pltpu.SMEM),
        ],
        out_specs=pl.BlockSpec((_PR, 64), lambda i: (i, 0)),
        out_shape=jax.ShapeDtypeStruct((NP, 64), jnp.float32),
    )(g3, x, w1, w2, alphas)


def _edge_exact1_body(c, g_ref, x_ref, w1_ref, al_ref, o_ref):
    a1 = al_ref[0]
    xi = x_ref[...]
    w1 = w1_ref[...]
    acc = jnp.full((_PR, 64), NEG, jnp.float32)
    for t in range(KN):
        xj = g_ref[:, t, 0:c]
        feat = jnp.concatenate([xj - xi, xi], axis=1)
        h = jnp.dot(feat, w1, preferred_element_type=jnp.float32)
        h = jnp.where(h >= 0, h, a1 * h)
        acc = jnp.maximum(acc, h)
    o_ref[...] = acc


def _edge_exact1(g3, x, w1t, alphas):
    c = x.shape[1]
    return pl.pallas_call(
        functools.partial(_edge_exact1_body, c),
        grid=(NP // _PR,),
        in_specs=[
            pl.BlockSpec((_PR, KN, 128), lambda i: (i, 0, 0)),
            pl.BlockSpec((_PR, c), lambda i: (i, 0)),
            pl.BlockSpec((2 * c, 64), lambda i: (0, 0)),
            pl.BlockSpec(memory_space=pltpu.SMEM),
        ],
        out_specs=pl.BlockSpec((_PR, 64), lambda i: (i, 0)),
        out_shape=jax.ShapeDtypeStruct((NP, 64), jnp.float32),
    )(g3, x, w1t, alphas)



_GR = 512


def _gmax_body(x1_ref, x2_ref, x3_ref, w_ref, al_ref, o_ref):
    i = pl.program_id(0)
    a = al_ref[0]
    z = jnp.dot(x1_ref[...], w_ref[0:64, :], preferred_element_type=jnp.float32)
    z += jnp.dot(x2_ref[...], w_ref[64:128, :], preferred_element_type=jnp.float32)
    z += jnp.dot(x3_ref[...], w_ref[128:192, :], preferred_element_type=jnp.float32)
    z = jnp.where(z >= 0, z, a * z)
    row = lax.broadcasted_iota(jnp.int32, (_GR, 1), 0) + i * _GR
    z = jnp.where(row < N, z, NEG)
    tm = jnp.max(z, axis=0, keepdims=True)

    @pl.when(i == 0)
    def _first():
        o_ref[...] = tm

    @pl.when(i > 0)
    def _rest():
        o_ref[...] = jnp.maximum(o_ref[...], tm)


def _gmax(x1, x2, x3, c4wt, alphas):
    return pl.pallas_call(
        _gmax_body,
        grid=(NP // _GR,),
        in_specs=[
            pl.BlockSpec((_GR, 64), lambda i: (i, 0)),
            pl.BlockSpec((_GR, 64), lambda i: (i, 0)),
            pl.BlockSpec((_GR, 64), lambda i: (i, 0)),
            pl.BlockSpec((192, 1024), lambda i: (0, 0)),
            pl.BlockSpec(memory_space=pltpu.SMEM),
        ],
        out_specs=pl.BlockSpec((1, 1024), lambda i: (0, 0)),
        out_shape=jax.ShapeDtypeStruct((1, 1024), jnp.float32),
    )(x1, x2, x3, c4wt, alphas)



_MR = 512


def _mlp_body(x1_ref, x2_ref, x3_ref, g_ref, w1a_ref, w1b_ref, w1c_ref,
              w1d_ref, w2_ref, w3_ref, w4_ref, al_ref, o_ref):
    a1 = al_ref[0]
    a2 = al_ref[1]
    a3 = al_ref[2]
    a4 = al_ref[3]
    gv = jnp.dot(g_ref[...], w1d_ref[...], preferred_element_type=jnp.float32)
    h = jnp.dot(x1_ref[...], w1a_ref[...], preferred_element_type=jnp.float32)
    h += jnp.dot(x2_ref[...], w1b_ref[...], preferred_element_type=jnp.float32)
    h += jnp.dot(x3_ref[...], w1c_ref[...], preferred_element_type=jnp.float32)
    h += gv
    h = jnp.where(h >= 0, h, a1 * h)
    h = jnp.dot(h, w2_ref[...], preferred_element_type=jnp.float32)
    h = jnp.where(h >= 0, h, a2 * h)
    h = jnp.dot(h, w3_ref[...], preferred_element_type=jnp.float32)
    h = jnp.where(h >= 0, h, a3 * h)
    h = jnp.dot(h, w4_ref[...], preferred_element_type=jnp.float32)
    h = jnp.where(h >= 0, h, a4 * h)
    o_ref[...] = h


def _mlp(x1, x2, x3, g, w1a, w1b, w1c, w1d, w2, w3, w4, alphas):
    return pl.pallas_call(
        _mlp_body,
        grid=(NP // _MR,),
        in_specs=[
            pl.BlockSpec((_MR, 64), lambda i: (i, 0)),
            pl.BlockSpec((_MR, 64), lambda i: (i, 0)),
            pl.BlockSpec((_MR, 64), lambda i: (i, 0)),
            pl.BlockSpec((1, 1024), lambda i: (0, 0)),
            pl.BlockSpec((64, 256), lambda i: (0, 0)),
            pl.BlockSpec((64, 256), lambda i: (0, 0)),
            pl.BlockSpec((64, 256), lambda i: (0, 0)),
            pl.BlockSpec((1024, 256), lambda i: (0, 0)),
            pl.BlockSpec((256, 256), lambda i: (0, 0)),
            pl.BlockSpec((256, 128), lambda i: (0, 0)),
            pl.BlockSpec((128, 8), lambda i: (0, 0)),
            pl.BlockSpec(memory_space=pltpu.SMEM),
        ],
        out_specs=pl.BlockSpec((_MR, 8), lambda i: (i, 0)),
        out_shape=jax.ShapeDtypeStruct((NP, 8), jnp.float32),
    )(x1, x2, x3, g, w1a, w1b, w1c, w1d, w2, w3, w4, alphas)



def _knn_idx(x):
    dn = _rownorm(x)
    return _knn(x, x.T, dn, dn.T)


def _edge_conv_exact(x, w1, w2, alphas):
    c = x.shape[1]
    idx = _knn_idx(x)
    xw = jnp.pad(x, ((0, 0), (0, 128 - c)))
    g = _sc_gather(xw, idx.reshape(_B))
    g3 = g.reshape(NP, KN, 128)
    return _edge_exact(g3, x, w1.T, w2.T, alphas)


def _edge_conv_exact1(x, w1, alphas):
    c = x.shape[1]
    idx = _knn_idx(x)
    xw = jnp.pad(x, ((0, 0), (0, 128 - c)))
    g = _sc_gather(xw, idx.reshape(_B))
    g3 = g.reshape(NP, KN, 128)
    return _edge_exact1(g3, x, w1.T, alphas)


def kernel(targets, params):
    p = params
    x_out = jnp.concatenate([targets, 2.0 * targets], axis=-1)
    x0 = jnp.pad(x_out[0], ((0, NP - N), (0, 0)))

    al12 = jnp.concatenate([p['c1a1'], p['c1a2']])
    al34 = jnp.concatenate([p['c2a1'], p['c2a2']])
    x1 = _edge_conv_exact(x0, p['c1w1'], p['c1w2'], al12)
    x2 = _edge_conv_exact(x1, p['c2w1'], p['c2w2'], al34)
    x3 = _edge_conv_exact1(x2, p['c3w1'], p['c3a1'])

    g = _gmax(x1, x2, x3, p['c4w'].T, p['c4a'])

    w1t = p['l1w'].T
    w4p = jnp.pad(p['l4w'].T, ((0, 0), (0, 6)))
    alm = jnp.concatenate([p['l1a'], p['l2a'], p['l3a'], p['l4a']])
    y = _mlp(x1, x2, x3, g,
             w1t[0:64], w1t[64:128], w1t[128:192], w1t[192:1216],
             p['l2w'].T, p['l3w'].T, w4p, alm)

    lr = y[:N, :2][None]
    hidden = jnp.zeros((1, N, 0), jnp.float32)
    return lr, x_out, hidden

# --- scband reference (transcript-rebuilt; emitter-appended) ---
"""Pipeline reference for scband-lgd-12171937317460 (READ-ONLY COPY).

The authoritative reference and input builder live on the scoring server;
editing this copy changes nothing except your own understanding.
"""

import jax, jax.numpy as jnp
import numpy as np

K = 10
NUM_LOSSES = 1

def prelu(x, a):
    return jnp.where(x >= 0, x, a[0] * x)

def knn_idx(x, k):
    d = jnp.sum(x * x, axis=1)
    dist = d[:, None] + d[None, :] - 2.0 * (x @ x.T)
    dist = jax.lax.stop_gradient(dist)
    _, idx = jax.lax.top_k(-dist, k)
    return idx

def graph_features(x, k):
    B, n, c = x.shape
    def per(x_):
        idx = knn_idx(x_, k)
        neigh = x_[idx]
        xr = jnp.broadcast_to(x_[:, None, :], (n, k, c))
        return jnp.concatenate([neigh - xr, xr], axis=-1)
    feat = jax.vmap(per)(x)
    return feat.reshape(B, n * k, 2 * c)

def edge_conv(x, layers, k):
    B, n, c = x.shape
    h = graph_features(x, k)
    for (W, a) in layers:
        h = prelu(h @ W.T, a)
    h = h.reshape(B, n, k, -1)
    return jnp.max(h, axis=-2)

def dgcnn(x, p, k):
    B, n, _ = x.shape
    x1 = edge_conv(x, [(p['c1w1'], p['c1a1']), (p['c1w2'], p['c1a2'])], k)
    x2 = edge_conv(x1, [(p['c2w1'], p['c2a1']), (p['c2w2'], p['c2a2'])], k)
    x3 = edge_conv(x2, [(p['c3w1'], p['c3a1'])], k)
    x4 = jnp.concatenate([x1, x2, x3], axis=-1)
    x5 = prelu(x4 @ p['c4w'].T, p['c4a'])
    x5 = jnp.broadcast_to(jnp.max(x5, axis=-2, keepdims=True), (B, n, x5.shape[-1]))
    h = jnp.concatenate([x1, x2, x3, x5], axis=-1)
    # dropout layers are identity in eval/inference mode
    for nm in ['l1', 'l2', 'l3', 'l4']:
        h = prelu(h @ p[nm + 'w'].T, p[nm + 'a'])
    return h

def lgd_forward(targets, p):
    # single quadratic loss; targets_grad computed via autodiff as in LGD.forward
    def loss_f(t):
        return jnp.sum(t * t)
    targets_grad = jax.grad(loss_f)(targets)
    # concat_input=True, hidden_features=0, additional_features=0
    x = jnp.concatenate([targets, targets_grad], axis=-1)
    y = dgcnn(x, p, K)
    lr = y[..., :NUM_LOSSES * 2]
    hidden = y[..., NUM_LOSSES * 2:]
    return lr, x, hidden

def _lin_w(key, out_c, in_c):
    a = float(np.sqrt(0.75 / in_c))
    return jax.random.uniform(key, (out_c, in_c), minval=-a, maxval=a, dtype=jnp.float32)

def setup_inputs(seed: int = 0):
    key = jax.random.key(seed)
    ks = jax.random.split(key, 16)
    targets = jax.random.normal(ks[0], (1, 10000, 3), dtype=jnp.float32)
    pa = jnp.full((1,), 0.25, dtype=jnp.float32)
    p = {
        'c1w1': _lin_w(ks[1], 64, 12), 'c1a1': pa,
        'c1w2': _lin_w(ks[2], 64, 64), 'c1a2': pa,
        'c2w1': _lin_w(ks[3], 64, 128), 'c2a1': pa,
        'c2w2': _lin_w(ks[4], 64, 64), 'c2a2': pa,
        'c3w1': _lin_w(ks[5], 64, 128), 'c3a1': pa,
        'c4w': _lin_w(ks[6], 1024, 192), 'c4a': pa,
        'l1w': _lin_w(ks[7], 256, 1216), 'l1a': pa,
        'l2w': _lin_w(ks[8], 256, 256), 'l2a': pa,
        'l3w': _lin_w(ks[9], 128, 256), 'l3a': pa,
        'l4w': _lin_w(ks[10], 2, 128), 'l4a': pa,
    }
    return {'targets': targets, 'params': p}

def reference(targets, params):
    return lgd_forward(targets, params)

if __name__ == "__main__":
    import jax
    _d = setup_inputs()
    print(jax.jit(kernel)(*tuple(_d.values())))

</pallas_src>

<mosaic_0001>
#map = affine_map<(d0, d1) -> (0, 0)>
#map1 = affine_map<(d0, d1) -> (0)>
module attributes {stable_mosaic.version = 14 : i64} {
  func.func @gk(%arg0: i32, %arg1: i32, %arg2: memref<10240x128xf32, #tpu.memory_space<hbm>>, %arg3: memref<102400xi32, #tpu.memory_space<hbm>>, %arg4: memref<102400x128xf32, #tpu.memory_space<hbm>>, %arg5: memref<3200xi32, #tpu.memory_space<vmem>>, %arg6: memref<400x128xf32, #tpu.memory_space<vmem>>, %arg7: memref<400x128xf32, #tpu.memory_space<vmem>>, %arg8: memref<!tpu.dma_semaphore, #tpu.memory_space<semaphore_mem>>, %arg9: memref<!tpu.dma_semaphore, #tpu.memory_space<semaphore_mem>>) attributes {dimension_semantics = [#tpu.dimension_semantics<core_parallel>, #tpu.dimension_semantics<subcore_parallel>], iteration_bounds = array<i64: 2, 16>, scalar_prefetch = 0 : i64, scratch_operands = 5 : i64, tpu.core_type = #tpu.core_type<sc_vector_subcore>, window_params = [{transform_indices = #map}, {transform_indices = #map1}, {transform_indices = #map}]} {
    %mul3A = arith.constant 2 : i32
    %mul3A_0 = arith.muli %arg1, %mul3A : i32
    %add3A = arith.addi %mul3A_0, %arg0 : i32
    %mul3A_1 = arith.constant 3200 : i32
    %mul3A_2 = arith.muli %add3A, %mul3A_1 : i32
    "tpu.region"() ({
      %run_scoped3A = tpu.sem_alloc : memref<!tpu.dma_semaphore, #tpu.memory_space<semaphore_mem>>
      %dma_start3A_97 = tpu.memref_slice %arg3[%mul3A_2] : memref<102400xi32, #tpu.memory_space<hbm>> -> memref<3200xi32, #tpu.memory_space<hbm>>
      %dma_start3A_98 = tpu.memref_slice %arg3[%mul3A_2] : memref<102400xi32, #tpu.memory_space<hbm>> -> memref<3200xi32, #tpu.memory_space<hbm>>
      tpu.enqueue_dma source(%dma_start3A_98 : memref<3200xi32, #tpu.memory_space<hbm>>) target(%arg5 : memref<3200xi32, #tpu.memory_space<vmem>>) target_semaphore(%run_scoped3A : memref<!tpu.dma_semaphore, #tpu.memory_space<semaphore_mem>>)
      %dma_wait3A_99 = tpu.memref_slice %arg3[%mul3A_2] : memref<102400xi32, #tpu.memory_space<hbm>> -> memref<3200xi32, #tpu.memory_space<hbm>>
      %dma_wait3A_100 = tpu.memref_slice %arg3[%mul3A_2] : memref<102400xi32, #tpu.memory_space<hbm>> -> memref<3200xi32, #tpu.memory_space<hbm>>
      tpu.wait_dma2 semaphore(%run_scoped3A : memref<!tpu.dma_semaphore, #tpu.memory_space<semaphore_mem>>) src(%dma_wait3A_100 : memref<3200xi32, #tpu.memory_space<hbm>>) dst(%arg5 : memref<3200xi32, #tpu.memory_space<vmem>>)
      tpu.yield
    }) : () -> ()
    %dma_start3A = arith.constant 0 : i32
    %dma_start3A_3 = tpu.memref_slice %arg5[%dma_start3A] : memref<3200xi32, #tpu.memory_space<vmem>> -> memref<400xi32, #tpu.memory_space<vmem>>
    %dma_start3A_4 = arith.constant 0 : i32
    %dma_start3A_5 = arith.constant 0 : i32
    %dma_start3A_6 = tpu.memref_slice %arg2[%dma_start3A_4, %dma_start3A_5] : memref<10240x128xf32, #tpu.memory_space<hbm>> -> memref<10240x128xf32, #tpu.memory_space<hbm>>
    tpu.enqueue_indirect_dma source(%dma_start3A_6 : memref<10240x128xf32, #tpu.memory_space<hbm>>) target(%arg6 : memref<400x128xf32, #tpu.memory_space<vmem>>) offsets(%dma_start3A_3 : memref<400xi32, #tpu.memory_space<vmem>>) semaphore(%arg8 : memref<!tpu.dma_semaphore, #tpu.memory_space<semaphore_mem>>)
    %dma_start3A_7 = arith.constant 400 : i32
    %dma_start3A_8 = tpu.memref_slice %arg5[%dma_start3A_7] : memref<3200xi32, #tpu.memory_space<vmem>> -> memref<400xi32, #tpu.memory_space<vmem>>
    %dma_start3A_9 = arith.constant 0 : i32
    %dma_start3A_10 = arith.constant 0 : i32
    %dma_start3A_11 = tpu.memref_slice %arg2[%dma_start3A_9, %dma_start3A_10] : memref<10240x128xf32, #tpu.memory_space<hbm>> -> memref<10240x128xf32, #tpu.memory_space<hbm>>
    tpu.enqueue_indirect_dma source(%dma_start3A_11 : memref<10240x128xf32, #tpu.memory_space<hbm>>) target(%arg7 : memref<400x128xf32, #tpu.memory_space<vmem>>) offsets(%dma_start3A_8 : memref<400xi32, #tpu.memory_space<vmem>>) semaphore(%arg9 : memref<!tpu.dma_semaphore, #tpu.memory_space<semaphore_mem>>)
    %dma_wait3A = arith.constant 0 : i32
    %dma_wait3A_12 = tpu.memref_slice %arg5[%dma_wait3A] : memref<3200xi32, #tpu.memory_space<vmem>> -> memref<400xi32, #tpu.memory_space<vmem>>
    %dma_wait3A_13 = arith.constant 0 : i32
    %dma_wait3A_14 = arith.constant 0 : i32
    %dma_wait3A_15 = tpu.memref_slice %arg2[%dma_wait3A_13, %dma_wait3A_14] : memref<10240x128xf32, #tpu.memory_space<hbm>> -> memref<10240x128xf32, #tpu.memory_space<hbm>>
    tpu.wait_indirect_dma semaphore(%arg8 : memref<!tpu.dma_semaphore, #tpu.memory_space<semaphore_mem>>) src(%dma_wait3A_15 : memref<10240x128xf32, #tpu.memory_space<hbm>>) dst(%arg6 : memref<400x128xf32, #tpu.memory_space<vmem>>)
    %add3A_16 = arith.constant 0 : i32
    %add3A_17 = arith.addi %mul3A_2, %add3A_16 : i32
    "tpu.region"() ({
      %run_scoped3A = tpu.sem_alloc : memref<!tpu.dma_semaphore, #tpu.memory_space<semaphore_mem>>
      %dma_start3A_97 = arith.constant 0 : i32
      %dma_start3A_98 = tpu.memref_slice %arg4[%add3A_17, %dma_start3A_97] : memref<102400x128xf32, #tpu.memory_space<hbm>> -> memref<400x128xf32, #tpu.memory_space<hbm>>
      %dma_start3A_99 = arith.constant 0 : i32
      %dma_start3A_100 = tpu.memref_slice %arg4[%add3A_17, %dma_start3A_99] : memref<102400x128xf32, #tpu.memory_space<hbm>> -> memref<400x128xf32, #tpu.memory_space<hbm>>
      tpu.enqueue_dma source(%arg6 : memref<400x128xf32, #tpu.memory_space<vmem>>) target(%dma_start3A_100 : memref<400x128xf32, #tpu.memory_space<hbm>>) target_semaphore(%run_scoped3A : memref<!tpu.dma_semaphore, #tpu.memory_space<semaphore_mem>>)
      %dma_wait3A_101 = arith.constant 0 : i32
      %dma_wait3A_102 = tpu.memref_slice %arg4[%add3A_17, %dma_wait3A_101] : memref<102400x128xf32, #tpu.memory_space<hbm>> -> memref<400x128xf32, #tpu.memory_space<hbm>>
      %dma_wait3A_103 = arith.constant 0 : i32
      %dma_wait3A_104 = tpu.memref_slice %arg4[%add3A_17, %dma_wait3A_103] : memref<102400x128xf32, #tpu.memory_space<hbm>> -> memref<400x128xf32, #tpu.memory_space<hbm>>
      tpu.wait_dma2 semaphore(%run_scoped3A : memref<!tpu.dma_semaphore, #tpu.memory_space<semaphore_mem>>) src(%arg6 : memref<400x128xf32, #tpu.memory_space<vmem>>) dst(%dma_wait3A_104 : memref<400x128xf32, #tpu.memory_space<hbm>>)
      tpu.yield
    }) : () -> ()
    %dma_start3A_18 = arith.constant 800 : i32
    %dma_start3A_19 = tpu.memref_slice %arg5[%dma_start3A_18] : memref<3200xi32, #tpu.memory_space<vmem>> -> memref<400xi32, #tpu.memory_space<vmem>>
    %dma_start3A_20 = arith.constant 0 : i32
    %dma_start3A_21 = arith.constant 0 : i32
    %dma_start3A_22 = tpu.memref_slice %arg2[%dma_start3A_20, %dma_start3A_21] : memref<10240x128xf32, #tpu.memory_space<hbm>> -> memref<10240x128xf32, #tpu.memory_space<hbm>>
    tpu.enqueue_indirect_dma source(%dma_start3A_22 : memref<10240x128xf32, #tpu.memory_space<hbm>>) target(%arg6 : memref<400x128xf32, #tpu.memory_space<vmem>>) offsets(%dma_start3A_19 : memref<400xi32, #tpu.memory_space<vmem>>) semaphore(%arg8 : memref<!tpu.dma_semaphore, #tpu.memory_space<semaphore_mem>>)
    %dma_wait3A_23 = arith.constant 400 : i32
    %dma_wait3A_24 = tpu.memref_slice %arg5[%dma_wait3A_23] : memref<3200xi32, #tpu.memory_space<vmem>> -> memref<400xi32, #tpu.memory_space<vmem>>
    %dma_wait3A_25 = arith.constant 0 : i32
    %dma_wait3A_26 = arith.constant 0 : i32
    %dma_wait3A_27 = tpu.memref_slice %arg2[%dma_wait3A_25, %dma_wait3A_26] : memref<10240x128xf32, #tpu.memory_space<hbm>> -> memref<10240x128xf32, #tpu.memory_space<hbm>>
    tpu.wait_indirect_dma semaphore(%arg9 : memref<!tpu.dma_semaphore, #tpu.memory_space<semaphore_mem>>) src(%dma_wait3A_27 : memref<10240x128xf32, #tpu.memory_space<hbm>>) dst(%arg7 : memref<400x128xf32, #tpu.memory_space<vmem>>)
    %add3A_28 = arith.constant 400 : i32
    %add3A_29 = arith.addi %mul3A_2, %add3A_28 : i32
    "tpu.region"() ({
      %run_scoped3A = tpu.sem_alloc : memref<!tpu.dma_semaphore, #tpu.memory_space<semaphore_mem>>
      %dma_start3A_97 = arith.constant 0 : i32
      %dma_start3A_98 = tpu.memref_slice %arg4[%add3A_29, %dma_start3A_97] : memref<102400x128xf32, #tpu.memory_space<hbm>> -> memref<400x128xf32, #tpu.memory_space<hbm>>
      %dma_start3A_99 = arith.constant 0 : i32
      %dma_start3A_100 = tpu.memref_slice %arg4[%add3A_29, %dma_start3A_99] : memref<102400x128xf32, #tpu.memory_space<hbm>> -> memref<400x128xf32, #tpu.memory_space<hbm>>
      tpu.enqueue_dma source(%arg7 : memref<400x128xf32, #tpu.memory_space<vmem>>) target(%dma_start3A_100 : memref<400x128xf32, #tpu.memory_space<hbm>>) target_semaphore(%run_scoped3A : memref<!tpu.dma_semaphore, #tpu.memory_space<semaphore_mem>>)
      %dma_wait3A_101 = arith.constant 0 : i32
      %dma_wait3A_102 = tpu.memref_slice %arg4[%add3A_29, %dma_wait3A_101] : memref<102400x128xf32, #tpu.memory_space<hbm>> -> memref<400x128xf32, #tpu.memory_space<hbm>>
      %dma_wait3A_103 = arith.constant 0 : i32
      %dma_wait3A_104 = tpu.memref_slice %arg4[%add3A_29, %dma_wait3A_103] : memref<102400x128xf32, #tpu.memory_space<hbm>> -> memref<400x128xf32, #tpu.memory_space<hbm>>
      tpu.wait_dma2 semaphore(%run_scoped3A : memref<!tpu.dma_semaphore, #tpu.memory_space<semaphore_mem>>) src(%arg7 : memref<400x128xf32, #tpu.memory_space<vmem>>) dst(%dma_wait3A_104 : memref<400x128xf32, #tpu.memory_space<hbm>>)
      tpu.yield
    }) : () -> ()
    %dma_start3A_30 = arith.constant 1200 : i32
    %dma_start3A_31 = tpu.memref_slice %arg5[%dma_start3A_30] : memref<3200xi32, #tpu.memory_space<vmem>> -> memref<400xi32, #tpu.memory_space<vmem>>
    %dma_start3A_32 = arith.constant 0 : i32
    %dma_start3A_33 = arith.constant 0 : i32
    %dma_start3A_34 = tpu.memref_slice %arg2[%dma_start3A_32, %dma_start3A_33] : memref<10240x128xf32, #tpu.memory_space<hbm>> -> memref<10240x128xf32, #tpu.memory_space<hbm>>
    tpu.enqueue_indirect_dma source(%dma_start3A_34 : memref<10240x128xf32, #tpu.memory_space<hbm>>) target(%arg7 : memref<400x128xf32, #tpu.memory_space<vmem>>) offsets(%dma_start3A_31 : memref<400xi32, #tpu.memory_space<vmem>>) semaphore(%arg9 : memref<!tpu.dma_semaphore, #tpu.memory_space<semaphore_mem>>)
    %dma_wait3A_35 = arith.constant 800 : i32
    %dma_wait3A_36 = tpu.memref_slice %arg5[%dma_wait3A_35] : memref<3200xi32, #tpu.memory_space<vmem>> -> memref<400xi32, #tpu.memory_space<vmem>>
    %dma_wait3A_37 = arith.constant 0 : i32
    %dma_wait3A_38 = arith.constant 0 : i32
    %dma_wait3A_39 = tpu.memref_slice %arg2[%dma_wait3A_37, %dma_wait3A_38] : memref<10240x128xf32, #tpu.memory_space<hbm>> -> memref<10240x128xf32, #tpu.memory_space<hbm>>
    tpu.wait_indirect_dma semaphore(%arg8 : memref<!tpu.dma_semaphore, #tpu.memory_space<semaphore_mem>>) src(%dma_wait3A_39 : memref<10240x128xf32, #tpu.memory_space<hbm>>) dst(%arg6 : memref<400x128xf32, #tpu.memory_space<vmem>>)
    %add3A_40 = arith.constant 800 : i32
    %add3A_41 = arith.addi %mul3A_2, %add3A_40 : i32
    "tpu.region"() ({
      %run_scoped3A = tpu.sem_alloc : memref<!tpu.dma_semaphore, #tpu.memory_space<semaphore_mem>>
      %dma_start3A_97 = arith.constant 0 : i32
      %dma_start3A_98 = tpu.memref_slice %arg4[%add3A_41, %dma_start3A_97] : memref<102400x128xf32, #tpu.memory_space<hbm>> -> memref<400x128xf32, #tpu.memory_space<hbm>>
      %dma_start3A_99 = arith.constant 0 : i32
      %dma_start3A_100 = tpu.memref_slice %arg4[%add3A_41, %dma_start3A_99] : memref<102400x128xf32, #tpu.memory_space<hbm>> -> memref<400x128xf32, #tpu.memory_space<hbm>>
      tpu.enqueue_dma source(%arg6 : memref<400x128xf32, #tpu.memory_space<vmem>>) target(%dma_start3A_100 : memref<400x128xf32, #tpu.memory_space<hbm>>) target_semaphore(%run_scoped3A : memref<!tpu.dma_semaphore, #tpu.memory_space<semaphore_mem>>)
      %dma_wait3A_101 = arith.constant 0 : i32
      %dma_wait3A_102 = tpu.memref_slice %arg4[%add3A_41, %dma_wait3A_101] : memref<102400x128xf32, #tpu.memory_space<hbm>> -> memref<400x128xf32, #tpu.memory_space<hbm>>
      %dma_wait3A_103 = arith.constant 0 : i32
      %dma_wait3A_104 = tpu.memref_slice %arg4[%add3A_41, %dma_wait3A_103] : memref<102400x128xf32, #tpu.memory_space<hbm>> -> memref<400x128xf32, #tpu.memory_space<hbm>>
      tpu.wait_dma2 semaphore(%run_scoped3A : memref<!tpu.dma_semaphore, #tpu.memory_space<semaphore_mem>>) src(%arg6 : memref<400x128xf32, #tpu.memory_space<vmem>>) dst(%dma_wait3A_104 : memref<400x128xf32, #tpu.memory_space<hbm>>)
      tpu.yield
    }) : () -> ()
    %dma_start3A_42 = arith.constant 1600 : i32
    %dma_start3A_43 = tpu.memref_slice %arg5[%dma_start3A_42] : memref<3200xi32, #tpu.memory_space<vmem>> -> memref<400xi32, #tpu.memory_space<vmem>>
    %dma_start3A_44 = arith.constant 0 : i32
    %dma_start3A_45 = arith.constant 0 : i32
    %dma_start3A_46 = tpu.memref_slice %arg2[%dma_start3A_44, %dma_start3A_45] : memref<10240x128xf32, #tpu.memory_space<hbm>> -> memref<10240x128xf32, #tpu.memory_space<hbm>>
    tpu.enqueue_indirect_dma source(%dma_start3A_46 : memref<10240x128xf32, #tpu.memory_space<hbm>>) target(%arg6 : memref<400x128xf32, #tpu.memory_space<vmem>>) offsets(%dma_start3A_43 : memref<400xi32, #tpu.memory_space<vmem>>) semaphore(%arg8 : memref<!tpu.dma_semaphore, #tpu.memory_space<semaphore_mem>>)
    %dma_wait3A_47 = arith.constant 1200 : i32
    %dma_wait3A_48 = tpu.memref_slice %arg5[%dma_wait3A_47] : memref<3200xi32, #tpu.memory_space<vmem>> -> memref<400xi32, #tpu.memory_space<vmem>>
    %dma_wait3A_49 = arith.constant 0 : i32
    %dma_wait3A_50 = arith.constant 0 : i32
    %dma_wait3A_51 = tpu.memref_slice %arg2[%dma_wait3A_49, %dma_wait3A_50] : memref<10240x128xf32, #tpu.memory_space<hbm>> -> memref<10240x128xf32, #tpu.memory_space<hbm>>
    tpu.wait_indirect_dma semaphore(%arg9 : memref<!tpu.dma_semaphore, #tpu.memory_space<semaphore_mem>>) src(%dma_wait3A_51 : memref<10240x128xf32, #tpu.memory_space<hbm>>) dst(%arg7 : memref<400x128xf32, #tpu.memory_space<vmem>>)
    %add3A_52 = arith.constant 1200 : i32
    %add3A_53 = arith.addi %mul3A_2, %add3A_52 : i32
    "tpu.region"() ({
      %run_scoped3A = tpu.sem_alloc : memref<!tpu.dma_semaphore, #tpu.memory_space<semaphore_mem>>
      %dma_start3A_97 = arith.constant 0 : i32
      %dma_start3A_98 = tpu.memref_slice %arg4[%add3A_53, %dma_start3A_97] : memref<102400x128xf32, #tpu.memory_space<hbm>> -> memref<400x128xf32, #tpu.memory_space<hbm>>
      %dma_start3A_99 = arith.constant 0 : i32
      %dma_start3A_100 = tpu.memref_slice %arg4[%add3A_53, %dma_start3A_99] : memref<102400x128xf32, #tpu.memory_space<hbm>> -> memref<400x128xf32, #tpu.memory_space<hbm>>
      tpu.enqueue_dma source(%arg7 : memref<400x128xf32, #tpu.memory_space<vmem>>) target(%dma_start3A_100 : memref<400x128xf32, #tpu.memory_space<hbm>>) target_semaphore(%run_scoped3A : memref<!tpu.dma_semaphore, #tpu.memory_space<semaphore_mem>>)
      %dma_wait3A_101 = arith.constant 0 : i32
      %dma_wait3A_102 = tpu.memref_slice %arg4[%add3A_53, %dma_wait3A_101] : memref<102400x128xf32, #tpu.memory_space<hbm>> -> memref<400x128xf32, #tpu.memory_space<hbm>>
      %dma_wait3A_103 = arith.constant 0 : i32
      %dma_wait3A_104 = tpu.memref_slice %arg4[%add3A_53, %dma_wait3A_103] : memref<102400x128xf32, #tpu.memory_space<hbm>> -> memref<400x128xf32, #tpu.memory_space<hbm>>
      tpu.wait_dma2 semaphore(%run_scoped3A : memref<!tpu.dma_semaphore, #tpu.memory_space<semaphore_mem>>) src(%arg7 : memref<400x128xf32, #tpu.memory_space<vmem>>) dst(%dma_wait3A_104 : memref<400x128xf32, #tpu.memory_space<hbm>>)
      tpu.yield
    }) : () -> ()
    %dma_start3A_54 = arith.constant 2000 : i32
    %dma_start3A_55 = tpu.memref_slice %arg5[%dma_start3A_54] : memref<3200xi32, #tpu.memory_space<vmem>> -> memref<400xi32, #tpu.memory_space<vmem>>
    %dma_start3A_56 = arith.constant 0 : i32
    %dma_start3A_57 = arith.constant 0 : i32
    %dma_start3A_58 = tpu.memref_slice %arg2[%dma_start3A_56, %dma_start3A_57] : memref<10240x128xf32, #tpu.memory_space<hbm>> -> memref<10240x128xf32, #tpu.memory_space<hbm>>
    tpu.enqueue_indirect_dma source(%dma_start3A_58 : memref<10240x128xf32, #tpu.memory_space<hbm>>) target(%arg7 : memref<400x128xf32, #tpu.memory_space<vmem>>) offsets(%dma_start3A_55 : memref<400xi32, #tpu.memory_space<vmem>>) semaphore(%arg9 : memref<!tpu.dma_semaphore, #tpu.memory_space<semaphore_mem>>)
    %dma_wait3A_59 = arith.constant 1600 : i32
    %dma_wait3A_60 = tpu.memref_slice %arg5[%dma_wait3A_59] : memref<3200xi32, #tpu.memory_space<vmem>> -> memref<400xi32, #tpu.memory_space<vmem>>
    %dma_wait3A_61 = arith.constant 0 : i32
    %dma_wait3A_62 = arith.constant 0 : i32
    %dma_wait3A_63 = tpu.memref_slice %arg2[%dma_wait3A_61, %dma_wait3A_62] : memref<10240x128xf32, #tpu.memory_space<hbm>> -> memref<10240x128xf32, #tpu.memory_space<hbm>>
    tpu.wait_indirect_dma semaphore(%arg8 : memref<!tpu.dma_semaphore, #tpu.memory_space<semaphore_mem>>) src(%dma_wait3A_63 : memref<10240x128xf32, #tpu.memory_space<hbm>>) dst(%arg6 : memref<400x128xf32, #tpu.memory_space<vmem>>)
    %add3A_64 = arith.constant 1600 : i32
    %add3A_65 = arith.addi %mul3A_2, %add3A_64 : i32
    "tpu.region"() ({
      %run_scoped3A = tpu.sem_alloc : memref<!tpu.dma_semaphore, #tpu.memory_space<semaphore_mem>>
      %dma_start3A_97 = arith.constant 0 : i32
      %dma_start3A_98 = tpu.memref_slice %arg4[%add3A_65, %dma_start3A_97] : memref<102400x128xf32, #tpu.memory_space<hbm>> -> memref<400x128xf32, #tpu.memory_space<hbm>>
      %dma_start3A_99 = arith.constant 0 : i32
      %dma_start3A_100 = tpu.memref_slice %arg4[%add3A_65, %dma_start3A_99] : memref<102400x128xf32, #tpu.memory_space<hbm>> -> memref<400x128xf32, #tpu.memory_space<hbm>>
      tpu.enqueue_dma source(%arg6 : memref<400x128xf32, #tpu.memory_space<vmem>>) target(%dma_start3A_100 : memref<400x128xf32, #tpu.memory_space<hbm>>) target_semaphore(%run_scoped3A : memref<!tpu.dma_semaphore, #tpu.memory_space<semaphore_mem>>)
      %dma_wait3A_101 = arith.constant 0 : i32
      %dma_wait3A_102 = tpu.memref_slice %arg4[%add3A_65, %dma_wait3A_101] : memref<102400x128xf32, #tpu.memory_space<hbm>> -> memref<400x128xf32, #tpu.memory_space<hbm>>
      %dma_wait3A_103 = arith.constant 0 : i32
      %dma_wait3A_104 = tpu.memref_slice %arg4[%add3A_65, %dma_wait3A_103] : memref<102400x128xf32, #tpu.memory_space<hbm>> -> memref<400x128xf32, #tpu.memory_space<hbm>>
      tpu.wait_dma2 semaphore(%run_scoped3A : memref<!tpu.dma_semaphore, #tpu.memory_space<semaphore_mem>>) src(%arg6 : memref<400x128xf32, #tpu.memory_space<vmem>>) dst(%dma_wait3A_104 : memref<400x128xf32, #tpu.memory_space<hbm>>)
      tpu.yield
    }) : () -> ()
    %dma_start3A_66 = arith.constant 2400 : i32
    %dma_start3A_67 = tpu.memref_slice %arg5[%dma_start3A_66] : memref<3200xi32, #tpu.memory_space<vmem>> -> memref<400xi32, #tpu.memory_space<vmem>>
    %dma_start3A_68 = arith.constant 0 : i32
    %dma_start3A_69 = arith.constant 0 : i32
    %dma_start3A_70 = tpu.memref_slice %arg2[%dma_start3A_68, %dma_start3A_69] : memref<10240x128xf32, #tpu.memory_space<hbm>> -> memref<10240x128xf32, #tpu.memory_space<hbm>>
    tpu.enqueue_indirect_dma source(%dma_start3A_70 : memref<10240x128xf32, #tpu.memory_space<hbm>>) target(%arg6 : memref<400x128xf32, #tpu.memory_space<vmem>>) offsets(%dma_start3A_67 : memref<400xi32, #tpu.memory_space<vmem>>) semaphore(%arg8 : memref<!tpu.dma_semaphore, #tpu.memory_space<semaphore_mem>>)
    %dma_wait3A_71 = arith.constant 2000 : i32
    %dma_wait3A_72 = tpu.memref_slice %arg5[%dma_wait3A_71] : memref<3200xi32, #tpu.memory_space<vmem>> -> memref<400xi32, #tpu.memory_space<vmem>>
    %dma_wait3A_73 = arith.constant 0 : i32
    %dma_wait3A_74 = arith.constant 0 : i32
    %dma_wait3A_75 = tpu.memref_slice %arg2[%dma_wait3A_73, %dma_wait3A_74] : memref<10240x128xf32, #tpu.memory_space<hbm>> -> memref<10240x128xf32, #tpu.memory_space<hbm>>
    tpu.wait_indirect_dma semaphore(%arg9 : memref<!tpu.dma_semaphore, #tpu.memory_space<semaphore_mem>>) src(%dma_wait3A_75 : memref<10240x128xf32, #tpu.memory_space<hbm>>) dst(%arg7 : memref<400x128xf32, #tpu.memory_space<vmem>>)
    %add3A_76 = arith.constant 2000 : i32
    %add3A_77 = arith.addi %mul3A_2, %add3A_76 : i32
    "tpu.region"() ({
      %run_scoped3A = tpu.sem_alloc : memref<!tpu.dma_semaphore, #tpu.memory_space<semaphore_mem>>
      %dma_start3A_97 = arith.constant 0 : i32
      %dma_start3A_98 = tpu.memref_slice %arg4[%add3A_77, %dma_start3A_97] : memref<102400x128xf32, #tpu.memory_space<hbm>> -> memref<400x128xf32, #tpu.memory_space<hbm>>
      %dma_start3A_99 = arith.constant 0 : i32
      %dma_start3A_100 = tpu.memref_slice %arg4[%add3A_77, %dma_start3A_99] : memref<102400x128xf32, #tpu.memory_space<hbm>> -> memref<400x128xf32, #tpu.memory_space<hbm>>
      tpu.enqueue_dma source(%arg7 : memref<400x128xf32, #tpu.memory_space<vmem>>) target(%dma_start3A_100 : memref<400x128xf32, #tpu.memory_space<hbm>>) target_semaphore(%run_scoped3A : memref<!tpu.dma_semaphore, #tpu.memory_space<semaphore_mem>>)
      %dma_wait3A_101 = arith.constant 0 : i32
      %dma_wait3A_102 = tpu.memref_slice %arg4[%add3A_77, %dma_wait3A_101] : memref<102400x128xf32, #tpu.memory_space<hbm>> -> memref<400x128xf32, #tpu.memory_space<hbm>>
      %dma_wait3A_103 = arith.constant 0 : i32
      %dma_wait3A_104 = tpu.memref_slice %arg4[%add3A_77, %dma_wait3A_103] : memref<102400x128xf32, #tpu.memory_space<hbm>> -> memref<400x128xf32, #tpu.memory_space<hbm>>
      tpu.wait_dma2 semaphore(%run_scoped3A : memref<!tpu.dma_semaphore, #tpu.memory_space<semaphore_mem>>) src(%arg7 : memref<400x128xf32, #tpu.memory_space<vmem>>) dst(%dma_wait3A_104 : memref<400x128xf32, #tpu.memory_space<hbm>>)
      tpu.yield
    }) : () -> ()
    %dma_start3A_78 = arith.constant 2800 : i32
    %dma_start3A_79 = tpu.memref_slice %arg5[%dma_start3A_78] : memref<3200xi32, #tpu.memory_space<vmem>> -> memref<400xi32, #tpu.memory_space<vmem>>
    %dma_start3A_80 = arith.constant 0 : i32
    %dma_start3A_81 = arith.constant 0 : i32
    %dma_start3A_82 = tpu.memref_slice %arg2[%dma_start3A_80, %dma_start3A_81] : memref<10240x128xf32, #tpu.memory_space<hbm>> -> memref<10240x128xf32, #tpu.memory_space<hbm>>
    tpu.enqueue_indirect_dma source(%dma_start3A_82 : memref<10240x128xf32, #tpu.memory_space<hbm>>) target(%arg7 : memref<400x128xf32, #tpu.memory_space<vmem>>) offsets(%dma_start3A_79 : memref<400xi32, #tpu.memory_space<vmem>>) semaphore(%arg9 : memref<!tpu.dma_semaphore, #tpu.memory_space<semaphore_mem>>)
    %dma_wait3A_83 = arith.constant 2400 : i32
    %dma_wait3A_84 = tpu.memref_slice %arg5[%dma_wait3A_83] : memref<3200xi32, #tpu.memory_space<vmem>> -> memref<400xi32, #tpu.memory_space<vmem>>
    %dma_wait3A_85 = arith.constant 0 : i32
    %dma_wait3A_86 = arith.constant 0 : i32
    %dma_wait3A_87 = tpu.memref_slice %arg2[%dma_wait3A_85, %dma_wait3A_86] : memref<10240x128xf32, #tpu.memory_space<hbm>> -> memref<10240x128xf32, #tpu.memory_space<hbm>>
    tpu.wait_indirect_dma semaphore(%arg8 : memref<!tpu.dma_semaphore, #tpu.memory_space<semaphore_mem>>) src(%dma_wait3A_87 : memref<10240x128xf32, #tpu.memory_space<hbm>>) dst(%arg6 : memref<400x128xf32, #tpu.memory_space<vmem>>)
    %add3A_88 = arith.constant 2400 : i32
    %add3A_89 = arith.addi %mul3A_2, %add3A_88 : i32
    "tpu.region"() ({
      %run_scoped3A = tpu.sem_alloc : memref<!tpu.dma_semaphore, #tpu.memory_space<semaphore_mem>>
      %dma_start3A_97 = arith.constant 0 : i32
      %dma_start3A_98 = tpu.memref_slice %arg4[%add3A_89, %dma_start3A_97] : memref<102400x128xf32, #tpu.memory_space<hbm>> -> memref<400x128xf32, #tpu.memory_space<hbm>>
      %dma_start3A_99 = arith.constant 0 : i32
      %dma_start3A_100 = tpu.memref_slice %arg4[%add3A_89, %dma_start3A_99] : memref<102400x128xf32, #tpu.memory_space<hbm>> -> memref<400x128xf32, #tpu.memory_space<hbm>>
      tpu.enqueue_dma source(%arg6 : memref<400x128xf32, #tpu.memory_space<vmem>>) target(%dma_start3A_100 : memref<400x128xf32, #tpu.memory_space<hbm>>) target_semaphore(%run_scoped3A : memref<!tpu.dma_semaphore, #tpu.memory_space<semaphore_mem>>)
      %dma_wait3A_101 = arith.constant 0 : i32
      %dma_wait3A_102 = tpu.memref_slice %arg4[%add3A_89, %dma_wait3A_101] : memref<102400x128xf32, #tpu.memory_space<hbm>> -> memref<400x128xf32, #tpu.memory_space<hbm>>
      %dma_wait3A_103 = arith.constant 0 : i32
      %dma_wait3A_104 = tpu.memref_slice %arg4[%add3A_89, %dma_wait3A_103] : memref<102400x128xf32, #tpu.memory_space<hbm>> -> memref<400x128xf32, #tpu.memory_space<hbm>>
      tpu.wait_dma2 semaphore(%run_scoped3A : memref<!tpu.dma_semaphore, #tpu.memory_space<semaphore_mem>>) src(%arg6 : memref<400x128xf32, #tpu.memory_space<vmem>>) dst(%dma_wait3A_104 : memref<400x128xf32, #tpu.memory_space<hbm>>)
      tpu.yield
    }) : () -> ()
    %dma_wait3A_90 = arith.constant 2800 : i32
    %dma_wait3A_91 = tpu.memref_slice %arg5[%dma_wait3A_90] : memref<3200xi32, #tpu.memory_space<vmem>> -> memref<400xi32, #tpu.memory_space<vmem>>
    %dma_wait3A_92 = arith.constant 0 : i32
    %dma_wait3A_93 = arith.constant 0 : i32
    %dma_wait3A_94 = tpu.memref_slice %arg2[%dma_wait3A_92, %dma_wait3A_93] : memref<10240x128xf32, #tpu.memory_space<hbm>> -> memref<10240x128xf32, #tpu.memory_space<hbm>>
    tpu.wait_indirect_dma semaphore(%arg9 : memref<!tpu.dma_semaphore, #tpu.memory_space<semaphore_mem>>) src(%dma_wait3A_94 : memref<10240x128xf32, #tpu.memory_space<hbm>>) dst(%arg7 : memref<400x128xf32, #tpu.memory_space<vmem>>)
    %add3A_95 = arith.constant 2800 : i32
    %add3A_96 = arith.addi %mul3A_2, %add3A_95 : i32
    "tpu.region"() ({
      %run_scoped3A = tpu.sem_alloc : memref<!tpu.dma_semaphore, #tpu.memory_space<semaphore_mem>>
      %dma_start3A_97 = arith.constant 0 : i32
      %dma_start3A_98 = tpu.memref_slice %arg4[%add3A_96, %dma_start3A_97] : memref<102400x128xf32, #tpu.memory_space<hbm>> -> memref<400x128xf32, #tpu.memory_space<hbm>>
      %dma_start3A_99 = arith.constant 0 : i32
      %dma_start3A_100 = tpu.memref_slice %arg4[%add3A_96, %dma_start3A_99] : memref<102400x128xf32, #tpu.memory_space<hbm>> -> memref<400x128xf32, #tpu.memory_space<hbm>>
      tpu.enqueue_dma source(%arg7 : memref<400x128xf32, #tpu.memory_space<vmem>>) target(%dma_start3A_100 : memref<400x128xf32, #tpu.memory_space<hbm>>) target_semaphore(%run_scoped3A : memref<!tpu.dma_semaphore, #tpu.memory_space<semaphore_mem>>)
      %dma_wait3A_101 = arith.constant 0 : i32
      %dma_wait3A_102 = tpu.memref_slice %arg4[%add3A_96, %dma_wait3A_101] : memref<102400x128xf32, #tpu.memory_space<hbm>> -> memref<400x128xf32, #tpu.memory_space<hbm>>
      %dma_wait3A_103 = arith.constant 0 : i32
      %dma_wait3A_104 = tpu.memref_slice %arg4[%add3A_96, %dma_wait3A_103] : memref<102400x128xf32, #tpu.memory_space<hbm>> -> memref<400x128xf32, #tpu.memory_space<hbm>>
      tpu.wait_dma2 semaphore(%run_scoped3A : memref<!tpu.dma_semaphore, #tpu.memory_space<semaphore_mem>>) src(%arg7 : memref<400x128xf32, #tpu.memory_space<vmem>>) dst(%dma_wait3A_104 : memref<400x128xf32, #tpu.memory_space<hbm>>)
      tpu.yield
    }) : () -> ()
    return
  }
}

#map = affine_map<(d0, d1) -> (0, 0)>
#map1 = affine_map<(d0, d1) -> (0)>
module attributes {stable_mosaic.version = 14 : i64} {
  func.func @gk(%arg0: i32, %arg1: i32, %arg2: memref<10240x128xf32, #tpu.memory_space<hbm>>, %arg3: memref<102400xi32, #tpu.memory_space<hbm>>, %arg4: memref<102400x128xf32, #tpu.memory_space<hbm>>, %arg5: memref<3200xi32, #tpu.memory_space<vmem>>, %arg6: memref<400x128xf32, #tpu.memory_space<vmem>>, %arg7: memref<400x128xf32, #tpu.memory_space<vmem>>, %arg8: memref<!tpu.dma_semaphore, #tpu.memory_space<semaphore_mem>>, %arg9: memref<!tpu.dma_semaphore, #tpu.memory_space<semaphore_mem>>) attributes {dimension_semantics = [#tpu.dimension_semantics<core_parallel>, #tpu.dimension_semantics<subcore_parallel>], iteration_bounds = array<i64: 2, 16>, scalar_prefetch = 0 : i64, scratch_operands = 5 : i64, tpu.core_type = #tpu.core_type<sc_vector_subcore>, window_params = [{transform_indices = #map}, {transform_indices = #map1}, {transform_indices = #map}]} {
    %mul3A = arith.constant 2 : i32
    %mul3A_0 = arith.muli %arg1, %mul3A : i32
    %add3A = arith.addi %mul3A_0, %arg0 : i32
    %mul3A_1 = arith.constant 3200 : i32
    %mul3A_2 = arith.muli %add3A, %mul3A_1 : i32
    "tpu.region"() ({
      %run_scoped3A = tpu.sem_alloc : memref<!tpu.dma_semaphore, #tpu.memory_space<semaphore_mem>>
      %dma_start3A_97 = tpu.memref_slice %arg3[%mul3A_2] : memref<102400xi32, #tpu.memory_space<hbm>> -> memref<3200xi32, #tpu.memory_space<hbm>>
      %dma_start3A_98 = tpu.memref_slice %arg3[%mul3A_2] : memref<102400xi32, #tpu.memory_space<hbm>> -> memref<3200xi32, #tpu.memory_space<hbm>>
      tpu.enqueue_dma source(%dma_start3A_98 : memref<3200xi32, #tpu.memory_space<hbm>>) target(%arg5 : memref<3200xi32, #tpu.memory_space<vmem>>) target_semaphore(%run_scoped3A : memref<!tpu.dma_semaphore, #tpu.memory_space<semaphore_mem>>)
      %dma_wait3A_99 = tpu.memref_slice %arg3[%mul3A_2] : memref<102400xi32, #tpu.memory_space<hbm>> -> memref<3200xi32, #tpu.memory_space<hbm>>
      %dma_wait3A_100 = tpu.memref_slice %arg3[%mul3A_2] : memref<102400xi32, #tpu.memory_space<hbm>> -> memref<3200xi32, #tpu.memory_space<hbm>>
      tpu.wait_dma2 semaphore(%run_scoped3A : memref<!tpu.dma_semaphore, #tpu.memory_space<semaphore_mem>>) src(%dma_wait3A_100 : memref<3200xi32, #tpu.memory_space<hbm>>) dst(%arg5 : memref<3200xi32, #tpu.memory_space<vmem>>)
      tpu.yield
    }) : () -> ()
    %dma_start3A = arith.constant 0 : i32
    %dma_start3A_3 = tpu.memref_slice %arg5[%dma_start3A] : memref<3200xi32, #tpu.memory_space<vmem>> -> memref<400xi32, #tpu.memory_space<vmem>>
    %dma_start3A_4 = arith.constant 0 : i32
    %dma_start3A_5 = arith.constant 0 : i32
    %dma_start3A_6 = tpu.memref_slice %arg2[%dma_start3A_4, %dma_start3A_5] : memref<10240x128xf32, #tpu.memory_space<hbm>> -> memref<10240x128xf32, #tpu.memory_space<hbm>>
    tpu.enqueue_indirect_dma source(%dma_start3A_6 : memref<10240x128xf32, #tpu.memory_space<hbm>>) target(%arg6 : memref<400x128xf32, #tpu.memory_space<vmem>>) offsets(%dma_start3A_3 : memref<400xi32, #tpu.memory_space<vmem>>) semaphore(%arg8 : memref<!tpu.dma_semaphore, #tpu.memory_space<semaphore_mem>>)
    %dma_start3A_7 = arith.constant 400 : i32
    %dma_start3A_8 = tpu.memref_slice %arg5[%dma_start3A_7] : memref<3200xi32, #tpu.memory_space<vmem>> -> memref<400xi32, #tpu.memory_space<vmem>>
    %dma_start3A_9 = arith.constant 0 : i32
    %dma_start3A_10 = arith.constant 0 : i32
    %dma_start3A_11 = tpu.memref_slice %arg2[%dma_start3A_9, %dma_start3A_10] : memref<10240x128xf32, #tpu.memory_space<hbm>> -> memref<10240x128xf32, #tpu.memory_space<hbm>>
    tpu.enqueue_indirect_dma source(%dma_start3A_11 : memref<10240x128xf32, #tpu.memory_space<hbm>>) target(%arg7 : memref<400x128xf32, #tpu.memory_space<vmem>>) offsets(%dma_start3A_8 : memref<400xi32, #tpu.memory_space<vmem>>) semaphore(%arg9 : memref<!tpu.dma_semaphore, #tpu.memory_space<semaphore_mem>>)
    %dma_wait3A = arith.constant 0 : i32
    %dma_wait3A_12 = tpu.memref_slice %arg5[%dma_wait3A] : memref<3200xi32, #tpu.memory_space<vmem>> -> memref<400xi32, #tpu.memory_space<vmem>>
    %dma_wait3A_13 = arith.constant 0 : i32
    %dma_wait3A_14 = arith.constant 0 : i32
    %dma_wait3A_15 = tpu.memref_slice %arg2[%dma_wait3A_13, %dma_wait3A_14] : memref<10240x128xf32, #tpu.memory_space<hbm>> -> memref<10240x128xf32, #tpu.memory_space<hbm>>
    tpu.wait_indirect_dma semaphore(%arg8 : memref<!tpu.dma_semaphore, #tpu.memory_space<semaphore_mem>>) src(%dma_wait3A_15 : memref<10240x128xf32, #tpu.memory_space<hbm>>) dst(%arg6 : memref<400x128xf32, #tpu.memory_space<vmem>>)
    %add3A_16 = arith.constant 0 : i32
    %add3A_17 = arith.addi %mul3A_2, %add3A_16 : i32
    "tpu.region"() ({
      %run_scoped3A = tpu.sem_alloc : memref<!tpu.dma_semaphore, #tpu.memory_space<semaphore_mem>>
      %dma_start3A_97 = arith.constant 0 : i32
      %dma_start3A_98 = tpu.memref_slice %arg4[%add3A_17, %dma_start3A_97] : memref<102400x128xf32, #tpu.memory_space<hbm>> -> memref<400x128xf32, #tpu.memory_space<hbm>>
      %dma_start3A_99 = arith.constant 0 : i32
      %dma_start3A_100 = tpu.memref_slice %arg4[%add3A_17, %dma_start3A_99] : memref<102400x128xf32, #tpu.memory_space<hbm>> -> memref<400x128xf32, #tpu.memory_space<hbm>>
      tpu.enqueue_dma source(%arg6 : memref<400x128xf32, #tpu.memory_space<vmem>>) target(%dma_start3A_100 : memref<400x128xf32, #tpu.memory_space<hbm>>) target_semaphore(%run_scoped3A : memref<!tpu.dma_semaphore, #tpu.memory_space<semaphore_mem>>)
      %dma_wait3A_101 = arith.constant 0 : i32
      %dma_wait3A_102 = tpu.memref_slice %arg4[%add3A_17, %dma_wait3A_101] : memref<102400x128xf32, #tpu.memory_space<hbm>> -> memref<400x128xf32, #tpu.memory_space<hbm>>
      %dma_wait3A_103 = arith.constant 0 : i32
      %dma_wait3A_104 = tpu.memref_slice %arg4[%add3A_17, %dma_wait3A_103] : memref<102400x128xf32, #tpu.memory_space<hbm>> -> memref<400x128xf32, #tpu.memory_space<hbm>>
      tpu.wait_dma2 semaphore(%run_scoped3A : memref<!tpu.dma_semaphore, #tpu.memory_space<semaphore_mem>>) src(%arg6 : memref<400x128xf32, #tpu.memory_space<vmem>>) dst(%dma_wait3A_104 : memref<400x128xf32, #tpu.memory_space<hbm>>)
      tpu.yield
    }) : () -> ()
    %dma_start3A_18 = arith.constant 800 : i32
    %dma_start3A_19 = tpu.memref_slice %arg5[%dma_start3A_18] : memref<3200xi32, #tpu.memory_space<vmem>> -> memref<400xi32, #tpu.memory_space<vmem>>
    %dma_start3A_20 = arith.constant 0 : i32
    %dma_start3A_21 = arith.constant 0 : i32
    %dma_start3A_22 = tpu.memref_slice %arg2[%dma_start3A_20, %dma_start3A_21] : memref<10240x128xf32, #tpu.memory_space<hbm>> -> memref<10240x128xf32, #tpu.memory_space<hbm>>
    tpu.enqueue_indirect_dma source(%dma_start3A_22 : memref<10240x128xf32, #tpu.memory_space<hbm>>) target(%arg6 : memref<400x128xf32, #tpu.memory_space<vmem>>) offsets(%dma_start3A_19 : memref<400xi32, #tpu.memory_space<vmem>>) semaphore(%arg8 : memref<!tpu.dma_semaphore, #tpu.memory_space<semaphore_mem>>)
    %dma_wait3A_23 = arith.constant 400 : i32
    %dma_wait3A_24 = tpu.memref_slice %arg5[%dma_wait3A_23] : memref<3200xi32, #tpu.memory_space<vmem>> -> memref<400xi32, #tpu.memory_space<vmem>>
    %dma_wait3A_25 = arith.constant 0 : i32
    %dma_wait3A_26 = arith.constant 0 : i32
    %dma_wait3A_27 = tpu.memref_slice %arg2[%dma_wait3A_25, %dma_wait3A_26] : memref<10240x128xf32, #tpu.memory_space<hbm>> -> memref<10240x128xf32, #tpu.memory_space<hbm>>
    tpu.wait_indirect_dma semaphore(%arg9 : memref<!tpu.dma_semaphore, #tpu.memory_space<semaphore_mem>>) src(%dma_wait3A_27 : memref<10240x128xf32, #tpu.memory_space<hbm>>) dst(%arg7 : memref<400x128xf32, #tpu.memory_space<vmem>>)
    %add3A_28 = arith.constant 400 : i32
    %add3A_29 = arith.addi %mul3A_2, %add3A_28 : i32
    "tpu.region"() ({
      %run_scoped3A = tpu.sem_alloc : memref<!tpu.dma_semaphore, #tpu.memory_space<semaphore_mem>>
      %dma_start3A_97 = arith.constant 0 : i32
      %dma_start3A_98 = tpu.memref_slice %arg4[%add3A_29, %dma_start3A_97] : memref<102400x128xf32, #tpu.memory_space<hbm>> -> memref<400x128xf32, #tpu.memory_space<hbm>>
      %dma_start3A_99 = arith.constant 0 : i32
      %dma_start3A_100 = tpu.memref_slice %arg4[%add3A_29, %dma_start3A_99] : memref<102400x128xf32, #tpu.memory_space<hbm>> -> memref<400x128xf32, #tpu.memory_space<hbm>>
      tpu.enqueue_dma source(%arg7 : memref<400x128xf32, #tpu.memory_space<vmem>>) target(%dma_start3A_100 : memref<400x128xf32, #tpu.memory_space<hbm>>) target_semaphore(%run_scoped3A : memref<!tpu.dma_semaphore, #tpu.memory_space<semaphore_mem>>)
      %dma_wait3A_101 = arith.constant 0 : i32
      %dma_wait3A_102 = tpu.memref_slice %arg4[%add3A_29, %dma_wait3A_101] : memref<102400x128xf32, #tpu.memory_space<hbm>> -> memref<400x128xf32, #tpu.memory_space<hbm>>
      %dma_wait3A_103 = arith.constant 0 : i32
      %dma_wait3A_104 = tpu.memref_slice %arg4[%add3A_29, %dma_wait3A_103] : memref<102400x128xf32, #tpu.memory_space<hbm>> -> memref<400x128xf32, #tpu.memory_space<hbm>>
      tpu.wait_dma2 semaphore(%run_scoped3A : memref<!tpu.dma_semaphore, #tpu.memory_space<semaphore_mem>>) src(%arg7 : memref<400x128xf32, #tpu.memory_space<vmem>>) dst(%dma_wait3A_104 : memref<400x128xf32, #tpu.memory_space<hbm>>)
      tpu.yield
    }) : () -> ()
    %dma_start3A_30 = arith.constant 1200 : i32
    %dma_start3A_31 = tpu.memref_slice %arg5[%dma_start3A_30] : memref<3200xi32, #tpu.memory_space<vmem>> -> memref<400xi32, #tpu.memory_space<vmem>>
    %dma_start3A_32 = arith.constant 0 : i32
    %dma_start3A_33 = arith.constant 0 : i32
    %dma_start3A_34 = tpu.memref_slice %arg2[%dma_start3A_32, %dma_start3A_33] : memref<10240x128xf32, #tpu.memory_space<hbm>> -> memref<10240x128xf32, #tpu.memory_space<hbm>>
    tpu.enqueue_indirect_dma source(%dma_start3A_34 : memref<10240x128xf32, #tpu.memory_space<hbm>>) target(%arg7 : memref<400x128xf32, #tpu.memory_space<vmem>>) offsets(%dma_start3A_31 : memref<400xi32, #tpu.memory_space<vmem>>) semaphore(%arg9 : memref<!tpu.dma_semaphore, #tpu.memory_space<semaphore_mem>>)
    %dma_wait3A_35 = arith.constant 800 : i32
    %dma_wait3A_36 = tpu.memref_slice %arg5[%dma_wait3A_35] : memref<3200xi32, #tpu.memory_space<vmem>> -> memref<400xi32, #tpu.memory_space<vmem>>
    %dma_wait3A_37 = arith.constant 0 : i32
    %dma_wait3A_38 = arith.constant 0 : i32
    %dma_wait3A_39 = tpu.memref_slice %arg2[%dma_wait3A_37, %dma_wait3A_38] : memref<10240x128xf32, #tpu.memory_space<hbm>> -> memref<10240x128xf32, #tpu.memory_space<hbm>>
    tpu.wait_indirect_dma semaphore(%arg8 : memref<!tpu.dma_semaphore, #tpu.memory_space<semaphore_mem>>) src(%dma_wait3A_39 : memref<10240x128xf32, #tpu.memory_space<hbm>>) dst(%arg6 : memref<400x128xf32, #tpu.memory_space<vmem>>)
    %add3A_40 = arith.constant 800 : i32
    %add3A_41 = arith.addi %mul3A_2, %add3A_40 : i32
    "tpu.region"() ({
      %run_scoped3A = tpu.sem_alloc : memref<!tpu.dma_semaphore, #tpu.memory_space<semaphore_mem>>
      %dma_start3A_97 = arith.constant 0 : i32
      %dma_start3A_98 = tpu.memref_slice %arg4[%add3A_41, %dma_start3A_97] : memref<102400x128xf32, #tpu.memory_space<hbm>> -> memref<400x128xf32, #tpu.memory_space<hbm>>
      %dma_start3A_99 = arith.constant 0 : i32
      %dma_start3A_100 = tpu.memref_slice %arg4[%add3A_41, %dma_start3A_99] : memref<102400x128xf32, #tpu.memory_space<hbm>> -> memref<400x128xf32, #tpu.memory_space<hbm>>
      tpu.enqueue_dma source(%arg6 : memref<400x128xf32, #tpu.memory_space<vmem>>) target(%dma_start3A_100 : memref<400x128xf32, #tpu.memory_space<hbm>>) target_semaphore(%run_scoped3A : memref<!tpu.dma_semaphore, #tpu.memory_space<semaphore_mem>>)
      %dma_wait3A_101 = arith.constant 0 : i32
      %dma_wait3A_102 = tpu.memref_slice %arg4[%add3A_41, %dma_wait3A_101] : memref<102400x128xf32, #tpu.memory_space<hbm>> -> memref<400x128xf32, #tpu.memory_space<hbm>>
      %dma_wait3A_103 = arith.constant 0 : i32
      %dma_wait3A_104 = tpu.memref_slice %arg4[%add3A_41, %dma_wait3A_103] : memref<102400x128xf32, #tpu.memory_space<hbm>> -> memref<400x128xf32, #tpu.memory_space<hbm>>
      tpu.wait_dma2 semaphore(%run_scoped3A : memref<!tpu.dma_semaphore, #tpu.memory_space<semaphore_mem>>) src(%arg6 : memref<400x128xf32, #tpu.memory_space<vmem>>) dst(%dma_wait3A_104 : memref<400x128xf32, #tpu.memory_space<hbm>>)
      tpu.yield
    }) : () -> ()
    %dma_start3A_42 = arith.constant 1600 : i32
    %dma_start3A_43 = tpu.memref_slice %arg5[%dma_start3A_42] : memref<3200xi32, #tpu.memory_space<vmem>> -> memref<400xi32, #tpu.memory_space<vmem>>
    %dma_start3A_44 = arith.constant 0 : i32
    %dma_start3A_45 = arith.constant 0 : i32
    %dma_start3A_46 = tpu.memref_slice %arg2[%dma_start3A_44, %dma_start3A_45] : memref<10240x128xf32, #tpu.memory_space<hbm>> -> memref<10240x128xf32, #tpu.memory_space<hbm>>
    tpu.enqueue_indirect_dma source(%dma_start3A_46 : memref<10240x128xf32, #tpu.memory_space<hbm>>) target(%arg6 : memref<400x128xf32, #tpu.memory_space<vmem>>) offsets(%dma_start3A_43 : memref<400xi32, #tpu.memory_space<vmem>>) semaphore(%arg8 : memref<!tpu.dma_semaphore, #tpu.memory_space<semaphore_mem>>)
    %dma_wait3A_47 = arith.constant 1200 : i32
    %dma_wait3A_48 = tpu.memref_slice %arg5[%dma_wait3A_47] : memref<3200xi32, #tpu.memory_space<vmem>> -> memref<400xi32, #tpu.memory_space<vmem>>
    %dma_wait3A_49 = arith.constant 0 : i32
    %dma_wait3A_50 = arith.constant 0 : i32
    %dma_wait3A_51 = tpu.memref_slice %arg2[%dma_wait3A_49, %dma_wait3A_50] : memref<10240x128xf32, #tpu.memory_space<hbm>> -> memref<10240x128xf32, #tpu.memory_space<hbm>>
    tpu.wait_indirect_dma semaphore(%arg9 : memref<!tpu.dma_semaphore, #tpu.memory_space<semaphore_mem>>) src(%dma_wait3A_51 : memref<10240x128xf32, #tpu.memory_space<hbm>>) dst(%arg7 : memref<400x128xf32, #tpu.memory_space<vmem>>)
    %add3A_52 = arith.constant 1200 : i32
    %add3A_53 = arith.addi %mul3A_2, %add3A_52 : i32
    "tpu.region"() ({
      %run_scoped3A = tpu.sem_alloc : memref<!tpu.dma_semaphore, #tpu.memory_space<semaphore_mem>>
      %dma_start3A_97 = arith.constant 0 : i32
      %dma_start3A_98 = tpu.memref_slice %arg4[%add3A_53, %dma_start3A_97] : memref<102400x128xf32, #tpu.memory_space<hbm>> -> memref<400x128xf32, #tpu.memory_space<hbm>>
      %dma_start3A_99 = arith.constant 0 : i32
      %dma_start3A_100 = tpu.memref_slice %arg4[%add3A_53, %dma_start3A_99] : memref<102400x128xf32, #tpu.memory_space<hbm>> -> memref<400x128xf32, #tpu.memory_space<hbm>>
      tpu.enqueue_dma source(%arg7 : memref<400x128xf32, #tpu.memory_space<vmem>>) target(%dma_start3A_100 : memref<400x128xf32, #tpu.memory_space<hbm>>) target_semaphore(%run_scoped3A : memref<!tpu.dma_semaphore, #tpu.memory_space<semaphore_mem>>)
      %dma_wait3A_101 = arith.constant 0 : i32
      %dma_wait3A_102 = tpu.memref_slice %arg4[%add3A_53, %dma_wait3A_101] : memref<102400x128xf32, #tpu.memory_space<hbm>> -> memref<400x128xf32, #tpu.memory_space<hbm>>
      %dma_wait3A_103 = arith.constant 0 : i32
      %dma_wait3A_104 = tpu.memref_slice %arg4[%add3A_53, %dma_wait3A_103] : memref<102400x128xf32, #tpu.memory_space<hbm>> -> memref<400x128xf32, #tpu.memory_space<hbm>>
      tpu.wait_dma2 semaphore(%run_scoped3A : memref<!tpu.dma_semaphore, #tpu.memory_space<semaphore_mem>>) src(%arg7 : memref<400x128xf32, #tpu.memory_space<vmem>>) dst(%dma_wait3A_104 : memref<400x128xf32, #tpu.memory_space<hbm>>)
      tpu.yield
    }) : () -> ()
    %dma_start3A_54 = arith.constant 2000 : i32
    %dma_start3A_55 = tpu.memref_slice %arg5[%dma_start3A_54] : memref<3200xi32, #tpu.memory_space<vmem>> -> memref<400xi32, #tpu.memory_space<vmem>>
    %dma_start3A_56 = arith.constant 0 : i32
    %dma_start3A_57 = arith.constant 0 : i32
    %dma_start3A_58 = tpu.memref_slice %arg2[%dma_start3A_56, %dma_start3A_57] : memref<10240x128xf32, #tpu.memory_space<hbm>> -> memref<10240x128xf32, #tpu.memory_space<hbm>>
    tpu.enqueue_indirect_dma source(%dma_start3A_58 : memref<10240x128xf32, #tpu.memory_space<hbm>>) target(%arg7 : memref<400x128xf32, #tpu.memory_space<vmem>>) offsets(%dma_start3A_55 : memref<400xi32, #tpu.memory_space<vmem>>) semaphore(%arg9 : memref<!tpu.dma_semaphore, #tpu.memory_space<semaphore_mem>>)
    %dma_wait3A_59 = arith.constant 1600 : i32
    %dma_wait3A_60 = tpu.memref_slice %arg5[%dma_wait3A_59] : memref<3200xi32, #tpu.memory_space<vmem>> -> memref<400xi32, #tpu.memory_space<vmem>>
    %dma_wait3A_61 = arith.constant 0 : i32
    %dma_wait3A_62 = arith.constant 0 : i32
    %dma_wait3A_63 = tpu.memref_slice %arg2[%dma_wait3A_61, %dma_wait3A_62] : memref<10240x128xf32, #tpu.memory_space<hbm>> -> memref<10240x128xf32, #tpu.memory_space<hbm>>
    tpu.wait_indirect_dma semaphore(%arg8 : memref<!tpu.dma_semaphore, #tpu.memory_space<semaphore_mem>>) src(%dma_wait3A_63 : memref<10240x128xf32, #tpu.memory_space<hbm>>) dst(%arg6 : memref<400x128xf32, #tpu.memory_space<vmem>>)
    %add3A_64 = arith.constant 1600 : i32
    %add3A_65 = arith.addi %mul3A_2, %add3A_64 : i32
    "tpu.region"() ({
      %run_scoped3A = tpu.sem_alloc : memref<!tpu.dma_semaphore, #tpu.memory_space<semaphore_mem>>
      %dma_start3A_97 = arith.constant 0 : i32
      %dma_start3A_98 = tpu.memref_slice %arg4[%add3A_65, %dma_start3A_97] : memref<102400x128xf32, #tpu.memory_space<hbm>> -> memref<400x128xf32, #tpu.memory_space<hbm>>
      %dma_start3A_99 = arith.constant 0 : i32
      %dma_start3A_100 = tpu.memref_slice %arg4[%add3A_65, %dma_start3A_99] : memref<102400x128xf32, #tpu.memory_space<hbm>> -> memref<400x128xf32, #tpu.memory_space<hbm>>
      tpu.enqueue_dma source(%arg6 : memref<400x128xf32, #tpu.memory_space<vmem>>) target(%dma_start3A_100 : memref<400x128xf32, #tpu.memory_space<hbm>>) target_semaphore(%run_scoped3A : memref<!tpu.dma_semaphore, #tpu.memory_space<semaphore_mem>>)
      %dma_wait3A_101 = arith.constant 0 : i32
      %dma_wait3A_102 = tpu.memref_slice %arg4[%add3A_65, %dma_wait3A_101] : memref<102400x128xf32, #tpu.memory_space<hbm>> -> memref<400x128xf32, #tpu.memory_space<hbm>>
      %dma_wait3A_103 = arith.constant 0 : i32
      %dma_wait3A_104 = tpu.memref_slice %arg4[%add3A_65, %dma_wait3A_103] : memref<102400x128xf32, #tpu.memory_space<hbm>> -> memref<400x128xf32, #tpu.memory_space<hbm>>
      tpu.wait_dma2 semaphore(%run_scoped3A : memref<!tpu.dma_semaphore, #tpu.memory_space<semaphore_mem>>) src(%arg6 : memref<400x128xf32, #tpu.memory_space<vmem>>) dst(%dma_wait3A_104 : memref<400x128xf32, #tpu.memory_space<hbm>>)
      tpu.yield
    }) : () -> ()
    %dma_start3A_66 = arith.constant 2400 : i32
    %dma_start3A_67 = tpu.memref_slice %arg5[%dma_start3A_66] : memref<3200xi32, #tpu.memory_space<vmem>> -> memref<400xi32, #tpu.memory_space<vmem>>
    %dma_start3A_68 = arith.constant 0 : i32
    %dma_start3A_69 = arith.constant 0 : i32
    %dma_start3A_70 = tpu.memref_slice %arg2[%dma_start3A_68, %dma_start3A_69] : memref<10240x128xf32, #tpu.memory_space<hbm>> -> memref<10240x128xf32, #tpu.memory_space<hbm>>
    tpu.enqueue_indirect_dma source(%dma_start3A_70 : memref<10240x128xf32, #tpu.memory_space<hbm>>) target(%arg6 : memref<400x128xf32, #tpu.memory_space<vmem>>) offsets(%dma_start3A_67 : memref<400xi32, #tpu.memory_space<vmem>>) semaphore(%arg8 : memref<!tpu.dma_semaphore, #tpu.memory_space<semaphore_mem>>)
    %dma_wait3A_71 = arith.constant 2000 : i32
    %dma_wait3A_72 = tpu.memref_slice %arg5[%dma_wait3A_71] : memref<3200xi32, #tpu.memory_space<vmem>> -> memref<400xi32, #tpu.memory_space<vmem>>
    %dma_wait3A_73 = arith.constant 0 : i32
    %dma_wait3A_74 = arith.constant 0 : i32
    %dma_wait3A_75 = tpu.memref_slice %arg2[%dma_wait3A_73, %dma_wait3A_74] : memref<10240x128xf32, #tpu.memory_space<hbm>> -> memref<10240x128xf32, #tpu.memory_space<hbm>>
    tpu.wait_indirect_dma semaphore(%arg9 : memref<!tpu.dma_semaphore, #tpu.memory_space<semaphore_mem>>) src(%dma_wait3A_75 : memref<10240x128xf32, #tpu.memory_space<hbm>>) dst(%arg7 : memref<400x128xf32, #tpu.memory_space<vmem>>)
    %add3A_76 = arith.constant 2000 : i32
    %add3A_77 = arith.addi %mul3A_2, %add3A_76 : i32
    "tpu.region"() ({
      %run_scoped3A = tpu.sem_alloc : memref<!tpu.dma_semaphore, #tpu.memory_space<semaphore_mem>>
      %dma_start3A_97 = arith.constant 0 : i32
      %dma_start3A_98 = tpu.memref_slice %arg4[%add3A_77, %dma_start3A_97] : memref<102400x128xf32, #tpu.memory_space<hbm>> -> memref<400x128xf32, #tpu.memory_space<hbm>>
      %dma_start3A_99 = arith.constant 0 : i32
      %dma_start3A_100 = tpu.memref_slice %arg4[%add3A_77, %dma_start3A_99] : memref<102400x128xf32, #tpu.memory_space<hbm>> -> memref<400x128xf32, #tpu.memory_space<hbm>>
      tpu.enqueue_dma source(%arg7 : memref<400x128xf32, #tpu.memory_space<vmem>>) target(%dma_start3A_100 : memref<400x128xf32, #tpu.memory_space<hbm>>) target_semaphore(%run_scoped3A : memref<!tpu.dma_semaphore, #tpu.memory_space<semaphore_mem>>)
      %dma_wait3A_101 = arith.constant 0 : i32
      %dma_wait3A_102 = tpu.memref_slice %arg4[%add3A_77, %dma_wait3A_101] : memref<102400x128xf32, #tpu.memory_space<hbm>> -> memref<400x128xf32, #tpu.memory_space<hbm>>
      %dma_wait3A_103 = arith.constant 0 : i32
      %dma_wait3A_104 = tpu.memref_slice %arg4[%add3A_77, %dma_wait3A_103] : memref<102400x128xf32, #tpu.memory_space<hbm>> -> memref<400x128xf32, #tpu.memory_space<hbm>>
      tpu.wait_dma2 semaphore(%run_scoped3A : memref<!tpu.dma_semaphore, #tpu.memory_space<semaphore_mem>>) src(%arg7 : memref<400x128xf32, #tpu.memory_space<vmem>>) dst(%dma_wait3A_104 : memref<400x128xf32, #tpu.memory_space<hbm>>)
      tpu.yield
    }) : () -> ()
    %dma_start3A_78 = arith.constant 2800 : i32
    %dma_start3A_79 = tpu.memref_slice %arg5[%dma_start3A_78] : memref<3200xi32, #tpu.memory_space<vmem>> -> memref<400xi32, #tpu.memory_space<vmem>>
    %dma_start3A_80 = arith.constant 0 : i32
    %dma_start3A_81 = arith.constant 0 : i32
    %dma_start3A_82 = tpu.memref_slice %arg2[%dma_start3A_80, %dma_start3A_81] : memref<10240x128xf32, #tpu.memory_space<hbm>> -> memref<10240x128xf32, #tpu.memory_space<hbm>>
    tpu.enqueue_indirect_dma source(%dma_start3A_82 : memref<10240x128xf32, #tpu.memory_space<hbm>>) target(%arg7 : memref<400x128xf32, #tpu.memory_space<vmem>>) offsets(%dma_start3A_79 : memref<400xi32, #tpu.memory_space<vmem>>) semaphore(%arg9 : memref<!tpu.dma_semaphore, #tpu.memory_space<semaphore_mem>>)
    %dma_wait3A_83 = arith.constant 2400 : i32
    %dma_wait3A_84 = tpu.memref_slice %arg5[%dma_wait3A_83] : memref<3200xi32, #tpu.memory_space<vmem>> -> memref<400xi32, #tpu.memory_space<vmem>>
    %dma_wait3A_85 = arith.constant 0 : i32
    %dma_wait3A_86 = arith.constant 0 : i32
    %dma_wait3A_87 = tpu.memref_slice %arg2[%dma_wait3A_85, %dma_wait3A_86] : memref<10240x128xf32, #tpu.memory_space<hbm>> -> memref<10240x128xf32, #tpu.memory_space<hbm>>
    tpu.wait_indirect_dma semaphore(%arg8 : memref<!tpu.dma_semaphore, #tpu.memory_space<semaphore_mem>>) src(%dma_wait3A_87 : memref<10240x128xf32, #tpu.memory_space<hbm>>) dst(%arg6 : memref<400x128xf32, #tpu.memory_space<vmem>>)
    %add3A_88 = arith.constant 2400 : i32
    %add3A_89 = arith.addi %mul3A_2, %add3A_88 : i32
    "tpu.region"() ({
      %run_scoped3A = tpu.sem_alloc : memref<!tpu.dma_semaphore, #tpu.memory_space<semaphore_mem>>
      %dma_start3A_97 = arith.constant 0 : i32
      %dma_start3A_98 = tpu.memref_slice %arg4[%add3A_89, %dma_start3A_97] : memref<102400x128xf32, #tpu.memory_space<hbm>> -> memref<400x128xf32, #tpu.memory_space<hbm>>
      %dma_start3A_99 = arith.constant 0 : i32
      %dma_start3A_100 = tpu.memref_slice %arg4[%add3A_89, %dma_start3A_99] : memref<102400x128xf32, #tpu.memory_space<hbm>> -> memref<400x128xf32, #tpu.memory_space<hbm>>
      tpu.enqueue_dma source(%arg6 : memref<400x128xf32, #tpu.memory_space<vmem>>) target(%dma_start3A_100 : memref<400x128xf32, #tpu.memory_space<hbm>>) target_semaphore(%run_scoped3A : memref<!tpu.dma_semaphore, #tpu.memory_space<semaphore_mem>>)
      %dma_wait3A_101 = arith.constant 0 : i32
      %dma_wait3A_102 = tpu.memref_slice %arg4[%add3A_89, %dma_wait3A_101] : memref<102400x128xf32, #tpu.memory_space<hbm>> -> memref<400x128xf32, #tpu.memory_space<hbm>>
      %dma_wait3A_103 = arith.constant 0 : i32
      %dma_wait3A_104 = tpu.memref_slice %arg4[%add3A_89, %dma_wait3A_103] : memref<102400x128xf32, #tpu.memory_space<hbm>> -> memref<400x128xf32, #tpu.memory_space<hbm>>
      tpu.wait_dma2 semaphore(%run_scoped3A : memref<!tpu.dma_semaphore, #tpu.memory_space<semaphore_mem>>) src(%arg6 : memref<400x128xf32, #tpu.memory_space<vmem>>) dst(%dma_wait3A_104 : memref<400x128xf32, #tpu.memory_space<hbm>>)
      tpu.yield
    }) : () -> ()
    %dma_wait3A_90 = arith.constant 2800 : i32
    %dma_wait3A_91 = tpu.memref_slice %arg5[%dma_wait3A_90] : memref<3200xi32, #tpu.memory_space<vmem>> -> memref<400xi32, #tpu.memory_space<vmem>>
    %dma_wait3A_92 = arith.constant 0 : i32
    %dma_wait3A_93 = arith.constant 0 : i32
    %dma_wait3A_94 = tpu.memref_slice %arg2[%dma_wait3A_92, %dma_wait3A_93] : memref<10240x128xf32, #tpu.memory_space<hbm>> -> memref<10240x128xf32, #tpu.memory_space<hbm>>
    tpu.wait_indirect_dma semaphore(%arg9 : memref<!tpu.dma_semaphore, #tpu.memory_space<semaphore_mem>>) src(%dma_wait3A_94 : memref<10240x128xf32, #tpu.memory_space<hbm>>) dst(%arg7 : memref<400x128xf32, #tpu.memory_space<vmem>>)
    %add3A_95 = arith.constant 2800 : i32
    %add3A_96 = arith.addi %mul3A_2, %add3A_95 : i32
    "tpu.region"() ({
      %run_scoped3A = tpu.sem_alloc : memref<!tpu.dma_semaphore, #tpu.memory_space<semaphore_mem>>
      %dma_start3A_97 = arith.constant 0 : i32
      %dma_start3A_98 = tpu.memref_slice %arg4[%add3A_96, %dma_start3A_97] : memref<102400x128xf32, #tpu.memory_space<hbm>> -> memref<400x128xf32, #tpu.memory_space<hbm>>
      %dma_start3A_99 = arith.constant 0 : i32
      %dma_start3A_100 = tpu.memref_slice %arg4[%add3A_96, %dma_start3A_99] : memref<102400x128xf32, #tpu.memory_space<hbm>> -> memref<400x128xf32, #tpu.memory_space<hbm>>
      tpu.enqueue_dma source(%arg7 : memref<400x128xf32, #tpu.memory_space<vmem>>) target(%dma_start3A_100 : memref<400x128xf32, #tpu.memory_space<hbm>>) target_semaphore(%run_scoped3A : memref<!tpu.dma_semaphore, #tpu.memory_space<semaphore_mem>>)
      %dma_wait3A_101 = arith.constant 0 : i32
      %dma_wait3A_102 = tpu.memref_slice %arg4[%add3A_96, %dma_wait3A_101] : memref<102400x128xf32, #tpu.memory_space<hbm>> -> memref<400x128xf32, #tpu.memory_space<hbm>>
      %dma_wait3A_103 = arith.constant 0 : i32
      %dma_wait3A_104 = tpu.memref_slice %arg4[%add3A_96, %dma_wait3A_103] : memref<102400x128xf32, #tpu.memory_space<hbm>> -> memref<400x128xf32, #tpu.memory_space<hbm>>
      tpu.wait_dma2 semaphore(%run_scoped3A : memref<!tpu.dma_semaphore, #tpu.memory_space<semaphore_mem>>) src(%arg7 : memref<400x128xf32, #tpu.memory_space<vmem>>) dst(%dma_wait3A_104 : memref<400x128xf32, #tpu.memory_space<hbm>>)
      tpu.yield
    }) : () -> ()
    return
  }
}

#map = affine_map<(d0, d1) -> (0, 0)>
#map1 = affine_map<(d0, d1) -> (0)>
module attributes {stable_mosaic.version = 14 : i64} {
  func.func @gk(%arg0: i32, %arg1: i32, %arg2: memref<10240x128xf32, #tpu.memory_space<hbm>>, %arg3: memref<102400xi32, #tpu.memory_space<hbm>>, %arg4: memref<102400x128xf32, #tpu.memory_space<hbm>>, %arg5: memref<3200xi32, #tpu.memory_space<vmem>>, %arg6: memref<400x128xf32, #tpu.memory_space<vmem>>, %arg7: memref<400x128xf32, #tpu.memory_space<vmem>>, %arg8: memref<!tpu.dma_semaphore, #tpu.memory_space<semaphore_mem>>, %arg9: memref<!tpu.dma_semaphore, #tpu.memory_space<semaphore_mem>>) attributes {dimension_semantics = [#tpu.dimension_semantics<core_parallel>, #tpu.dimension_semantics<subcore_parallel>], iteration_bounds = array<i64: 2, 16>, scalar_prefetch = 0 : i64, scratch_operands = 5 : i64, tpu.core_type = #tpu.core_type<sc_vector_subcore>, window_params = [{transform_indices = #map}, {transform_indices = #map1}, {transform_indices = #map}]} {
    %mul3A = arith.constant 2 : i32
    %mul3A_0 = arith.muli %arg1, %mul3A : i32
    %add3A = arith.addi %mul3A_0, %arg0 : i32
    %mul3A_1 = arith.constant 3200 : i32
    %mul3A_2 = arith.muli %add3A, %mul3A_1 : i32
    "tpu.region"() ({
      %run_scoped3A = tpu.sem_alloc : memref<!tpu.dma_semaphore, #tpu.memory_space<semaphore_mem>>
      %dma_start3A_97 = tpu.memref_slice %arg3[%mul3A_2] : memref<102400xi32, #tpu.memory_space<hbm>> -> memref<3200xi32, #tpu.memory_space<hbm>>
      %dma_start3A_98 = tpu.memref_slice %arg3[%mul3A_2] : memref<102400xi32, #tpu.memory_space<hbm>> -> memref<3200xi32, #tpu.memory_space<hbm>>
      tpu.enqueue_dma source(%dma_start3A_98 : memref<3200xi32, #tpu.memory_space<hbm>>) target(%arg5 : memref<3200xi32, #tpu.memory_space<vmem>>) target_semaphore(%run_scoped3A : memref<!tpu.dma_semaphore, #tpu.memory_space<semaphore_mem>>)
      %dma_wait3A_99 = tpu.memref_slice %arg3[%mul3A_2] : memref<102400xi32, #tpu.memory_space<hbm>> -> memref<3200xi32, #tpu.memory_space<hbm>>
      %dma_wait3A_100 = tpu.memref_slice %arg3[%mul3A_2] : memref<102400xi32, #tpu.memory_space<hbm>> -> memref<3200xi32, #tpu.memory_space<hbm>>
      tpu.wait_dma2 semaphore(%run_scoped3A : memref<!tpu.dma_semaphore, #tpu.memory_space<semaphore_mem>>) src(%dma_wait3A_100 : memref<3200xi32, #tpu.memory_space<hbm>>) dst(%arg5 : memref<3200xi32, #tpu.memory_space<vmem>>)
      tpu.yield
    }) : () -> ()
    %dma_start3A = arith.constant 0 : i32
    %dma_start3A_3 = tpu.memref_slice %arg5[%dma_start3A] : memref<3200xi32, #tpu.memory_space<vmem>> -> memref<400xi32, #tpu.memory_space<vmem>>
    %dma_start3A_4 = arith.constant 0 : i32
    %dma_start3A_5 = arith.constant 0 : i32
    %dma_start3A_6 = tpu.memref_slice %arg2[%dma_start3A_4, %dma_start3A_5] : memref<10240x128xf32, #tpu.memory_space<hbm>> -> memref<10240x128xf32, #tpu.memory_space<hbm>>
    tpu.enqueue_indirect_dma source(%dma_start3A_6 : memref<10240x128xf32, #tpu.memory_space<hbm>>) target(%arg6 : memref<400x128xf32, #tpu.memory_space<vmem>>) offsets(%dma_start3A_3 : memref<400xi32, #tpu.memory_space<vmem>>) semaphore(%arg8 : memref<!tpu.dma_semaphore, #tpu.memory_space<semaphore_mem>>)
    %dma_start3A_7 = arith.constant 400 : i32
    %dma_start3A_8 = tpu.memref_slice %arg5[%dma_start3A_7] : memref<3200xi32, #tpu.memory_space<vmem>> -> memref<400xi32, #tpu.memory_space<vmem>>
    %dma_start3A_9 = arith.constant 0 : i32
    %dma_start3A_10 = arith.constant 0 : i32
    %dma_start3A_11 = tpu.memref_slice %arg2[%dma_start3A_9, %dma_start3A_10] : memref<10240x128xf32, #tpu.memory_space<hbm>> -> memref<10240x128xf32, #tpu.memory_space<hbm>>
    tpu.enqueue_indirect_dma source(%dma_start3A_11 : memref<10240x128xf32, #tpu.memory_space<hbm>>) target(%arg7 : memref<400x128xf32, #tpu.memory_space<vmem>>) offsets(%dma_start3A_8 : memref<400xi32, #tpu.memory_space<vmem>>) semaphore(%arg9 : memref<!tpu.dma_semaphore, #tpu.memory_space<semaphore_mem>>)
    %dma_wait3A = arith.constant 0 : i32
    %dma_wait3A_12 = tpu.memref_slice %arg5[%dma_wait3A] : memref<3200xi32, #tpu.memory_space<vmem>> -> memref<400xi32, #tpu.memory_space<vmem>>
    %dma_wait3A_13 = arith.constant 0 : i32
    %dma_wait3A_14 = arith.constant 0 : i32
    %dma_wait3A_15 = tpu.memref_slice %arg2[%dma_wait3A_13, %dma_wait3A_14] : memref<10240x128xf32, #tpu.memory_space<hbm>> -> memref<10240x128xf32, #tpu.memory_space<hbm>>
    tpu.wait_indirect_dma semaphore(%arg8 : memref<!tpu.dma_semaphore, #tpu.memory_space<semaphore_mem>>) src(%dma_wait3A_15 : memref<10240x128xf32, #tpu.memory_space<hbm>>) dst(%arg6 : memref<400x128xf32, #tpu.memory_space<vmem>>)
    %add3A_16 = arith.constant 0 : i32
    %add3A_17 = arith.addi %mul3A_2, %add3A_16 : i32
    "tpu.region"() ({
      %run_scoped3A = tpu.sem_alloc : memref<!tpu.dma_semaphore, #tpu.memory_space<semaphore_mem>>
      %dma_start3A_97 = arith.constant 0 : i32
      %dma_start3A_98 = tpu.memref_slice %arg4[%add3A_17, %dma_start3A_97] : memref<102400x128xf32, #tpu.memory_space<hbm>> -> memref<400x128xf32, #tpu.memory_space<hbm>>
      %dma_start3A_99 = arith.constant 0 : i32
      %dma_start3A_100 = tpu.memref_slice %arg4[%add3A_17, %dma_start3A_99] : memref<102400x128xf32, #tpu.memory_space<hbm>> -> memref<400x128xf32, #tpu.memory_space<hbm>>
      tpu.enqueue_dma source(%arg6 : memref<400x128xf32, #tpu.memory_space<vmem>>) target(%dma_start3A_100 : memref<400x128xf32, #tpu.memory_space<hbm>>) target_semaphore(%run_scoped3A : memref<!tpu.dma_semaphore, #tpu.memory_space<semaphore_mem>>)
      %dma_wait3A_101 = arith.constant 0 : i32
      %dma_wait3A_102 = tpu.memref_slice %arg4[%add3A_17, %dma_wait3A_101] : memref<102400x128xf32, #tpu.memory_space<hbm>> -> memref<400x128xf32, #tpu.memory_space<hbm>>
      %dma_wait3A_103 = arith.constant 0 : i32
      %dma_wait3A_104 = tpu.memref_slice %arg4[%add3A_17, %dma_wait3A_103] : memref<102400x128xf32, #tpu.memory_space<hbm>> -> memref<400x128xf32, #tpu.memory_space<hbm>>
      tpu.wait_dma2 semaphore(%run_scoped3A : memref<!tpu.dma_semaphore, #tpu.memory_space<semaphore_mem>>) src(%arg6 : memref<400x128xf32, #tpu.memory_space<vmem>>) dst(%dma_wait3A_104 : memref<400x128xf32, #tpu.memory_space<hbm>>)
      tpu.yield
    }) : () -> ()
    %dma_start3A_18 = arith.constant 800 : i32
    %dma_start3A_19 = tpu.memref_slice %arg5[%dma_start3A_18] : memref<3200xi32, #tpu.memory_space<vmem>> -> memref<400xi32, #tpu.memory_space<vmem>>
    %dma_start3A_20 = arith.constant 0 : i32
    %dma_start3A_21 = arith.constant 0 : i32
    %dma_start3A_22 = tpu.memref_slice %arg2[%dma_start3A_20, %dma_start3A_21] : memref<10240x128xf32, #tpu.memory_space<hbm>> -> memref<10240x128xf32, #tpu.memory_space<hbm>>
    tpu.enqueue_indirect_dma source(%dma_start3A_22 : memref<10240x128xf32, #tpu.memory_space<hbm>>) target(%arg6 : memref<400x128xf32, #tpu.memory_space<vmem>>) offsets(%dma_start3A_19 : memref<400xi32, #tpu.memory_space<vmem>>) semaphore(%arg8 : memref<!tpu.dma_semaphore, #tpu.memory_space<semaphore_mem>>)
    %dma_wait3A_23 = arith.constant 400 : i32
    %dma_wait3A_24 = tpu.memref_slice %arg5[%dma_wait3A_23] : memref<3200xi32, #tpu.memory_space<vmem>> -> memref<400xi32, #tpu.memory_space<vmem>>
    %dma_wait3A_25 = arith.constant 0 : i32
    %dma_wait3A_26 = arith.constant 0 : i32
    %dma_wait3A_27 = tpu.memref_slice %arg2[%dma_wait3A_25, %dma_wait3A_26] : memref<10240x128xf32, #tpu.memory_space<hbm>> -> memref<10240x128xf32, #tpu.memory_space<hbm>>
    tpu.wait_indirect_dma semaphore(%arg9 : memref<!tpu.dma_semaphore, #tpu.memory_space<semaphore_mem>>) src(%dma_wait3A_27 : memref<10240x128xf32, #tpu.memory_space<hbm>>) dst(%arg7 : memref<400x128xf32, #tpu.memory_space<vmem>>)
    %add3A_28 = arith.constant 400 : i32
    %add3A_29 = arith.addi %mul3A_2, %add3A_28 : i32
    "tpu.region"() ({
      %run_scoped3A = tpu.sem_alloc : memref<!tpu.dma_semaphore, #tpu.memory_space<semaphore_mem>>
      %dma_start3A_97 = arith.constant 0 : i32
      %dma_start3A_98 = tpu.memref_slice %arg4[%add3A_29, %dma_start3A_97] : memref<102400x128xf32, #tpu.memory_space<hbm>> -> memref<400x128xf32, #tpu.memory_space<hbm>>
      %dma_start3A_99 = arith.constant 0 : i32
      %dma_start3A_100 = tpu.memref_slice %arg4[%add3A_29, %dma_start3A_99] : memref<102400x128xf32, #tpu.memory_space<hbm>> -> memref<400x128xf32, #tpu.memory_space<hbm>>
      tpu.enqueue_dma source(%arg7 : memref<400x128xf32, #tpu.memory_space<vmem>>) target(%dma_start3A_100 : memref<400x128xf32, #tpu.memory_space<hbm>>) target_semaphore(%run_scoped3A : memref<!tpu.dma_semaphore, #tpu.memory_space<semaphore_mem>>)
      %dma_wait3A_101 = arith.constant 0 : i32
      %dma_wait3A_102 = tpu.memref_slice %arg4[%add3A_29, %dma_wait3A_101] : memref<102400x128xf32, #tpu.memory_space<hbm>> -> memref<400x128xf32, #tpu.memory_space<hbm>>
      %dma_wait3A_103 = arith.constant 0 : i32
      %dma_wait3A_104 = tpu.memref_slice %arg4[%add3A_29, %dma_wait3A_103] : memref<102400x128xf32, #tpu.memory_space<hbm>> -> memref<400x128xf32, #tpu.memory_space<hbm>>
      tpu.wait_dma2 semaphore(%run_scoped3A : memref<!tpu.dma_semaphore, #tpu.memory_space<semaphore_mem>>) src(%arg7 : memref<400x128xf32, #tpu.memory_space<vmem>>) dst(%dma_wait3A_104 : memref<400x128xf32, #tpu.memory_space<hbm>>)
      tpu.yield
    }) : () -> ()
    %dma_start3A_30 = arith.constant 1200 : i32
    %dma_start3A_31 = tpu.memref_slice %arg5[%dma_start3A_30] : memref<3200xi32, #tpu.memory_space<vmem>> -> memref<400xi32, #tpu.memory_space<vmem>>
    %dma_start3A_32 = arith.constant 0 : i32
    %dma_start3A_33 = arith.constant 0 : i32
    %dma_start3A_34 = tpu.memref_slice %arg2[%dma_start3A_32, %dma_start3A_33] : memref<10240x128xf32, #tpu.memory_space<hbm>> -> memref<10240x128xf32, #tpu.memory_space<hbm>>
    tpu.enqueue_indirect_dma source(%dma_start3A_34 : memref<10240x128xf32, #tpu.memory_space<hbm>>) target(%arg7 : memref<400x128xf32, #tpu.memory_space<vmem>>) offsets(%dma_start3A_31 : memref<400xi32, #tpu.memory_space<vmem>>) semaphore(%arg9 : memref<!tpu.dma_semaphore, #tpu.memory_space<semaphore_mem>>)
    %dma_wait3A_35 = arith.constant 800 : i32
    %dma_wait3A_36 = tpu.memref_slice %arg5[%dma_wait3A_35] : memref<3200xi32, #tpu.memory_space<vmem>> -> memref<400xi32, #tpu.memory_space<vmem>>
    %dma_wait3A_37 = arith.constant 0 : i32
    %dma_wait3A_38 = arith.constant 0 : i32
    %dma_wait3A_39 = tpu.memref_slice %arg2[%dma_wait3A_37, %dma_wait3A_38] : memref<10240x128xf32, #tpu.memory_space<hbm>> -> memref<10240x128xf32, #tpu.memory_space<hbm>>
    tpu.wait_indirect_dma semaphore(%arg8 : memref<!tpu.dma_semaphore, #tpu.memory_space<semaphore_mem>>) src(%dma_wait3A_39 : memref<10240x128xf32, #tpu.memory_space<hbm>>) dst(%arg6 : memref<400x128xf32, #tpu.memory_space<vmem>>)
    %add3A_40 = arith.constant 800 : i32
    %add3A_41 = arith.addi %mul3A_2, %add3A_40 : i32
    "tpu.region"() ({
      %run_scoped3A = tpu.sem_alloc : memref<!tpu.dma_semaphore, #tpu.memory_space<semaphore_mem>>
      %dma_start3A_97 = arith.constant 0 : i32
      %dma_start3A_98 = tpu.memref_slice %arg4[%add3A_41, %dma_start3A_97] : memref<102400x128xf32, #tpu.memory_space<hbm>> -> memref<400x128xf32, #tpu.memory_space<hbm>>
      %dma_start3A_99 = arith.constant 0 : i32
      %dma_start3A_100 = tpu.memref_slice %arg4[%add3A_41, %dma_start3A_99] : memref<102400x128xf32, #tpu.memory_space<hbm>> -> memref<400x128xf32, #tpu.memory_space<hbm>>
      tpu.enqueue_dma source(%arg6 : memref<400x128xf32, #tpu.memory_space<vmem>>) target(%dma_start3A_100 : memref<400x128xf32, #tpu.memory_space<hbm>>) target_semaphore(%run_scoped3A : memref<!tpu.dma_semaphore, #tpu.memory_space<semaphore_mem>>)
      %dma_wait3A_101 = arith.constant 0 : i32
      %dma_wait3A_102 = tpu.memref_slice %arg4[%add3A_41, %dma_wait3A_101] : memref<102400x128xf32, #tpu.memory_space<hbm>> -> memref<400x128xf32, #tpu.memory_space<hbm>>
      %dma_wait3A_103 = arith.constant 0 : i32
      %dma_wait3A_104 = tpu.memref_slice %arg4[%add3A_41, %dma_wait3A_103] : memref<102400x128xf32, #tpu.memory_space<hbm>> -> memref<400x128xf32, #tpu.memory_space<hbm>>
      tpu.wait_dma2 semaphore(%run_scoped3A : memref<!tpu.dma_semaphore, #tpu.memory_space<semaphore_mem>>) src(%arg6 : memref<400x128xf32, #tpu.memory_space<vmem>>) dst(%dma_wait3A_104 : memref<400x128xf32, #tpu.memory_space<hbm>>)
      tpu.yield
    }) : () -> ()
    %dma_start3A_42 = arith.constant 1600 : i32
    %dma_start3A_43 = tpu.memref_slice %arg5[%dma_start3A_42] : memref<3200xi32, #tpu.memory_space<vmem>> -> memref<400xi32, #tpu.memory_space<vmem>>
    %dma_start3A_44 = arith.constant 0 : i32
    %dma_start3A_45 = arith.constant 0 : i32
    %dma_start3A_46 = tpu.memref_slice %arg2[%dma_start3A_44, %dma_start3A_45] : memref<10240x128xf32, #tpu.memory_space<hbm>> -> memref<10240x128xf32, #tpu.memory_space<hbm>>
    tpu.enqueue_indirect_dma source(%dma_start3A_46 : memref<10240x128xf32, #tpu.memory_space<hbm>>) target(%arg6 : memref<400x128xf32, #tpu.memory_space<vmem>>) offsets(%dma_start3A_43 : memref<400xi32, #tpu.memory_space<vmem>>) semaphore(%arg8 : memref<!tpu.dma_semaphore, #tpu.memory_space<semaphore_mem>>)
    %dma_wait3A_47 = arith.constant 1200 : i32
    %dma_wait3A_48 = tpu.memref_slice %arg5[%dma_wait3A_47] : memref<3200xi32, #tpu.memory_space<vmem>> -> memref<400xi32, #tpu.memory_space<vmem>>
    %dma_wait3A_49 = arith.constant 0 : i32
    %dma_wait3A_50 = arith.constant 0 : i32
    %dma_wait3A_51 = tpu.memref_slice %arg2[%dma_wait3A_49, %dma_wait3A_50] : memref<10240x128xf32, #tpu.memory_space<hbm>> -> memref<10240x128xf32, #tpu.memory_space<hbm>>
    tpu.wait_indirect_dma semaphore(%arg9 : memref<!tpu.dma_semaphore, #tpu.memory_space<semaphore_mem>>) src(%dma_wait3A_51 : memref<10240x128xf32, #tpu.memory_space<hbm>>) dst(%arg7 : memref<400x128xf32, #tpu.memory_space<vmem>>)
    %add3A_52 = arith.constant 1200 : i32
    %add3A_53 = arith.addi %mul3A_2, %add3A_52 : i32
    "tpu.region"() ({
      %run_scoped3A = tpu.sem_alloc : memref<!tpu.dma_semaphore, #tpu.memory_space<semaphore_mem>>
      %dma_start3A_97 = arith.constant 0 : i32
      %dma_start3A_98 = tpu.memref_slice %arg4[%add3A_53, %dma_start3A_97] : memref<102400x128xf32, #tpu.memory_space<hbm>> -> memref<400x128xf32, #tpu.memory_space<hbm>>
      %dma_start3A_99 = arith.constant 0 : i32
      %dma_start3A_100 = tpu.memref_slice %arg4[%add3A_53, %dma_start3A_99] : memref<102400x128xf32, #tpu.memory_space<hbm>> -> memref<400x128xf32, #tpu.memory_space<hbm>>
      tpu.enqueue_dma source(%arg7 : memref<400x128xf32, #tpu.memory_space<vmem>>) target(%dma_start3A_100 : memref<400x128xf32, #tpu.memory_space<hbm>>) target_semaphore(%run_scoped3A : memref<!tpu.dma_semaphore, #tpu.memory_space<semaphore_mem>>)
      %dma_wait3A_101 = arith.constant 0 : i32
      %dma_wait3A_102 = tpu.memref_slice %arg4[%add3A_53, %dma_wait3A_101] : memref<102400x128xf32, #tpu.memory_space<hbm>> -> memref<400x128xf32, #tpu.memory_space<hbm>>
      %dma_wait3A_103 = arith.constant 0 : i32
      %dma_wait3A_104 = tpu.memref_slice %arg4[%add3A_53, %dma_wait3A_103] : memref<102400x128xf32, #tpu.memory_space<hbm>> -> memref<400x128xf32, #tpu.memory_space<hbm>>
      tpu.wait_dma2 semaphore(%run_scoped3A : memref<!tpu.dma_semaphore, #tpu.memory_space<semaphore_mem>>) src(%arg7 : memref<400x128xf32, #tpu.memory_space<vmem>>) dst(%dma_wait3A_104 : memref<400x128xf32, #tpu.memory_space<hbm>>)
      tpu.yield
    }) : () -> ()
    %dma_start3A_54 = arith.constant 2000 : i32
    %dma_start3A_55 = tpu.memref_slice %arg5[%dma_start3A_54] : memref<3200xi32, #tpu.memory_space<vmem>> -> memref<400xi32, #tpu.memory_space<vmem>>
    %dma_start3A_56 = arith.constant 0 : i32
    %dma_start3A_57 = arith.constant 0 : i32
    %dma_start3A_58 = tpu.memref_slice %arg2[%dma_start3A_56, %dma_start3A_57] : memref<10240x128xf32, #tpu.memory_space<hbm>> -> memref<10240x128xf32, #tpu.memory_space<hbm>>
    tpu.enqueue_indirect_dma source(%dma_start3A_58 : memref<10240x128xf32, #tpu.memory_space<hbm>>) target(%arg7 : memref<400x128xf32, #tpu.memory_space<vmem>>) offsets(%dma_start3A_55 : memref<400xi32, #tpu.memory_space<vmem>>) semaphore(%arg9 : memref<!tpu.dma_semaphore, #tpu.memory_space<semaphore_mem>>)
    %dma_wait3A_59 = arith.constant 1600 : i32
    %dma_wait3A_60 = tpu.memref_slice %arg5[%dma_wait3A_59] : memref<3200xi32, #tpu.memory_space<vmem>> -> memref<400xi32, #tpu.memory_space<vmem>>
    %dma_wait3A_61 = arith.constant 0 : i32
    %dma_wait3A_62 = arith.constant 0 : i32
    %dma_wait3A_63 = tpu.memref_slice %arg2[%dma_wait3A_61, %dma_wait3A_62] : memref<10240x128xf32, #tpu.memory_space<hbm>> -> memref<10240x128xf32, #tpu.memory_space<hbm>>
    tpu.wait_indirect_dma semaphore(%arg8 : memref<!tpu.dma_semaphore, #tpu.memory_space<semaphore_mem>>) src(%dma_wait3A_63 : memref<10240x128xf32, #tpu.memory_space<hbm>>) dst(%arg6 : memref<400x128xf32, #tpu.memory_space<vmem>>)
    %add3A_64 = arith.constant 1600 : i32
    %add3A_65 = arith.addi %mul3A_2, %add3A_64 : i32
    "tpu.region"() ({
      %run_scoped3A = tpu.sem_alloc : memref<!tpu.dma_semaphore, #tpu.memory_space<semaphore_mem>>
      %dma_start3A_97 = arith.constant 0 : i32
      %dma_start3A_98 = tpu.memref_slice %arg4[%add3A_65, %dma_start3A_97] : memref<102400x128xf32, #tpu.memory_space<hbm>> -> memref<400x128xf32, #tpu.memory_space<hbm>>
      %dma_start3A_99 = arith.constant 0 : i32
      %dma_start3A_100 = tpu.memref_slice %arg4[%add3A_65, %dma_start3A_99] : memref<102400x128xf32, #tpu.memory_space<hbm>> -> memref<400x128xf32, #tpu.memory_space<hbm>>
      tpu.enqueue_dma source(%arg6 : memref<400x128xf32, #tpu.memory_space<vmem>>) target(%dma_start3A_100 : memref<400x128xf32, #tpu.memory_space<hbm>>) target_semaphore(%run_scoped3A : memref<!tpu.dma_semaphore, #tpu.memory_space<semaphore_mem>>)
      %dma_wait3A_101 = arith.constant 0 : i32
      %dma_wait3A_102 = tpu.memref_slice %arg4[%add3A_65, %dma_wait3A_101] : memref<102400x128xf32, #tpu.memory_space<hbm>> -> memref<400x128xf32, #tpu.memory_space<hbm>>
      %dma_wait3A_103 = arith.constant 0 : i32
      %dma_wait3A_104 = tpu.memref_slice %arg4[%add3A_65, %dma_wait3A_103] : memref<102400x128xf32, #tpu.memory_space<hbm>> -> memref<400x128xf32, #tpu.memory_space<hbm>>
      tpu.wait_dma2 semaphore(%run_scoped3A : memref<!tpu.dma_semaphore, #tpu.memory_space<semaphore_mem>>) src(%arg6 : memref<400x128xf32, #tpu.memory_space<vmem>>) dst(%dma_wait3A_104 : memref<400x128xf32, #tpu.memory_space<hbm>>)
      tpu.yield
    }) : () -> ()
    %dma_start3A_66 = arith.constant 2400 : i32
    %dma_start3A_67 = tpu.memref_slice %arg5[%dma_start3A_66] : memref<3200xi32, #tpu.memory_space<vmem>> -> memref<400xi32, #tpu.memory_space<vmem>>
    %dma_start3A_68 = arith.constant 0 : i32
    %dma_start3A_69 = arith.constant 0 : i32
    %dma_start3A_70 = tpu.memref_slice %arg2[%dma_start3A_68, %dma_start3A_69] : memref<10240x128xf32, #tpu.memory_space<hbm>> -> memref<10240x128xf32, #tpu.memory_space<hbm>>
    tpu.enqueue_indirect_dma source(%dma_start3A_70 : memref<10240x128xf32, #tpu.memory_space<hbm>>) target(%arg6 : memref<400x128xf32, #tpu.memory_space<vmem>>) offsets(%dma_start3A_67 : memref<400xi32, #tpu.memory_space<vmem>>) semaphore(%arg8 : memref<!tpu.dma_semaphore, #tpu.memory_space<semaphore_mem>>)
    %dma_wait3A_71 = arith.constant 2000 : i32
    %dma_wait3A_72 = tpu.memref_slice %arg5[%dma_wait3A_71] : memref<3200xi32, #tpu.memory_space<vmem>> -> memref<400xi32, #tpu.memory_space<vmem>>
    %dma_wait3A_73 = arith.constant 0 : i32
    %dma_wait3A_74 = arith.constant 0 : i32
    %dma_wait3A_75 = tpu.memref_slice %arg2[%dma_wait3A_73, %dma_wait3A_74] : memref<10240x128xf32, #tpu.memory_space<hbm>> -> memref<10240x128xf32, #tpu.memory_space<hbm>>
    tpu.wait_indirect_dma semaphore(%arg9 : memref<!tpu.dma_semaphore, #tpu.memory_space<semaphore_mem>>) src(%dma_wait3A_75 : memref<10240x128xf32, #tpu.memory_space<hbm>>) dst(%arg7 : memref<400x128xf32, #tpu.memory_space<vmem>>)
    %add3A_76 = arith.constant 2000 : i32
    %add3A_77 = arith.addi %mul3A_2, %add3A_76 : i32
    "tpu.region"() ({
      %run_scoped3A = tpu.sem_alloc : memref<!tpu.dma_semaphore, #tpu.memory_space<semaphore_mem>>
      %dma_start3A_97 = arith.constant 0 : i32
      %dma_start3A_98 = tpu.memref_slice %arg4[%add3A_77, %dma_start3A_97] : memref<102400x128xf32, #tpu.memory_space<hbm>> -> memref<400x128xf32, #tpu.memory_space<hbm>>
      %dma_start3A_99 = arith.constant 0 : i32
      %dma_start3A_100 = tpu.memref_slice %arg4[%add3A_77, %dma_start3A_99] : memref<102400x128xf32, #tpu.memory_space<hbm>> -> memref<400x128xf32, #tpu.memory_space<hbm>>
      tpu.enqueue_dma source(%arg7 : memref<400x128xf32, #tpu.memory_space<vmem>>) target(%dma_start3A_100 : memref<400x128xf32, #tpu.memory_space<hbm>>) target_semaphore(%run_scoped3A : memref<!tpu.dma_semaphore, #tpu.memory_space<semaphore_mem>>)
      %dma_wait3A_101 = arith.constant 0 : i32
      %dma_wait3A_102 = tpu.memref_slice %arg4[%add3A_77, %dma_wait3A_101] : memref<102400x128xf32, #tpu.memory_space<hbm>> -> memref<400x128xf32, #tpu.memory_space<hbm>>
      %dma_wait3A_103 = arith.constant 0 : i32
      %dma_wait3A_104 = tpu.memref_slice %arg4[%add3A_77, %dma_wait3A_103] : memref<102400x128xf32, #tpu.memory_space<hbm>> -> memref<400x128xf32, #tpu.memory_space<hbm>>
      tpu.wait_dma2 semaphore(%run_scoped3A : memref<!tpu.dma_semaphore, #tpu.memory_space<semaphore_mem>>) src(%arg7 : memref<400x128xf32, #tpu.memory_space<vmem>>) dst(%dma_wait3A_104 : memref<400x128xf32, #tpu.memory_space<hbm>>)
      tpu.yield
    }) : () -> ()
    %dma_start3A_78 = arith.constant 2800 : i32
    %dma_start3A_79 = tpu.memref_slice %arg5[%dma_start3A_78] : memref<3200xi32, #tpu.memory_space<vmem>> -> memref<400xi32, #tpu.memory_space<vmem>>
    %dma_start3A_80 = arith.constant 0 : i32
    %dma_start3A_81 = arith.constant 0 : i32
    %dma_start3A_82 = tpu.memref_slice %arg2[%dma_start3A_80, %dma_start3A_81] : memref<10240x128xf32, #tpu.memory_space<hbm>> -> memref<10240x128xf32, #tpu.memory_space<hbm>>
    tpu.enqueue_indirect_dma source(%dma_start3A_82 : memref<10240x128xf32, #tpu.memory_space<hbm>>) target(%arg7 : memref<400x128xf32, #tpu.memory_space<vmem>>) offsets(%dma_start3A_79 : memref<400xi32, #tpu.memory_space<vmem>>) semaphore(%arg9 : memref<!tpu.dma_semaphore, #tpu.memory_space<semaphore_mem>>)
    %dma_wait3A_83 = arith.constant 2400 : i32
    %dma_wait3A_84 = tpu.memref_slice %arg5[%dma_wait3A_83] : memref<3200xi32, #tpu.memory_space<vmem>> -> memref<400xi32, #tpu.memory_space<vmem>>
    %dma_wait3A_85 = arith.constant 0 : i32
    %dma_wait3A_86 = arith.constant 0 : i32
    %dma_wait3A_87 = tpu.memref_slice %arg2[%dma_wait3A_85, %dma_wait3A_86] : memref<10240x128xf32, #tpu.memory_space<hbm>> -> memref<10240x128xf32, #tpu.memory_space<hbm>>
    tpu.wait_indirect_dma semaphore(%arg8 : memref<!tpu.dma_semaphore, #tpu.memory_space<semaphore_mem>>) src(%dma_wait3A_87 : memref<10240x128xf32, #tpu.memory_space<hbm>>) dst(%arg6 : memref<400x128xf32, #tpu.memory_space<vmem>>)
    %add3A_88 = arith.constant 2400 : i32
    %add3A_89 = arith.addi %mul3A_2, %add3A_88 : i32
    "tpu.region"() ({
      %run_scoped3A = tpu.sem_alloc : memref<!tpu.dma_semaphore, #tpu.memory_space<semaphore_mem>>
      %dma_start3A_97 = arith.constant 0 : i32
      %dma_start3A_98 = tpu.memref_slice %arg4[%add3A_89, %dma_start3A_97] : memref<102400x128xf32, #tpu.memory_space<hbm>> -> memref<400x128xf32, #tpu.memory_space<hbm>>
      %dma_start3A_99 = arith.constant 0 : i32
      %dma_start3A_100 = tpu.memref_slice %arg4[%add3A_89, %dma_start3A_99] : memref<102400x128xf32, #tpu.memory_space<hbm>> -> memref<400x128xf32, #tpu.memory_space<hbm>>
      tpu.enqueue_dma source(%arg6 : memref<400x128xf32, #tpu.memory_space<vmem>>) target(%dma_start3A_100 : memref<400x128xf32, #tpu.memory_space<hbm>>) target_semaphore(%run_scoped3A : memref<!tpu.dma_semaphore, #tpu.memory_space<semaphore_mem>>)
      %dma_wait3A_101 = arith.constant 0 : i32
      %dma_wait3A_102 = tpu.memref_slice %arg4[%add3A_89, %dma_wait3A_101] : memref<102400x128xf32, #tpu.memory_space<hbm>> -> memref<400x128xf32, #tpu.memory_space<hbm>>
      %dma_wait3A_103 = arith.constant 0 : i32
      %dma_wait3A_104 = tpu.memref_slice %arg4[%add3A_89, %dma_wait3A_103] : memref<102400x128xf32, #tpu.memory_space<hbm>> -> memref<400x128xf32, #tpu.memory_space<hbm>>
      tpu.wait_dma2 semaphore(%run_scoped3A : memref<!tpu.dma_semaphore, #tpu.memory_space<semaphore_mem>>) src(%arg6 : memref<400x128xf32, #tpu.memory_space<vmem>>) dst(%dma_wait3A_104 : memref<400x128xf32, #tpu.memory_space<hbm>>)
      tpu.yield
    }) : () -> ()
    %dma_wait3A_90 = arith.constant 2800 : i32
    %dma_wait3A_91 = tpu.memref_slice %arg5[%dma_wait3A_90] : memref<3200xi32, #tpu.memory_space<vmem>> -> memref<400xi32, #tpu.memory_space<vmem>>
    %dma_wait3A_92 = arith.constant 0 : i32
    %dma_wait3A_93 = arith.constant 0 : i32
    %dma_wait3A_94 = tpu.memref_slice %arg2[%dma_wait3A_92, %dma_wait3A_93] : memref<10240x128xf32, #tpu.memory_space<hbm>> -> memref<10240x128xf32, #tpu.memory_space<hbm>>
    tpu.wait_indirect_dma semaphore(%arg9 : memref<!tpu.dma_semaphore, #tpu.memory_space<semaphore_mem>>) src(%dma_wait3A_94 : memref<10240x128xf32, #tpu.memory_space<hbm>>) dst(%arg7 : memref<400x128xf32, #tpu.memory_space<vmem>>)
    %add3A_95 = arith.constant 2800 : i32
    %add3A_96 = arith.addi %mul3A_2, %add3A_95 : i32
    "tpu.region"() ({
      %run_scoped3A = tpu.sem_alloc : memref<!tpu.dma_semaphore, #tpu.memory_space<semaphore_mem>>
      %dma_start3A_97 = arith.constant 0 : i32
      %dma_start3A_98 = tpu.memref_slice %arg4[%add3A_96, %dma_start3A_97] : memref<102400x128xf32, #tpu.memory_space<hbm>> -> memref<400x128xf32, #tpu.memory_space<hbm>>
      %dma_start3A_99 = arith.constant 0 : i32
      %dma_start3A_100 = tpu.memref_slice %arg4[%add3A_96, %dma_start3A_99] : memref<102400x128xf32, #tpu.memory_space<hbm>> -> memref<400x128xf32, #tpu.memory_space<hbm>>
      tpu.enqueue_dma source(%arg7 : memref<400x128xf32, #tpu.memory_space<vmem>>) target(%dma_start3A_100 : memref<400x128xf32, #tpu.memory_space<hbm>>) target_semaphore(%run_scoped3A : memref<!tpu.dma_semaphore, #tpu.memory_space<semaphore_mem>>)
      %dma_wait3A_101 = arith.constant 0 : i32
      %dma_wait3A_102 = tpu.memref_slice %arg4[%add3A_96, %dma_wait3A_101] : memref<102400x128xf32, #tpu.memory_space<hbm>> -> memref<400x128xf32, #tpu.memory_space<hbm>>
      %dma_wait3A_103 = arith.constant 0 : i32
      %dma_wait3A_104 = tpu.memref_slice %arg4[%add3A_96, %dma_wait3A_103] : memref<102400x128xf32, #tpu.memory_space<hbm>> -> memref<400x128xf32, #tpu.memory_space<hbm>>
      tpu.wait_dma2 semaphore(%run_scoped3A : memref<!tpu.dma_semaphore, #tpu.memory_space<semaphore_mem>>) src(%arg7 : memref<400x128xf32, #tpu.memory_space<vmem>>) dst(%dma_wait3A_104 : memref<400x128xf32, #tpu.memory_space<hbm>>)
      tpu.yield
    }) : () -> ()
    return
  }
}

module attributes {stable_mosaic.version = 14 : i64} {
  func.func @_rownorm_body(%arg0: i32, %arg1: memref<1024x6xf32, #tpu.memory_space<vmem>>, %arg2: memref<1024x1xf32, #tpu.memory_space<vmem>>) attributes {dimension_semantics = [#tpu.dimension_semantics<arbitrary>], iteration_bounds = array<i64: 10>, scalar_prefetch = 0 : i64, scratch_operands = 0 : i64, tpu.core_type = #tpu.core_type<tc>, window_params = [{transform_indices = @transform_0, window_bounds = array<i64: 1024, 6>}, {transform_indices = @transform_1, window_bounds = array<i64: 1024, 1>}]} {
    %get3A = arith.constant 0 : index
    %get3A_0 = arith.constant 0 : index
    %get3A_1 = vector.load %arg1[%get3A, %get3A_0] : memref<1024x6xf32, #tpu.memory_space<vmem>>, vector<1024x6xf32>
    %mul3A = arith.mulf %get3A_1, %get3A_1 : vector<1024x6xf32>
    %reduce_sum3A = arith.constant dense<0.000000e+00> : vector<1024xf32>
    %reduce_sum3A_2 = vector.multi_reduction <add>, %mul3A, %reduce_sum3A [1] : vector<1024x6xf32> to vector<1024xf32>
    %broadcast_in_dim3A = vector.shape_cast %reduce_sum3A_2 : vector<1024xf32> to vector<1024x1xf32>
    %swap3A = arith.constant 0 : index
    %swap3A_3 = arith.constant 0 : index
    %swap3A_4 = vector.load %arg2[%swap3A, %swap3A_3] : memref<1024x1xf32, #tpu.memory_space<vmem>>, vector<1024x1xf32>
    tpu.vector_store %arg2[%swap3A, %swap3A_3], %broadcast_in_dim3A {strides = array<i32>} : memref<1024x1xf32, #tpu.memory_space<vmem>>, vector<1024x1xf32>,
    return
  }
  func.func @transform_0(%arg0: i32) -> (i32, i32) {
    %c0_i32 = arith.constant 0 : i32
    %c0_i32_0 = arith.constant 0 : i32
    return %arg0, %c0_i32 : i32, i32
  }
  func.func @transform_1(%arg0: i32) -> (i32, i32) {
    %c0_i32 = arith.constant 0 : i32
    %c0_i32_0 = arith.constant 0 : i32
    return %arg0, %c0_i32 : i32, i32
  }
}

module attributes {stable_mosaic.version = 14 : i64} {
  func.func @_knn_body(%arg0: i32, %arg1: i32, %arg2: memref<512x6xf32, #tpu.memory_space<vmem>>, %arg3: memref<6x2048xf32, #tpu.memory_space<vmem>>, %arg4: memref<512x1xf32, #tpu.memory_space<vmem>>, %arg5: memref<1x2048xf32, #tpu.memory_space<vmem>>, %arg6: memref<512x10xi32, #tpu.memory_space<vmem>>, %arg7: memref<512x10xf32, #tpu.memory_space<vmem>>, %arg8: memref<512x10xi32, #tpu.memory_space<vmem>>) attributes {dimension_semantics = [#tpu.dimension_semantics<arbitrary>, #tpu.dimension_semantics<arbitrary>], iteration_bounds = array<i64: 20, 5>, scalar_prefetch = 0 : i64, scratch_operands = 2 : i64, tpu.core_type = #tpu.core_type<tc>, window_params = [{transform_indices = @transform_0, window_bounds = array<i64: 512, 6>}, {transform_indices = @transform_1, window_bounds = array<i64: 6, 2048>}, {transform_indices = @transform_2, window_bounds = array<i64: 512, 1>}, {transform_indices = @transform_3, window_bounds = array<i64: 1, 2048>}, {transform_indices = @transform_4, window_bounds = array<i64: 512, 10>}]} {
    %get3A = arith.constant 0 : index
    %get3A_0 = arith.constant 0 : index
    %get3A_1 = vector.load %arg2[%get3A, %get3A_0] : memref<512x6xf32, #tpu.memory_space<vmem>>, vector<512x6xf32>
    %get3A_2 = arith.constant 0 : index
    %get3A_3 = arith.constant 0 : index
    %get3A_4 = vector.load %arg3[%get3A_2, %get3A_3] : memref<6x2048xf32, #tpu.memory_space<vmem>>, vector<6x2048xf32>
    %dot_general3A = arith.constant dense<0.000000e+00> : vector<512x2048xf32>
    %dot_general3A_5 = tpu.matmul %get3A_1, %get3A_4, %dot_general3A {dimension_numbers = #tpu.dot_dimension_numbers<[1], [0], [0], [1], [0, 0, 1, 1], [], []>, transpose_lhs_hint = false} : vector<512x6xf32>, vector<6x2048xf32>, vector<512x2048xf32> -> vector<512x2048xf32>
    %iota3A = tpu.iota {dimensions = array<i32: 1>} : vector<512x2048xi32>
    %mul3A = arith.constant 2048 : i32
    %mul3A_6 = arith.muli %arg1, %mul3A : i32
    %add3A = vector.broadcast %mul3A_6 : i32 to vector<512x2048xi32>
    %add3A_7 = arith.addi %iota3A, %add3A : vector<512x2048xi32>
    %get3A_8 = arith.constant 0 : index
    %get3A_9 = arith.constant 0 : index
    %get3A_10 = vector.load %arg4[%get3A_8, %get3A_9] : memref<512x1xf32, #tpu.memory_space<vmem>>, vector<512x1xf32>
    %get3A_11 = arith.constant 0 : index
    %get3A_12 = arith.constant 0 : index
    %get3A_13 = vector.load %arg5[%get3A_11, %get3A_12] : memref<1x2048xf32, #tpu.memory_space<vmem>>, vector<1x2048xf32>
    %add3A_14 = vector.broadcast %get3A_10 : vector<512x1xf32> to vector<512x2048xf32>
    %add3A_15 = vector.broadcast %get3A_13 : vector<1x2048xf32> to vector<512x2048xf32>
    %add3A_16 = arith.addf %add3A_14, %add3A_15 : vector<512x2048xf32>
    %mul3A_17 = arith.constant 2.000000e+00 : f32
    %mul3A_18 = vector.broadcast %mul3A_17 : f32 to vector<512x2048xf32>
    %mul3A_19 = arith.mulf %mul3A_18, %dot_general3A_5 : vector<512x2048xf32>
    %sub3A = arith.subf %add3A_16, %mul3A_19 : vector<512x2048xf32>
    %lt3A = arith.constant 10000 : i32
    %lt3A_20 = vector.broadcast %lt3A : i32 to vector<512x2048xi32>
    %lt3A_21 = arith.cmpi slt, %add3A_7, %lt3A_20 : vector<512x2048xi32>
    %jit3A = arith.constant 0x7F800000 : f32
    %broadcast_in_dim3A = vector.broadcast %jit3A : f32 to vector<512x2048xf32>
    %select_n3A = arith.select %lt3A_21, %sub3A, %broadcast_in_dim3A : vector<512x2048xi1>, vector<512x2048xf32>
    %eq3A = arith.constant 0 : i32
    %eq3A_22 = arith.cmpi eq, %arg1, %eq3A : i32
    %convert_element_type3A = arith.extui %eq3A_22 : i1 to i32
    %cond3A = arith.constant 0 : i32
    %cond3A_23 = arith.cmpi ne, %convert_element_type3A, %cond3A : i32
    scf.if %cond3A_23 {
      %broadcast_in_dim3A_44 = arith.constant 0x7F800000 : f32
      %broadcast_in_dim3A_45 = vector.broadcast %broadcast_in_dim3A_44 : f32 to vector<512x10xf32>
      %swap3A_46 = arith.constant 0 : index
      %swap3A_47 = arith.constant 0 : index
      %swap3A_48 = vector.load %arg7[%swap3A_46, %swap3A_47] : memref<512x10xf32, #tpu.memory_space<vmem>>, vector<512x10xf32>
      tpu.vector_store %arg7[%swap3A_46, %swap3A_47], %broadcast_in_dim3A_45 {strides = array<i32>} : memref<512x10xf32, #tpu.memory_space<vmem>>, vector<512x10xf32>,
      %broadcast_in_dim3A_49 = arith.constant 0 : i32
      %broadcast_in_dim3A_50 = vector.broadcast %broadcast_in_dim3A_49 : i32 to vector<512x10xi32>
      %swap3A_51 = arith.constant 0 : index
      %swap3A_52 = arith.constant 0 : index
      %swap3A_53 = vector.load %arg8[%swap3A_51, %swap3A_52] : memref<512x10xi32, #tpu.memory_space<vmem>>, vector<512x10xi32>
      tpu.vector_store %arg8[%swap3A_51, %swap3A_52], %broadcast_in_dim3A_50 {strides = array<i32>} : memref<512x10xi32, #tpu.memory_space<vmem>>, vector<512x10xi32>,
    } else {
    }
    %iota3A_24 = tpu.iota {dimensions = array<i32: 1>} : vector<512x10xi32>
    %get3A_25 = arith.constant 0 : index
    %get3A_26 = arith.constant 0 : index
    %get3A_27 = vector.load %arg7[%get3A_25, %get3A_26] : memref<512x10xf32, #tpu.memory_space<vmem>>, vector<512x10xf32>
    %get3A_28 = arith.constant 0 : index
    %get3A_29 = arith.constant 0 : index
    %get3A_30 = vector.load %arg8[%get3A_28, %get3A_29] : memref<512x10xi32, #tpu.memory_space<vmem>>, vector<512x10xi32>
    %while3A = arith.constant 1073741824 : i32
    %while3A_31 = arith.constant 0 : i32
    %while3A_32 = arith.constant true
    %while3A_33:5 = scf.while (%while3A_44 = %while3A_31, %while3A_45 = %while3A_32, %while3A_46 = %get3A_27, %while3A_47 = %get3A_30, %while3A_48 = %select_n3A) : (i32, i1, vector<512x10xf32>, vector<512x10xi32>, vector<512x2048xf32>) -> (i32, i1, vector<512x10xf32>, vector<512x10xi32>, vector<512x2048xf32>) {
      %lt3A_49 = arith.constant 10 : i32
      %lt3A_50 = arith.cmpi slt, %while3A_44, %lt3A_49 : i32
      %and3A = arith.andi %lt3A_50, %while3A_45 : i1
      scf.condition(%and3A) %while3A_44, %while3A_45, %while3A_46, %while3A_47, %while3A_48 : i32, i1, vector<512x10xf32>, vector<512x10xi32>, vector<512x2048xf32>
    } do {
    ^bb0(%while3A_44: i32, %while3A_45: i1, %while3A_46: vector<512x10xf32>, %while3A_47: vector<512x10xi32>, %while3A_48: vector<512x2048xf32>):
      %reduce_min3A = arith.constant dense<0x7F800000> : vector<512xf32>
      %reduce_min3A_49 = vector.multi_reduction <minimumf>, %while3A_48, %reduce_min3A [1] : vector<512x2048xf32> to vector<512xf32>
      %broadcast_in_dim3A_50 = vector.shape_cast %reduce_min3A_49 : vector<512xf32> to vector<512x1xf32>
      %eq3A_51 = vector.broadcast %broadcast_in_dim3A_50 : vector<512x1xf32> to vector<512x2048xf32>
      %eq3A_52 = arith.cmpf oeq, %while3A_48, %eq3A_51 : vector<512x2048xf32>
      %broadcast_in_dim3A_53 = vector.broadcast %while3A : i32 to vector<512x2048xi32>
      %select_n3A_54 = arith.select %eq3A_52, %add3A_7, %broadcast_in_dim3A_53 : vector<512x2048xi1>, vector<512x2048xi32>
      %reduce_min3A_55 = arith.constant dense<2147483647> : vector<512xi32>
      %reduce_min3A_56 = vector.multi_reduction <minsi>, %select_n3A_54, %reduce_min3A_55 [1] : vector<512x2048xi32> to vector<512xi32>
      %broadcast_in_dim3A_57 = vector.shape_cast %reduce_min3A_56 : vector<512xi32> to vector<512x1xi32>
      %eq3A_58 = vector.broadcast %broadcast_in_dim3A_57 : vector<512x1xi32> to vector<512x2048xi32>
      %eq3A_59 = arith.cmpi eq, %add3A_7, %eq3A_58 : vector<512x2048xi32>
      %jit3A_60 = arith.constant 0x7F800000 : f32
      %broadcast_in_dim3A_61 = vector.broadcast %jit3A_60 : f32 to vector<512x2048xf32>
      %select_n3A_62 = arith.select %eq3A_59, %broadcast_in_dim3A_61, %while3A_48 : vector<512x2048xi1>, vector<512x2048xf32>
      %reduce_max3A = arith.constant dense<0xFF800000> : vector<512xf32>
      %reduce_max3A_63 = vector.multi_reduction <maximumf>, %while3A_46, %reduce_max3A [1] : vector<512x10xf32> to vector<512xf32>
      %broadcast_in_dim3A_64 = vector.shape_cast %reduce_max3A_63 : vector<512xf32> to vector<512x1xf32>
      %eq3A_65 = vector.broadcast %broadcast_in_dim3A_64 : vector<512x1xf32> to vector<512x10xf32>
      %eq3A_66 = arith.cmpf oeq, %while3A_46, %eq3A_65 : vector<512x10xf32>
      %broadcast_in_dim3A_67 = vector.broadcast %while3A : i32 to vector<512x10xi32>
      %select_n3A_68 = arith.select %eq3A_66, %iota3A_24, %broadcast_in_dim3A_67 : vector<512x10xi1>, vector<512x10xi32>
      %reduce_min3A_69 = arith.constant dense<2147483647> : vector<512xi32>
      %reduce_min3A_70 = vector.multi_reduction <minsi>, %select_n3A_68, %reduce_min3A_69 [1] : vector<512x10xi32> to vector<512xi32>
      %lt3A_71 = arith.cmpf olt, %reduce_min3A_49, %reduce_max3A_63 : vector<512xf32>
      %broadcast_in_dim3A_72 = vector.shape_cast %reduce_min3A_70 : vector<512xi32> to vector<512x1xi32>
      %eq3A_73 = vector.broadcast %broadcast_in_dim3A_72 : vector<512x1xi32> to vector<512x10xi32>
      %eq3A_74 = arith.cmpi eq, %iota3A_24, %eq3A_73 : vector<512x10xi32>
      %broadcast_in_dim3A_75 = vector.shape_cast %lt3A_71 : vector<512xi1> to vector<512x1xi1>
      %and3A = vector.broadcast %broadcast_in_dim3A_75 : vector<512x1xi1> to vector<512x10xi1>
      %and3A_76 = arith.andi %eq3A_74, %and3A : vector<512x10xi1>
      %broadcast_in_dim3A_77 = vector.shape_cast %reduce_min3A_49 : vector<512xf32> to vector<512x1xf32>
      %broadcast_in_dim3A_78 = vector.shape_cast %broadcast_in_dim3A_77 : vector<512x1xf32> to vector<512x1xf32>
      %broadcast_in_dim3A_79 = vector.broadcast %broadcast_in_dim3A_78 : vector<512x1xf32> to vector<512x10xf32>
      %select_n3A_80 = arith.select %and3A_76, %broadcast_in_dim3A_79, %while3A_46 : vector<512x10xi1>, vector<512x10xf32>
      %broadcast_in_dim3A_81 = vector.shape_cast %reduce_min3A_56 : vector<512xi32> to vector<512x1xi32>
      %broadcast_in_dim3A_82 = vector.shape_cast %broadcast_in_dim3A_81 : vector<512x1xi32> to vector<512x1xi32>
      %broadcast_in_dim3A_83 = vector.broadcast %broadcast_in_dim3A_82 : vector<512x1xi32> to vector<512x10xi32>
      %select_n3A_84 = arith.select %and3A_76, %broadcast_in_dim3A_83, %while3A_47 : vector<512x10xi1>, vector<512x10xi32>
      %add3A_85 = arith.constant 1 : i32
      %add3A_86 = arith.addi %while3A_44, %add3A_85 : i32
      %reduce_or3A = arith.constant 1.000000e+00 : f32
      %reduce_or3A_87 = arith.constant 0.000000e+00 : f32
      %reduce_or3A_88 = vector.broadcast %reduce_or3A : f32 to vector<512xf32>
      %reduce_or3A_89 = vector.broadcast %reduce_or3A_87 : f32 to vector<512xf32>
      %reduce_or3A_90 = arith.select %lt3A_71, %reduce_or3A_88, %reduce_or3A_89 : vector<512xi1>, vector<512xf32>
      %reduce_or3A_91 = vector.shape_cast %reduce_or3A_90 : vector<512xf32> to vector<1x512xf32>
      %reduce_or3A_92 = arith.constant dense<0xFF800000> : vector<1xf32>
      %reduce_or3A_93 = vector.multi_reduction <maximumf>, %reduce_or3A_91, %reduce_or3A_92 [1] : vector<1x512xf32> to vector<1xf32>
      %reduce_or3A_94 = vector.shape_cast %reduce_or3A_93 : vector<1xf32> to vector<1x1xf32>
      %reduce_or3A_95 = vector.extract %reduce_or3A_94[0, 0] : f32 from vector<1x1xf32>
      %reduce_or3A_96 = arith.constant 0.000000e+00 : f32
      %reduce_or3A_97 = arith.cmpf ogt, %reduce_or3A_95, %reduce_or3A_96 : f32
      scf.yield %add3A_86, %reduce_or3A_97, %select_n3A_80, %select_n3A_84, %select_n3A_62 : i32, i1, vector<512x10xf32>, vector<512x10xi32>, vector<512x2048xf32>
    }
    %swap3A = arith.constant 0 : index
    %swap3A_34 = arith.constant 0 : index
    %swap3A_35 = vector.load %arg7[%swap3A, %swap3A_34] : memref<512x10xf32, #tpu.memory_space<vmem>>, vector<512x10xf32>
    tpu.vector_store %arg7[%swap3A, %swap3A_34], %while3A_33#2 {strides = array<i32>} : memref<512x10xf32, #tpu.memory_space<vmem>>, vector<512x10xf32>,
    %swap3A_36 = arith.constant 0 : index
    %swap3A_37 = arith.constant 0 : index
    %swap3A_38 = vector.load %arg8[%swap3A_36, %swap3A_37] : memref<512x10xi32, #tpu.memory_space<vmem>>, vector<512x10xi32>
    tpu.vector_store %arg8[%swap3A_36, %swap3A_37], %while3A_33#3 {strides = array<i32>} : memref<512x10xi32, #tpu.memory_space<vmem>>, vector<512x10xi32>,
    %eq3A_39 = arith.constant 4 : i32
    %eq3A_40 = arith.cmpi eq, %arg1, %eq3A_39 : i32
    %convert_element_type3A_41 = arith.extui %eq3A_40 : i1 to i32
    %cond3A_42 = arith.constant 0 : i32
    %cond3A_43 = arith.cmpi ne, %convert_element_type3A_41, %cond3A_42 : i32
    scf.if %cond3A_43 {
      %get3A_44 = arith.constant 0 : index
      %get3A_45 = arith.constant 0 : index
      %get3A_46 = vector.load %arg8[%get3A_44, %get3A_45] : memref<512x10xi32, #tpu.memory_space<vmem>>, vector<512x10xi32>
      %swap3A_47 = arith.constant 0 : index
      %swap3A_48 = arith.constant 0 : index
      %swap3A_49 = vector.load %arg6[%swap3A_47, %swap3A_48] : memref<512x10xi32, #tpu.memory_space<vmem>>, vector<512x10xi32>
      tpu.vector_store %arg6[%swap3A_47, %swap3A_48], %get3A_46 {strides = array<i32>} : memref<512x10xi32, #tpu.memory_space<vmem>>, vector<512x10xi32>,
    } else {
    }
    return
  }
  func.func @transform_0(%arg0: i32, %arg1: i32) -> (i32, i32) {
    %c0_i32 = arith.constant 0 : i32
    %c0_i32_0 = arith.constant 0 : i32
    return %arg0, %c0_i32 : i32, i32
  }
  func.func @transform_1(%arg0: i32, %arg1: i32) -> (i32, i32) {
    %c0_i32 = arith.constant 0 : i32
    %c0_i32_0 = arith.constant 0 : i32
    return %c0_i32, %arg1 : i32, i32
  }
  func.func @transform_2(%arg0: i32, %arg1: i32) -> (i32, i32) {
    %c0_i32 = arith.constant 0 : i32
    %c0_i32_0 = arith.constant 0 : i32
    return %arg0, %c0_i32 : i32, i32
  }
  func.func @transform_3(%arg0: i32, %arg1: i32) -> (i32, i32) {
    %c0_i32 = arith.constant 0 : i32
    %c0_i32_0 = arith.constant 0 : i32
    return %c0_i32, %arg1 : i32, i32
  }
  func.func @transform_4(%arg0: i32, %arg1: i32) -> (i32, i32) {
    %c0_i32 = arith.constant 0 : i32
    %c0_i32_0 = arith.constant 0 : i32
    return %arg0, %c0_i32 : i32, i32
  }
}

module attributes {stable_mosaic.version = 14 : i64} {
  func.func @_edge_exact_body(%arg0: i32, %arg1: memref<512x10x128xf32, #tpu.memory_space<vmem>>, %arg2: memref<512x6xf32, #tpu.memory_space<vmem>>, %arg3: memref<12x64xf32, #tpu.memory_space<vmem>>, %arg4: memref<64x64xf32, #tpu.memory_space<vmem>>, %arg5: memref<2xf32, #tpu.memory_space<smem>>, %arg6: memref<512x64xf32, #tpu.memory_space<vmem>>) attributes {dimension_semantics = [#tpu.dimension_semantics<arbitrary>], iteration_bounds = array<i64: 20>, scalar_prefetch = 0 : i64, scratch_operands = 0 : i64, tpu.core_type = #tpu.core_type<tc>, window_params = [{transform_indices = @transform_0, window_bounds = array<i64: 512, 10, 128>}, {transform_indices = @transform_1, window_bounds = array<i64: 512, 6>}, {pipeline_mode = #tpu.pipeline_mode<synchronous>, transform_indices = @transform_2, window_bounds = array<i64: 12, 64>}, {pipeline_mode = #tpu.pipeline_mode<synchronous>, transform_indices = @transform_3, window_bounds = array<i64: 64, 64>}, {transform_indices = @transform_4, window_bounds = array<i64: 2>}, {transform_indices = @transform_5, window_bounds = array<i64: 512, 64>}]} {
    %get3A = arith.constant 0 : index
    %get3A_0 = memref.load %arg5[%get3A] : memref<2xf32, #tpu.memory_space<smem>>
    %get3A_1 = arith.constant 1 : index
    %get3A_2 = memref.load %arg5[%get3A_1] : memref<2xf32, #tpu.memory_space<smem>>
    %get3A_3 = arith.constant 0 : index
    %get3A_4 = arith.constant 0 : index
    %get3A_5 = vector.load %arg2[%get3A_3, %get3A_4] : memref<512x6xf32, #tpu.memory_space<vmem>>, vector<512x6xf32>
    %get3A_6 = arith.constant 0 : index
    %get3A_7 = arith.constant 0 : index
    %get3A_8 = vector.load %arg3[%get3A_6, %get3A_7] : memref<12x64xf32, #tpu.memory_space<vmem>>, vector<12x64xf32>
    %get3A_9 = arith.constant 0 : index
    %get3A_10 = arith.constant 0 : index
    %get3A_11 = vector.load %arg4[%get3A_9, %get3A_10] : memref<64x64xf32, #tpu.memory_space<vmem>>, vector<64x64xf32>
    %broadcast_in_dim3A = arith.constant -3.400000e+38 : f32
    %broadcast_in_dim3A_12 = vector.broadcast %broadcast_in_dim3A : f32 to vector<512x64xf32>
    %get3A_13 = arith.constant 0 : index
    %get3A_14 = arith.constant 0 : index
    %get3A_15 = arith.constant 0 : index
    %get3A_16 = vector.load %arg1[%get3A_13, %get3A_14, %get3A_15] : memref<512x10x128xf32, #tpu.memory_space<vmem>>, vector<512x1x6xf32>
    %get3A_17 = vector.shape_cast %get3A_16 : vector<512x1x6xf32> to vector<512x6xf32>
    %sub3A = arith.subf %get3A_17, %get3A_5 : vector<512x6xf32>
    %concatenate3A = tpu.concatenate %sub3A, %get3A_5 in 1 : vector<512x6xf32>, vector<512x6xf32> -> vector<512x12xf32>
    %dot_general3A = arith.constant dense<0.000000e+00> : vector<512x64xf32>
    %dot_general3A_18 = tpu.matmul %concatenate3A, %get3A_8, %dot_general3A {dimension_numbers = #tpu.dot_dimension_numbers<[1], [0], [0], [1], [0, 0, 1, 1], [], []>, transpose_lhs_hint = false} : vector<512x12xf32>, vector<12x64xf32>, vector<512x64xf32> -> vector<512x64xf32>
    %ge3A = arith.constant 0.000000e+00 : f32
    %ge3A_19 = vector.broadcast %ge3A : f32 to vector<512x64xf32>
    %ge3A_20 = arith.cmpf oge, %dot_general3A_18, %ge3A_19 : vector<512x64xf32>
    %mul3A = vector.broadcast %get3A_0 : f32 to vector<512x64xf32>
    %mul3A_21 = arith.mulf %mul3A, %dot_general3A_18 : vector<512x64xf32>
    %select_n3A = arith.select %ge3A_20, %dot_general3A_18, %mul3A_21 : vector<512x64xi1>, vector<512x64xf32>
    %dot_general3A_22 = arith.constant dense<0.000000e+00> : vector<512x64xf32>
    %dot_general3A_23 = tpu.matmul %select_n3A, %get3A_11, %dot_general3A_22 {dimension_numbers = #tpu.dot_dimension_numbers<[1], [0], [0], [1], [0, 0, 1, 1], [], []>, transpose_lhs_hint = false} : vector<512x64xf32>, vector<64x64xf32>, vector<512x64xf32> -> vector<512x64xf32>
    %ge3A_24 = arith.constant 0.000000e+00 : f32
    %ge3A_25 = vector.broadcast %ge3A_24 : f32 to vector<512x64xf32>
    %ge3A_26 = arith.cmpf oge, %dot_general3A_23, %ge3A_25 : vector<512x64xf32>
    %mul3A_27 = vector.broadcast %get3A_2 : f32 to vector<512x64xf32>
    %mul3A_28 = arith.mulf %mul3A_27, %dot_general3A_23 : vector<512x64xf32>
    %select_n3A_29 = arith.select %ge3A_26, %dot_general3A_23, %mul3A_28 : vector<512x64xi1>, vector<512x64xf32>
    %max3A = arith.maximumf %broadcast_in_dim3A_12, %select_n3A_29 : vector<512x64xf32>
    %get3A_30 = arith.constant 0 : index
    %get3A_31 = arith.constant 1 : index
    %get3A_32 = arith.constant 0 : index
    %get3A_33 = vector.load %arg1[%get3A_30, %get3A_31, %get3A_32] : memref<512x10x128xf32, #tpu.memory_space<vmem>>, vector<512x1x6xf32>
    %get3A_34 = vector.shape_cast %get3A_33 : vector<512x1x6xf32> to vector<512x6xf32>
    %sub3A_35 = arith.subf %get3A_34, %get3A_5 : vector<512x6xf32>
    %concatenate3A_36 = tpu.concatenate %sub3A_35, %get3A_5 in 1 : vector<512x6xf32>, vector<512x6xf32> -> vector<512x12xf32>
    %dot_general3A_37 = arith.constant dense<0.000000e+00> : vector<512x64xf32>
    %dot_general3A_38 = tpu.matmul %concatenate3A_36, %get3A_8, %dot_general3A_37 {dimension_numbers = #tpu.dot_dimension_numbers<[1], [0], [0], [1], [0, 0, 1, 1], [], []>, transpose_lhs_hint = false} : vector<512x12xf32>, vector<12x64xf32>, vector<512x64xf32> -> vector<512x64xf32>
    %ge3A_39 = arith.constant 0.000000e+00 : f32
    %ge3A_40 = vector.broadcast %ge3A_39 : f32 to vector<512x64xf32>
    %ge3A_41 = arith.cmpf oge, %dot_general3A_38, %ge3A_40 : vector<512x64xf32>
    %mul3A_42 = vector.broadcast %get3A_0 : f32 to vector<512x64xf32>
    %mul3A_43 = arith.mulf %mul3A_42, %dot_general3A_38 : vector<512x64xf32>
    %select_n3A_44 = arith.select %ge3A_41, %dot_general3A_38, %mul3A_43 : vector<512x64xi1>, vector<512x64xf32>
    %dot_general3A_45 = arith.constant dense<0.000000e+00> : vector<512x64xf32>
    %dot_general3A_46 = tpu.matmul %select_n3A_44, %get3A_11, %dot_general3A_45 {dimension_numbers = #tpu.dot_dimension_numbers<[1], [0], [0], [1], [0, 0, 1, 1], [], []>, transpose_lhs_hint = false} : vector<512x64xf32>, vector<64x64xf32>, vector<512x64xf32> -> vector<512x64xf32>
    %ge3A_47 = arith.constant 0.000000e+00 : f32
    %ge3A_48 = vector.broadcast %ge3A_47 : f32 to vector<512x64xf32>
    %ge3A_49 = arith.cmpf oge, %dot_general3A_46, %ge3A_48 : vector<512x64xf32>
    %mul3A_50 = vector.broadcast %get3A_2 : f32 to vector<512x64xf32>
    %mul3A_51 = arith.mulf %mul3A_50, %dot_general3A_46 : vector<512x64xf32>
    %select_n3A_52 = arith.select %ge3A_49, %dot_general3A_46, %mul3A_51 : vector<512x64xi1>, vector<512x64xf32>
    %max3A_53 = arith.maximumf %max3A, %select_n3A_52 : vector<512x64xf32>
    %get3A_54 = arith.constant 0 : index
    %get3A_55 = arith.constant 2 : index
    %get3A_56 = arith.constant 0 : index
    %get3A_57 = vector.load %arg1[%get3A_54, %get3A_55, %get3A_56] : memref<512x10x128xf32, #tpu.memory_space<vmem>>, vector<512x1x6xf32>
    %get3A_58 = vector.shape_cast %get3A_57 : vector<512x1x6xf32> to vector<512x6xf32>
    %sub3A_59 = arith.subf %get3A_58, %get3A_5 : vector<512x6xf32>
    %concatenate3A_60 = tpu.concatenate %sub3A_59, %get3A_5 in 1 : vector<512x6xf32>, vector<512x6xf32> -> vector<512x12xf32>
    %dot_general3A_61 = arith.constant dense<0.000000e+00> : vector<512x64xf32>
    %dot_general3A_62 = tpu.matmul %concatenate3A_60, %get3A_8, %dot_general3A_61 {dimension_numbers = #tpu.dot_dimension_numbers<[1], [0], [0], [1], [0, 0, 1, 1], [], []>, transpose_lhs_hint = false} : vector<512x12xf32>, vector<12x64xf32>, vector<512x64xf32> -> vector<512x64xf32>
    %ge3A_63 = arith.constant 0.000000e+00 : f32
    %ge3A_64 = vector.broadcast %ge3A_63 : f32 to vector<512x64xf32>
    %ge3A_65 = arith.cmpf oge, %dot_general3A_62, %ge3A_64 : vector<512x64xf32>
    %mul3A_66 = vector.broadcast %get3A_0 : f32 to vector<512x64xf32>
    %mul3A_67 = arith.mulf %mul3A_66, %dot_general3A_62 : vector<512x64xf32>
    %select_n3A_68 = arith.select %ge3A_65, %dot_general3A_62, %mul3A_67 : vector<512x64xi1>, vector<512x64xf32>
    %dot_general3A_69 = arith.constant dense<0.000000e+00> : vector<512x64xf32>
    %dot_general3A_70 = tpu.matmul %select_n3A_68, %get3A_11, %dot_general3A_69 {dimension_numbers = #tpu.dot_dimension_numbers<[1], [0], [0], [1], [0, 0, 1, 1], [], []>, transpose_lhs_hint = false} : vector<512x64xf32>, vector<64x64xf32>, vector<512x64xf32> -> vector<512x64xf32>
    %ge3A_71 = arith.constant 0.000000e+00 : f32
    %ge3A_72 = vector.broadcast %ge3A_71 : f32 to vector<512x64xf32>
    %ge3A_73 = arith.cmpf oge, %dot_general3A_70, %ge3A_72 : vector<512x64xf32>
    %mul3A_74 = vector.broadcast %get3A_2 : f32 to vector<512x64xf32>
    %mul3A_75 = arith.mulf %mul3A_74, %dot_general3A_70 : vector<512x64xf32>
    %select_n3A_76 = arith.select %ge3A_73, %dot_general3A_70, %mul3A_75 : vector<512x64xi1>, vector<512x64xf32>
    %max3A_77 = arith.maximumf %max3A_53, %select_n3A_76 : vector<512x64xf32>
    %get3A_78 = arith.constant 0 : index
    %get3A_79 = arith.constant 3 : index
    %get3A_80 = arith.constant 0 : index
    %get3A_81 = vector.load %arg1[%get3A_78, %get3A_79, %get3A_80] : memref<512x10x128xf32, #tpu.memory_space<vmem>>, vector<512x1x6xf32>
    %get3A_82 = vector.shape_cast %get3A_81 : vector<512x1x6xf32> to vector<512x6xf32>
    %sub3A_83 = arith.subf %get3A_82, %get3A_5 : vector<512x6xf32>
    %concatenate3A_84 = tpu.concatenate %sub3A_83, %get3A_5 in 1 : vector<512x6xf32>, vector<512x6xf32> -> vector<512x12xf32>
    %dot_general3A_85 = arith.constant dense<0.000000e+00> : vector<512x64xf32>
    %dot_general3A_86 = tpu.matmul %concatenate3A_84, %get3A_8, %dot_general3A_85 {dimension_numbers = #tpu.dot_dimension_numbers<[1], [0], [0], [1], [0, 0, 1, 1], [], []>, transpose_lhs_hint = false} : vector<512x12xf32>, vector<12x64xf32>, vector<512x64xf32> -> vector<512x64xf32>
    %ge3A_87 = arith.constant 0.000000e+00 : f32
    %ge3A_88 = vector.broadcast %ge3A_87 : f32 to vector<512x64xf32>
    %ge3A_89 = arith.cmpf oge, %dot_general3A_86, %ge3A_88 : vector<512x64xf32>
    %mul3A_90 = vector.broadcast %get3A_0 : f32 to vector<512x64xf32>
    %mul3A_91 = arith.mulf %mul3A_90, %dot_general3A_86 : vector<512x64xf32>
    %select_n3A_92 = arith.select %ge3A_89, %dot_general3A_86, %mul3A_91 : vector<512x64xi1>, vector<512x64xf32>
    %dot_general3A_93 = arith.constant dense<0.000000e+00> : vector<512x64xf32>
    %dot_general3A_94 = tpu.matmul %select_n3A_92, %get3A_11, %dot_general3A_93 {dimension_numbers = #tpu.dot_dimension_numbers<[1], [0], [0], [1], [0, 0, 1, 1], [], []>, transpose_lhs_hint = false} : vector<512x64xf32>, vector<64x64xf32>, vector<512x64xf32> -> vector<512x64xf32>
    %ge3A_95 = arith.constant 0.000000e+00 : f32
    %ge3A_96 = vector.broadcast %ge3A_95 : f32 to vector<512x64xf32>
    %ge3A_97 = arith.cmpf oge, %dot_general3A_94, %ge3A_96 : vector<512x64xf32>
    %mul3A_98 = vector.broadcast %get3A_2 : f32 to vector<512x64xf32>
    %mul3A_99 = arith.mulf %mul3A_98, %dot_general3A_94 : vector<512x64xf32>
    %select_n3A_100 = arith.select %ge3A_97, %dot_general3A_94, %mul3A_99 : vector<512x64xi1>, vector<512x64xf32>
    %max3A_101 = arith.maximumf %max3A_77, %select_n3A_100 : vector<512x64xf32>
    %get3A_102 = arith.constant 0 : index
    %get3A_103 = arith.constant 4 : index
    %get3A_104 = arith.constant 0 : index
    %get3A_105 = vector.load %arg1[%get3A_102, %get3A_103, %get3A_104] : memref<512x10x128xf32, #tpu.memory_space<vmem>>, vector<512x1x6xf32>
    %get3A_106 = vector.shape_cast %get3A_105 : vector<512x1x6xf32> to vector<512x6xf32>
    %sub3A_107 = arith.subf %get3A_106, %get3A_5 : vector<512x6xf32>
    %concatenate3A_108 = tpu.concatenate %sub3A_107, %get3A_5 in 1 : vector<512x6xf32>, vector<512x6xf32> -> vector<512x12xf32>
    %dot_general3A_109 = arith.constant dense<0.000000e+00> : vector<512x64xf32>
    %dot_general3A_110 = tpu.matmul %concatenate3A_108, %get3A_8, %dot_general3A_109 {dimension_numbers = #tpu.dot_dimension_numbers<[1], [0], [0], [1], [0, 0, 1, 1], [], []>, transpose_lhs_hint = false} : vector<512x12xf32>, vector<12x64xf32>, vector<512x64xf32> -> vector<512x64xf32>
    %ge3A_111 = arith.constant 0.000000e+00 : f32
    %ge3A_112 = vector.broadcast %ge3A_111 : f32 to vector<512x64xf32>
    %ge3A_113 = arith.cmpf oge, %dot_general3A_110, %ge3A_112 : vector<512x64xf32>
    %mul3A_114 = vector.broadcast %get3A_0 : f32 to vector<512x64xf32>
    %mul3A_115 = arith.mulf %mul3A_114, %dot_general3A_110 : vector<512x64xf32>
    %select_n3A_116 = arith.select %ge3A_113, %dot_general3A_110, %mul3A_115 : vector<512x64xi1>, vector<512x64xf32>
    %dot_general3A_117 = arith.constant dense<0.000000e+00> : vector<512x64xf32>
    %dot_general3A_118 = tpu.matmul %select_n3A_116, %get3A_11, %dot_general3A_117 {dimension_numbers = #tpu.dot_dimension_numbers<[1], [0], [0], [1], [0, 0, 1, 1], [], []>, transpose_lhs_hint = false} : vector<512x64xf32>, vector<64x64xf32>, vector<512x64xf32> -> vector<512x64xf32>
    %ge3A_119 = arith.constant 0.000000e+00 : f32
    %ge3A_120 = vector.broadcast %ge3A_119 : f32 to vector<512x64xf32>
    %ge3A_121 = arith.cmpf oge, %dot_general3A_118, %ge3A_120 : vector<512x64xf32>
    %mul3A_122 = vector.broadcast %get3A_2 : f32 to vector<512x64xf32>
    %mul3A_123 = arith.mulf %mul3A_122, %dot_general3A_118 : vector<512x64xf32>
    %select_n3A_124 = arith.select %ge3A_121, %dot_general3A_118, %mul3A_123 : vector<512x64xi1>, vector<512x64xf32>
    %max3A_125 = arith.maximumf %max3A_101, %select_n3A_124 : vector<512x64xf32>
    %get3A_126 = arith.constant 0 : index
    %get3A_127 = arith.constant 5 : index
    %get3A_128 = arith.constant 0 : index
    %get3A_129 = vector.load %arg1[%get3A_126, %get3A_127, %get3A_128] : memref<512x10x128xf32, #tpu.memory_space<vmem>>, vector<512x1x6xf32>
    %get3A_130 = vector.shape_cast %get3A_129 : vector<512x1x6xf32> to vector<512x6xf32>
    %sub3A_131 = arith.subf %get3A_130, %get3A_5 : vector<512x6xf32>
    %concatenate3A_132 = tpu.concatenate %sub3A_131, %get3A_5 in 1 : vector<512x6xf32>, vector<512x6xf32> -> vector<512x12xf32>
    %dot_general3A_133 = arith.constant dense<0.000000e+00> : vector<512x64xf32>
    %dot_general3A_134 = tpu.matmul %concatenate3A_132, %get3A_8, %dot_general3A_133 {dimension_numbers = #tpu.dot_dimension_numbers<[1], [0], [0], [1], [0, 0, 1, 1], [], []>, transpose_lhs_hint = false} : vector<512x12xf32>, vector<12x64xf32>, vector<512x64xf32> -> vector<512x64xf32>
    %ge3A_135 = arith.constant 0.000000e+00 : f32
    %ge3A_136 = vector.broadcast %ge3A_135 : f32 to vector<512x64xf32>
    %ge3A_137 = arith.cmpf oge, %dot_general3A_134, %ge3A_136 : vector<512x64xf32>
    %mul3A_138 = vector.broadcast %get3A_0 : f32 to vector<512x64xf32>
    %mul3A_139 = arith.mulf %mul3A_138, %dot_general3A_134 : vector<512x64xf32>
    %select_n3A_140 = arith.select %ge3A_137, %dot_general3A_134, %mul3A_139 : vector<512x64xi1>, vector<512x64xf32>
    %dot_general3A_141 = arith.constant dense<0.000000e+00> : vector<512x64xf32>
    %dot_general3A_142 = tpu.matmul %select_n3A_140, %get3A_11, %dot_general3A_141 {dimension_numbers = #tpu.dot_dimension_numbers<[1], [0], [0], [1], [0, 0, 1, 1], [], []>, transpose_lhs_hint = false} : vector<512x64xf32>, vector<64x64xf32>, vector<512x64xf32> -> vector<512x64xf32>
    %ge3A_143 = arith.constant 0.000000e+00 : f32
    %ge3A_144 = vector.broadcast %ge3A_143 : f32 to vector<512x64xf32>
    %ge3A_145 = arith.cmpf oge, %dot_general3A_142, %ge3A_144 : vector<512x64xf32>
    %mul3A_146 = vector.broadcast %get3A_2 : f32 to vector<512x64xf32>
    %mul3A_147 = arith.mulf %mul3A_146, %dot_general3A_142 : vector<512x64xf32>
    %select_n3A_148 = arith.select %ge3A_145, %dot_general3A_142, %mul3A_147 : vector<512x64xi1>, vector<512x64xf32>
    %max3A_149 = arith.maximumf %max3A_125, %select_n3A_148 : vector<512x64xf32>
    %get3A_150 = arith.constant 0 : index
    %get3A_151 = arith.constant 6 : index
    %get3A_152 = arith.constant 0 : index
    %get3A_153 = vector.load %arg1[%get3A_150, %get3A_151, %get3A_152] : memref<512x10x128xf32, #tpu.memory_space<vmem>>, vector<512x1x6xf32>
    %get3A_154 = vector.shape_cast %get3A_153 : vector<512x1x6xf32> to vector<512x6xf32>
    %sub3A_155 = arith.subf %get3A_154, %get3A_5 : vector<512x6xf32>
    %concatenate3A_156 = tpu.concatenate %sub3A_155, %get3A_5 in 1 : vector<512x6xf32>, vector<512x6xf32> -> vector<512x12xf32>
    %dot_general3A_157 = arith.constant dense<0.000000e+00> : vector<512x64xf32>
    %dot_general3A_158 = tpu.matmul %concatenate3A_156, %get3A_8, %dot_general3A_157 {dimension_numbers = #tpu.dot_dimension_numbers<[1], [0], [0], [1], [0, 0, 1, 1], [], []>, transpose_lhs_hint = false} : vector<512x12xf32>, vector<12x64xf32>, vector<512x64xf32> -> vector<512x64xf32>
    %ge3A_159 = arith.constant 0.000000e+00 : f32
    %ge3A_160 = vector.broadcast %ge3A_159 : f32 to vector<512x64xf32>
    %ge3A_161 = arith.cmpf oge, %dot_general3A_158, %ge3A_160 : vector<512x64xf32>
    %mul3A_162 = vector.broadcast %get3A_0 : f32 to vector<512x64xf32>
    %mul3A_163 = arith.mulf %mul3A_162, %dot_general3A_158 : vector<512x64xf32>
    %select_n3A_164 = arith.select %ge3A_161, %dot_general3A_158, %mul3A_163 : vector<512x64xi1>, vector<512x64xf32>
    %dot_general3A_165 = arith.constant dense<0.000000e+00> : vector<512x64xf32>
    %dot_general3A_166 = tpu.matmul %select_n3A_164, %get3A_11, %dot_general3A_165 {dimension_numbers = #tpu.dot_dimension_numbers<[1], [0], [0], [1], [0, 0, 1, 1], [], []>, transpose_lhs_hint = false} : vector<512x64xf32>, vector<64x64xf32>, vector<512x64xf32> -> vector<512x64xf32>
    %ge3A_167 = arith.constant 0.000000e+00 : f32
    %ge3A_168 = vector.broadcast %ge3A_167 : f32 to vector<512x64xf32>
    %ge3A_169 = arith.cmpf oge, %dot_general3A_166, %ge3A_168 : vector<512x64xf32>
    %mul3A_170 = vector.broadcast %get3A_2 : f32 to vector<512x64xf32>
    %mul3A_171 = arith.mulf %mul3A_170, %dot_general3A_166 : vector<512x64xf32>
    %select_n3A_172 = arith.select %ge3A_169, %dot_general3A_166, %mul3A_171 : vector<512x64xi1>, vector<512x64xf32>
    %max3A_173 = arith.maximumf %max3A_149, %select_n3A_172 : vector<512x64xf32>
    %get3A_174 = arith.constant 0 : index
    %get3A_175 = arith.constant 7 : index
    %get3A_176 = arith.constant 0 : index
    %get3A_177 = vector.load %arg1[%get3A_174, %get3A_175, %get3A_176] : memref<512x10x128xf32, #tpu.memory_space<vmem>>, vector<512x1x6xf32>
    %get3A_178 = vector.shape_cast %get3A_177 : vector<512x1x6xf32> to vector<512x6xf32>
    %sub3A_179 = arith.subf %get3A_178, %get3A_5 : vector<512x6xf32>
    %concatenate3A_180 = tpu.concatenate %sub3A_179, %get3A_5 in 1 : vector<512x6xf32>, vector<512x6xf32> -> vector<512x12xf32>
    %dot_general3A_181 = arith.constant dense<0.000000e+00> : vector<512x64xf32>
    %dot_general3A_182 = tpu.matmul %concatenate3A_180, %get3A_8, %dot_general3A_181 {dimension_numbers = #tpu.dot_dimension_numbers<[1], [0], [0], [1], [0, 0, 1, 1], [], []>, transpose_lhs_hint = false} : vector<512x12xf32>, vector<12x64xf32>, vector<512x64xf32> -> vector<512x64xf32>
    %ge3A_183 = arith.constant 0.000000e+00 : f32
    %ge3A_184 = vector.broadcast %ge3A_183 : f32 to vector<512x64xf32>
    %ge3A_185 = arith.cmpf oge, %dot_general3A_182, %ge3A_184 : vector<512x64xf32>
    %mul3A_186 = vector.broadcast %get3A_0 : f32 to vector<512x64xf32>
    %mul3A_187 = arith.mulf %mul3A_186, %dot_general3A_182 : vector<512x64xf32>
    %select_n3A_188 = arith.select %ge3A_185, %dot_general3A_182, %mul3A_187 : vector<512x64xi1>, vector<512x64xf32>
    %dot_general3A_189 = arith.constant dense<0.000000e+00> : vector<512x64xf32>
    %dot_general3A_190 = tpu.matmul %select_n3A_188, %get3A_11, %dot_general3A_189 {dimension_numbers = #tpu.dot_dimension_numbers<[1], [0], [0], [1], [0, 0, 1, 1], [], []>, transpose_lhs_hint = false} : vector<512x64xf32>, vector<64x64xf32>, vector<512x64xf32> -> vector<512x64xf32>
    %ge3A_191 = arith.constant 0.000000e+00 : f32
    %ge3A_192 = vector.broadcast %ge3A_191 : f32 to vector<512x64xf32>
    %ge3A_193 = arith.cmpf oge, %dot_general3A_190, %ge3A_192 : vector<512x64xf32>
    %mul3A_194 = vector.broadcast %get3A_2 : f32 to vector<512x64xf32>
    %mul3A_195 = arith.mulf %mul3A_194, %dot_general3A_190 : vector<512x64xf32>
    %select_n3A_196 = arith.select %ge3A_193, %dot_general3A_190, %mul3A_195 : vector<512x64xi1>, vector<512x64xf32>
    %max3A_197 = arith.maximumf %max3A_173, %select_n3A_196 : vector<512x64xf32>
    %get3A_198 = arith.constant 0 : index
    %get3A_199 = arith.constant 8 : index
    %get3A_200 = arith.constant 0 : index
    %get3A_201 = vector.load %arg1[%get3A_198, %get3A_199, %get3A_200] : memref<512x10x128xf32, #tpu.memory_space<vmem>>, vector<512x1x6xf32>
    %get3A_202 = vector.shape_cast %get3A_201 : vector<512x1x6xf32> to vector<512x6xf32>
    %sub3A_203 = arith.subf %get3A_202, %get3A_5 : vector<512x6xf32>
    %concatenate3A_204 = tpu.concatenate %sub3A_203, %get3A_5 in 1 : vector<512x6xf32>, vector<512x6xf32> -> vector<512x12xf32>
    %dot_general3A_205 = arith.constant dense<0.000000e+00> : vector<512x64xf32>
    %dot_general3A_206 = tpu.matmul %concatenate3A_204, %get3A_8, %dot_general3A_205 {dimension_numbers = #tpu.dot_dimension_numbers<[1], [0], [0], [1], [0, 0, 1, 1], [], []>, transpose_lhs_hint = false} : vector<512x12xf32>, vector<12x64xf32>, vector<512x64xf32> -> vector<512x64xf32>
    %ge3A_207 = arith.constant 0.000000e+00 : f32
    %ge3A_208 = vector.broadcast %ge3A_207 : f32 to vector<512x64xf32>
    %ge3A_209 = arith.cmpf oge, %dot_general3A_206, %ge3A_208 : vector<512x64xf32>
    %mul3A_210 = vector.broadcast %get3A_0 : f32 to vector<512x64xf32>
    %mul3A_211 = arith.mulf %mul3A_210, %dot_general3A_206 : vector<512x64xf32>
    %select_n3A_212 = arith.select %ge3A_209, %dot_general3A_206, %mul3A_211 : vector<512x64xi1>, vector<512x64xf32>
    %dot_general3A_213 = arith.constant dense<0.000000e+00> : vector<512x64xf32>
    %dot_general3A_214 = tpu.matmul %select_n3A_212, %get3A_11, %dot_general3A_213 {dimension_numbers = #tpu.dot_dimension_numbers<[1], [0], [0], [1], [0, 0, 1, 1], [], []>, transpose_lhs_hint = false} : vector<512x64xf32>, vector<64x64xf32>, vector<512x64xf32> -> vector<512x64xf32>
    %ge3A_215 = arith.constant 0.000000e+00 : f32
    %ge3A_216 = vector.broadcast %ge3A_215 : f32 to vector<512x64xf32>
    %ge3A_217 = arith.cmpf oge, %dot_general3A_214, %ge3A_216 : vector<512x64xf32>
    %mul3A_218 = vector.broadcast %get3A_2 : f32 to vector<512x64xf32>
    %mul3A_219 = arith.mulf %mul3A_218, %dot_general3A_214 : vector<512x64xf32>
    %select_n3A_220 = arith.select %ge3A_217, %dot_general3A_214, %mul3A_219 : vector<512x64xi1>, vector<512x64xf32>
    %max3A_221 = arith.maximumf %max3A_197, %select_n3A_220 : vector<512x64xf32>
    %get3A_222 = arith.constant 0 : index
    %get3A_223 = arith.constant 9 : index
    %get3A_224 = arith.constant 0 : index
    %get3A_225 = vector.load %arg1[%get3A_222, %get3A_223, %get3A_224] : memref<512x10x128xf32, #tpu.memory_space<vmem>>, vector<512x1x6xf32>
    %get3A_226 = vector.shape_cast %get3A_225 : vector<512x1x6xf32> to vector<512x6xf32>
    %sub3A_227 = arith.subf %get3A_226, %get3A_5 : vector<512x6xf32>
    %concatenate3A_228 = tpu.concatenate %sub3A_227, %get3A_5 in 1 : vector<512x6xf32>, vector<512x6xf32> -> vector<512x12xf32>
    %dot_general3A_229 = arith.constant dense<0.000000e+00> : vector<512x64xf32>
    %dot_general3A_230 = tpu.matmul %concatenate3A_228, %get3A_8, %dot_general3A_229 {dimension_numbers = #tpu.dot_dimension_numbers<[1], [0], [0], [1], [0, 0, 1, 1], [], []>, transpose_lhs_hint = false} : vector<512x12xf32>, vector<12x64xf32>, vector<512x64xf32> -> vector<512x64xf32>
    %ge3A_231 = arith.constant 0.000000e+00 : f32
    %ge3A_232 = vector.broadcast %ge3A_231 : f32 to vector<512x64xf32>
    %ge3A_233 = arith.cmpf oge, %dot_general3A_230, %ge3A_232 : vector<512x64xf32>
    %mul3A_234 = vector.broadcast %get3A_0 : f32 to vector<512x64xf32>
    %mul3A_235 = arith.mulf %mul3A_234, %dot_general3A_230 : vector<512x64xf32>
    %select_n3A_236 = arith.select %ge3A_233, %dot_general3A_230, %mul3A_235 : vector<512x64xi1>, vector<512x64xf32>
    %dot_general3A_237 = arith.constant dense<0.000000e+00> : vector<512x64xf32>
    %dot_general3A_238 = tpu.matmul %select_n3A_236, %get3A_11, %dot_general3A_237 {dimension_numbers = #tpu.dot_dimension_numbers<[1], [0], [0], [1], [0, 0, 1, 1], [], []>, transpose_lhs_hint = false} : vector<512x64xf32>, vector<64x64xf32>, vector<512x64xf32> -> vector<512x64xf32>
    %ge3A_239 = arith.constant 0.000000e+00 : f32
    %ge3A_240 = vector.broadcast %ge3A_239 : f32 to vector<512x64xf32>
    %ge3A_241 = arith.cmpf oge, %dot_general3A_238, %ge3A_240 : vector<512x64xf32>
    %mul3A_242 = vector.broadcast %get3A_2 : f32 to vector<512x64xf32>
    %mul3A_243 = arith.mulf %mul3A_242, %dot_general3A_238 : vector<512x64xf32>
    %select_n3A_244 = arith.select %ge3A_241, %dot_general3A_238, %mul3A_243 : vector<512x64xi1>, vector<512x64xf32>
    %max3A_245 = arith.maximumf %max3A_221, %select_n3A_244 : vector<512x64xf32>
    %swap3A = arith.constant 0 : index
    %swap3A_246 = arith.constant 0 : index
    %swap3A_247 = vector.load %arg6[%swap3A, %swap3A_246] : memref<512x64xf32, #tpu.memory_space<vmem>>, vector<512x64xf32>
    tpu.vector_store %arg6[%swap3A, %swap3A_246], %max3A_245 {strides = array<i32>} : memref<512x64xf32, #tpu.memory_space<vmem>>, vector<512x64xf32>,
    return
  }
  func.func @transform_0(%arg0: i32) -> (i32, i32, i32) {
    %c0_i32 = arith.constant 0 : i32
    %c0_i32_0 = arith.constant 0 : i32
    %c0_i32_1 = arith.constant 0 : i32
    return %arg0, %c0_i32, %c0_i32_0 : i32, i32, i32
  }
  func.func @transform_1(%arg0: i32) -> (i32, i32) {
    %c0_i32 = arith.constant 0 : i32
    %c0_i32_0 = arith.constant 0 : i32
    return %arg0, %c0_i32 : i32, i32
  }
  func.func @transform_2(%arg0: i32) -> (i32, i32) {
    %c0_i32 = arith.constant 0 : i32
    %c0_i32_0 = arith.constant 0 : i32
    %c0_i32_1 = arith.constant 0 : i32
    return %c0_i32, %c0_i32_0 : i32, i32
  }
  func.func @transform_3(%arg0: i32) -> (i32, i32) {
    %c0_i32 = arith.constant 0 : i32
    %c0_i32_0 = arith.constant 0 : i32
    %c0_i32_1 = arith.constant 0 : i32
    return %c0_i32, %c0_i32_0 : i32, i32
  }
  func.func @transform_4(%arg0: i32) -> i32 {
    %c0_i32 = arith.constant 0 : i32
    %c0_i32_0 = arith.constant 0 : i32
    return %c0_i32 : i32
  }
  func.func @transform_5(%arg0: i32) -> (i32, i32) {
    %c0_i32 = arith.constant 0 : i32
    %c0_i32_0 = arith.constant 0 : i32
    return %arg0, %c0_i32 : i32, i32
  }
}

module attributes {stable_mosaic.version = 14 : i64} {
  func.func @_rownorm_body(%arg0: i32, %arg1: memref<1024x64xf32, #tpu.memory_space<vmem>>, %arg2: memref<1024x1xf32, #tpu.memory_space<vmem>>) attributes {dimension_semantics = [#tpu.dimension_semantics<arbitrary>], iteration_bounds = array<i64: 10>, scalar_prefetch = 0 : i64, scratch_operands = 0 : i64, tpu.core_type = #tpu.core_type<tc>, window_params = [{transform_indices = @transform_0, window_bounds = array<i64: 1024, 64>}, {transform_indices = @transform_1, window_bounds = array<i64: 1024, 1>}]} {
    %get3A = arith.constant 0 : index
    %get3A_0 = arith.constant 0 : index
    %get3A_1 = vector.load %arg1[%get3A, %get3A_0] : memref<1024x64xf32, #tpu.memory_space<vmem>>, vector<1024x64xf32>
    %mul3A = arith.mulf %get3A_1, %get3A_1 : vector<1024x64xf32>
    %reduce_sum3A = arith.constant dense<0.000000e+00> : vector<1024xf32>
    %reduce_sum3A_2 = vector.multi_reduction <add>, %mul3A, %reduce_sum3A [1] : vector<1024x64xf32> to vector<1024xf32>
    %broadcast_in_dim3A = vector.shape_cast %reduce_sum3A_2 : vector<1024xf32> to vector<1024x1xf32>
    %swap3A = arith.constant 0 : index
    %swap3A_3 = arith.constant 0 : index
    %swap3A_4 = vector.load %arg2[%swap3A, %swap3A_3] : memref<1024x1xf32, #tpu.memory_space<vmem>>, vector<1024x1xf32>
    tpu.vector_store %arg2[%swap3A, %swap3A_3], %broadcast_in_dim3A {strides = array<i32>} : memref<1024x1xf32, #tpu.memory_space<vmem>>, vector<1024x1xf32>,
    return
  }
  func.func @transform_0(%arg0: i32) -> (i32, i32) {
    %c0_i32 = arith.constant 0 : i32
    %c0_i32_0 = arith.constant 0 : i32
    return %arg0, %c0_i32 : i32, i32
  }
  func.func @transform_1(%arg0: i32) -> (i32, i32) {
    %c0_i32 = arith.constant 0 : i32
    %c0_i32_0 = arith.constant 0 : i32
    return %arg0, %c0_i32 : i32, i32
  }
}

module attributes {stable_mosaic.version = 14 : i64} {
  func.func @_knn_body(%arg0: i32, %arg1: i32, %arg2: memref<512x64xf32, #tpu.memory_space<vmem>>, %arg3: memref<64x2048xf32, #tpu.memory_space<vmem>>, %arg4: memref<512x1xf32, #tpu.memory_space<vmem>>, %arg5: memref<1x2048xf32, #tpu.memory_space<vmem>>, %arg6: memref<512x10xi32, #tpu.memory_space<vmem>>, %arg7: memref<512x10xf32, #tpu.memory_space<vmem>>, %arg8: memref<512x10xi32, #tpu.memory_space<vmem>>) attributes {dimension_semantics = [#tpu.dimension_semantics<arbitrary>, #tpu.dimension_semantics<arbitrary>], iteration_bounds = array<i64: 20, 5>, scalar_prefetch = 0 : i64, scratch_operands = 2 : i64, tpu.core_type = #tpu.core_type<tc>, window_params = [{transform_indices = @transform_0, window_bounds = array<i64: 512, 64>}, {transform_indices = @transform_1, window_bounds = array<i64: 64, 2048>}, {transform_indices = @transform_2, window_bounds = array<i64: 512, 1>}, {transform_indices = @transform_3, window_bounds = array<i64: 1, 2048>}, {transform_indices = @transform_4, window_bounds = array<i64: 512, 10>}]} {
    %get3A = arith.constant 0 : index
    %get3A_0 = arith.constant 0 : index
    %get3A_1 = vector.load %arg2[%get3A, %get3A_0] : memref<512x64xf32, #tpu.memory_space<vmem>>, vector<512x64xf32>
    %get3A_2 = arith.constant 0 : index
    %get3A_3 = arith.constant 0 : index
    %get3A_4 = vector.load %arg3[%get3A_2, %get3A_3] : memref<64x2048xf32, #tpu.memory_space<vmem>>, vector<64x2048xf32>
    %dot_general3A = arith.constant dense<0.000000e+00> : vector<512x2048xf32>
    %dot_general3A_5 = tpu.matmul %get3A_1, %get3A_4, %dot_general3A {dimension_numbers = #tpu.dot_dimension_numbers<[1], [0], [0], [1], [0, 0, 1, 1], [], []>, transpose_lhs_hint = false} : vector<512x64xf32>, vector<64x2048xf32>, vector<512x2048xf32> -> vector<512x2048xf32>
    %iota3A = tpu.iota {dimensions = array<i32: 1>} : vector<512x2048xi32>
    %mul3A = arith.constant 2048 : i32
    %mul3A_6 = arith.muli %arg1, %mul3A : i32
    %add3A = vector.broadcast %mul3A_6 : i32 to vector<512x2048xi32>
    %add3A_7 = arith.addi %iota3A, %add3A : vector<512x2048xi32>
    %get3A_8 = arith.constant 0 : index
    %get3A_9 = arith.constant 0 : index
    %get3A_10 = vector.load %arg4[%get3A_8, %get3A_9] : memref<512x1xf32, #tpu.memory_space<vmem>>, vector<512x1xf32>
    %get3A_11 = arith.constant 0 : index
    %get3A_12 = arith.constant 0 : index
    %get3A_13 = vector.load %arg5[%get3A_11, %get3A_12] : memref<1x2048xf32, #tpu.memory_space<vmem>>, vector<1x2048xf32>
    %add3A_14 = vector.broadcast %get3A_10 : vector<512x1xf32> to vector<512x2048xf32>
    %add3A_15 = vector.broadcast %get3A_13 : vector<1x2048xf32> to vector<512x2048xf32>
    %add3A_16 = arith.addf %add3A_14, %add3A_15 : vector<512x2048xf32>
    %mul3A_17 = arith.constant 2.000000e+00 : f32
    %mul3A_18 = vector.broadcast %mul3A_17 : f32 to vector<512x2048xf32>
    %mul3A_19 = arith.mulf %mul3A_18, %dot_general3A_5 : vector<512x2048xf32>
    %sub3A = arith.subf %add3A_16, %mul3A_19 : vector<512x2048xf32>
    %lt3A = arith.constant 10000 : i32
    %lt3A_20 = vector.broadcast %lt3A : i32 to vector<512x2048xi32>
    %lt3A_21 = arith.cmpi slt, %add3A_7, %lt3A_20 : vector<512x2048xi32>
    %jit3A = arith.constant 0x7F800000 : f32
    %broadcast_in_dim3A = vector.broadcast %jit3A : f32 to vector<512x2048xf32>
    %select_n3A = arith.select %lt3A_21, %sub3A, %broadcast_in_dim3A : vector<512x2048xi1>, vector<512x2048xf32>
    %eq3A = arith.constant 0 : i32
    %eq3A_22 = arith.cmpi eq, %arg1, %eq3A : i32
    %convert_element_type3A = arith.extui %eq3A_22 : i1 to i32
    %cond3A = arith.constant 0 : i32
    %cond3A_23 = arith.cmpi ne, %convert_element_type3A, %cond3A : i32
    scf.if %cond3A_23 {
      %broadcast_in_dim3A_44 = arith.constant 0x7F800000 : f32
      %broadcast_in_dim3A_45 = vector.broadcast %broadcast_in_dim3A_44 : f32 to vector<512x10xf32>
      %swap3A_46 = arith.constant 0 : index
      %swap3A_47 = arith.constant 0 : index
      %swap3A_48 = vector.load %arg7[%swap3A_46, %swap3A_47] : memref<512x10xf32, #tpu.memory_space<vmem>>, vector<512x10xf32>
      tpu.vector_store %arg7[%swap3A_46, %swap3A_47], %broadcast_in_dim3A_45 {strides = array<i32>} : memref<512x10xf32, #tpu.memory_space<vmem>>, vector<512x10xf32>,
      %broadcast_in_dim3A_49 = arith.constant 0 : i32
      %broadcast_in_dim3A_50 = vector.broadcast %broadcast_in_dim3A_49 : i32 to vector<512x10xi32>
      %swap3A_51 = arith.constant 0 : index
      %swap3A_52 = arith.constant 0 : index
      %swap3A_53 = vector.load %arg8[%swap3A_51, %swap3A_52] : memref<512x10xi32, #tpu.memory_space<vmem>>, vector<512x10xi32>
      tpu.vector_store %arg8[%swap3A_51, %swap3A_52], %broadcast_in_dim3A_50 {strides = array<i32>} : memref<512x10xi32, #tpu.memory_space<vmem>>, vector<512x10xi32>,
    } else {
    }
    %iota3A_24 = tpu.iota {dimensions = array<i32: 1>} : vector<512x10xi32>
    %get3A_25 = arith.constant 0 : index
    %get3A_26 = arith.constant 0 : index
    %get3A_27 = vector.load %arg7[%get3A_25, %get3A_26] : memref<512x10xf32, #tpu.memory_space<vmem>>, vector<512x10xf32>
    %get3A_28 = arith.constant 0 : index
    %get3A_29 = arith.constant 0 : index
    %get3A_30 = vector.load %arg8[%get3A_28, %get3A_29] : memref<512x10xi32, #tpu.memory_space<vmem>>, vector<512x10xi32>
    %while3A = arith.constant 1073741824 : i32
    %while3A_31 = arith.constant 0 : i32
    %while3A_32 = arith.constant true
    %while3A_33:5 = scf.while (%while3A_44 = %while3A_31, %while3A_45 = %while3A_32, %while3A_46 = %get3A_27, %while3A_47 = %get3A_30, %while3A_48 = %select_n3A) : (i32, i1, vector<512x10xf32>, vector<512x10xi32>, vector<512x2048xf32>) -> (i32, i1, vector<512x10xf32>, vector<512x10xi32>, vector<512x2048xf32>) {
      %lt3A_49 = arith.constant 10 : i32
      %lt3A_50 = arith.cmpi slt, %while3A_44, %lt3A_49 : i32
      %and3A = arith.andi %lt3A_50, %while3A_45 : i1
      scf.condition(%and3A) %while3A_44, %while3A_45, %while3A_46, %while3A_47, %while3A_48 : i32, i1, vector<512x10xf32>, vector<512x10xi32>, vector<512x2048xf32>
    } do {
    ^bb0(%while3A_44: i32, %while3A_45: i1, %while3A_46: vector<512x10xf32>, %while3A_47: vector<512x10xi32>, %while3A_48: vector<512x2048xf32>):
      %reduce_min3A = arith.constant dense<0x7F800000> : vector<512xf32>
      %reduce_min3A_49 = vector.multi_reduction <minimumf>, %while3A_48, %reduce_min3A [1] : vector<512x2048xf32> to vector<512xf32>
      %broadcast_in_dim3A_50 = vector.shape_cast %reduce_min3A_49 : vector<512xf32> to vector<512x1xf32>
      %eq3A_51 = vector.broadcast %broadcast_in_dim3A_50 : vector<512x1xf32> to vector<512x2048xf32>
      %eq3A_52 = arith.cmpf oeq, %while3A_48, %eq3A_51 : vector<512x2048xf32>
      %broadcast_in_dim3A_53 = vector.broadcast %while3A : i32 to vector<512x2048xi32>
      %select_n3A_54 = arith.select %eq3A_52, %add3A_7, %broadcast_in_dim3A_53 : vector<512x2048xi1>, vector<512x2048xi32>
      %reduce_min3A_55 = arith.constant dense<2147483647> : vector<512xi32>
      %reduce_min3A_56 = vector.multi_reduction <minsi>, %select_n3A_54, %reduce_min3A_55 [1] : vector<512x2048xi32> to vector<512xi32>
      %broadcast_in_dim3A_57 = vector.shape_cast %reduce_min3A_56 : vector<512xi32> to vector<512x1xi32>
      %eq3A_58 = vector.broadcast %broadcast_in_dim3A_57 : vector<512x1xi32> to vector<512x2048xi32>
      %eq3A_59 = arith.cmpi eq, %add3A_7, %eq3A_58 : vector<512x2048xi32>
      %jit3A_60 = arith.constant 0x7F800000 : f32
      %broadcast_in_dim3A_61 = vector.broadcast %jit3A_60 : f32 to vector<512x2048xf32>
      %select_n3A_62 = arith.select %eq3A_59, %broadcast_in_dim3A_61, %while3A_48 : vector<512x2048xi1>, vector<512x2048xf32>
      %reduce_max3A = arith.constant dense<0xFF800000> : vector<512xf32>
      %reduce_max3A_63 = vector.multi_reduction <maximumf>, %while3A_46, %reduce_max3A [1] : vector<512x10xf32> to vector<512xf32>
      %broadcast_in_dim3A_64 = vector.shape_cast %reduce_max3A_63 : vector<512xf32> to vector<512x1xf32>
      %eq3A_65 = vector.broadcast %broadcast_in_dim3A_64 : vector<512x1xf32> to vector<512x10xf32>
      %eq3A_66 = arith.cmpf oeq, %while3A_46, %eq3A_65 : vector<512x10xf32>
      %broadcast_in_dim3A_67 = vector.broadcast %while3A : i32 to vector<512x10xi32>
      %select_n3A_68 = arith.select %eq3A_66, %iota3A_24, %broadcast_in_dim3A_67 : vector<512x10xi1>, vector<512x10xi32>
      %reduce_min3A_69 = arith.constant dense<2147483647> : vector<512xi32>
      %reduce_min3A_70 = vector.multi_reduction <minsi>, %select_n3A_68, %reduce_min3A_69 [1] : vector<512x10xi32> to vector<512xi32>
      %lt3A_71 = arith.cmpf olt, %reduce_min3A_49, %reduce_max3A_63 : vector<512xf32>
      %broadcast_in_dim3A_72 = vector.shape_cast %reduce_min3A_70 : vector<512xi32> to vector<512x1xi32>
      %eq3A_73 = vector.broadcast %broadcast_in_dim3A_72 : vector<512x1xi32> to vector<512x10xi32>
      %eq3A_74 = arith.cmpi eq, %iota3A_24, %eq3A_73 : vector<512x10xi32>
      %broadcast_in_dim3A_75 = vector.shape_cast %lt3A_71 : vector<512xi1> to vector<512x1xi1>
      %and3A = vector.broadcast %broadcast_in_dim3A_75 : vector<512x1xi1> to vector<512x10xi1>
      %and3A_76 = arith.andi %eq3A_74, %and3A : vector<512x10xi1>
      %broadcast_in_dim3A_77 = vector.shape_cast %reduce_min3A_49 : vector<512xf32> to vector<512x1xf32>
      %broadcast_in_dim3A_78 = vector.shape_cast %broadcast_in_dim3A_77 : vector<512x1xf32> to vector<512x1xf32>
      %broadcast_in_dim3A_79 = vector.broadcast %broadcast_in_dim3A_78 : vector<512x1xf32> to vector<512x10xf32>
      %select_n3A_80 = arith.select %and3A_76, %broadcast_in_dim3A_79, %while3A_46 : vector<512x10xi1>, vector<512x10xf32>
      %broadcast_in_dim3A_81 = vector.shape_cast %reduce_min3A_56 : vector<512xi32> to vector<512x1xi32>
      %broadcast_in_dim3A_82 = vector.shape_cast %broadcast_in_dim3A_81 : vector<512x1xi32> to vector<512x1xi32>
      %broadcast_in_dim3A_83 = vector.broadcast %broadcast_in_dim3A_82 : vector<512x1xi32> to vector<512x10xi32>
      %select_n3A_84 = arith.select %and3A_76, %broadcast_in_dim3A_83, %while3A_47 : vector<512x10xi1>, vector<512x10xi32>
      %add3A_85 = arith.constant 1 : i32
      %add3A_86 = arith.addi %while3A_44, %add3A_85 : i32
      %reduce_or3A = arith.constant 1.000000e+00 : f32
      %reduce_or3A_87 = arith.constant 0.000000e+00 : f32
      %reduce_or3A_88 = vector.broadcast %reduce_or3A : f32 to vector<512xf32>
      %reduce_or3A_89 = vector.broadcast %reduce_or3A_87 : f32 to vector<512xf32>
      %reduce_or3A_90 = arith.select %lt3A_71, %reduce_or3A_88, %reduce_or3A_89 : vector<512xi1>, vector<512xf32>
      %reduce_or3A_91 = vector.shape_cast %reduce_or3A_90 : vector<512xf32> to vector<1x512xf32>
      %reduce_or3A_92 = arith.constant dense<0xFF800000> : vector<1xf32>
      %reduce_or3A_93 = vector.multi_reduction <maximumf>, %reduce_or3A_91, %reduce_or3A_92 [1] : vector<1x512xf32> to vector<1xf32>
      %reduce_or3A_94 = vector.shape_cast %reduce_or3A_93 : vector<1xf32> to vector<1x1xf32>
      %reduce_or3A_95 = vector.extract %reduce_or3A_94[0, 0] : f32 from vector<1x1xf32>
      %reduce_or3A_96 = arith.constant 0.000000e+00 : f32
      %reduce_or3A_97 = arith.cmpf ogt, %reduce_or3A_95, %reduce_or3A_96 : f32
      scf.yield %add3A_86, %reduce_or3A_97, %select_n3A_80, %select_n3A_84, %select_n3A_62 : i32, i1, vector<512x10xf32>, vector<512x10xi32>, vector<512x2048xf32>
    }
    %swap3A = arith.constant 0 : index
    %swap3A_34 = arith.constant 0 : index
    %swap3A_35 = vector.load %arg7[%swap3A, %swap3A_34] : memref<512x10xf32, #tpu.memory_space<vmem>>, vector<512x10xf32>
    tpu.vector_store %arg7[%swap3A, %swap3A_34], %while3A_33#2 {strides = array<i32>} : memref<512x10xf32, #tpu.memory_space<vmem>>, vector<512x10xf32>,
    %swap3A_36 = arith.constant 0 : index
    %swap3A_37 = arith.constant 0 : index
    %swap3A_38 = vector.load %arg8[%swap3A_36, %swap3A_37] : memref<512x10xi32, #tpu.memory_space<vmem>>, vector<512x10xi32>
    tpu.vector_store %arg8[%swap3A_36, %swap3A_37], %while3A_33#3 {strides = array<i32>} : memref<512x10xi32, #tpu.memory_space<vmem>>, vector<512x10xi32>,
    %eq3A_39 = arith.constant 4 : i32
    %eq3A_40 = arith.cmpi eq, %arg1, %eq3A_39 : i32
    %convert_element_type3A_41 = arith.extui %eq3A_40 : i1 to i32
    %cond3A_42 = arith.constant 0 : i32
    %cond3A_43 = arith.cmpi ne, %convert_element_type3A_41, %cond3A_42 : i32
    scf.if %cond3A_43 {
      %get3A_44 = arith.constant 0 : index
      %get3A_45 = arith.constant 0 : index
      %get3A_46 = vector.load %arg8[%get3A_44, %get3A_45] : memref<512x10xi32, #tpu.memory_space<vmem>>, vector<512x10xi32>
      %swap3A_47 = arith.constant 0 : index
      %swap3A_48 = arith.constant 0 : index
      %swap3A_49 = vector.load %arg6[%swap3A_47, %swap3A_48] : memref<512x10xi32, #tpu.memory_space<vmem>>, vector<512x10xi32>
      tpu.vector_store %arg6[%swap3A_47, %swap3A_48], %get3A_46 {strides = array<i32>} : memref<512x10xi32, #tpu.memory_space<vmem>>, vector<512x10xi32>,
    } else {
    }
    return
  }
  func.func @transform_0(%arg0: i32, %arg1: i32) -> (i32, i32) {
    %c0_i32 = arith.constant 0 : i32
    %c0_i32_0 = arith.constant 0 : i32
    return %arg0, %c0_i32 : i32, i32
  }
  func.func @transform_1(%arg0: i32, %arg1: i32) -> (i32, i32) {
    %c0_i32 = arith.constant 0 : i32
    %c0_i32_0 = arith.constant 0 : i32
    return %c0_i32, %arg1 : i32, i32
  }
  func.func @transform_2(%arg0: i32, %arg1: i32) -> (i32, i32) {
    %c0_i32 = arith.constant 0 : i32
    %c0_i32_0 = arith.constant 0 : i32
    return %arg0, %c0_i32 : i32, i32
  }
  func.func @transform_3(%arg0: i32, %arg1: i32) -> (i32, i32) {
    %c0_i32 = arith.constant 0 : i32
    %c0_i32_0 = arith.constant 0 : i32
    return %c0_i32, %arg1 : i32, i32
  }
  func.func @transform_4(%arg0: i32, %arg1: i32) -> (i32, i32) {
    %c0_i32 = arith.constant 0 : i32
    %c0_i32_0 = arith.constant 0 : i32
    return %arg0, %c0_i32 : i32, i32
  }
}

module attributes {stable_mosaic.version = 14 : i64} {
  func.func @_edge_exact_body(%arg0: i32, %arg1: memref<512x10x128xf32, #tpu.memory_space<vmem>>, %arg2: memref<512x64xf32, #tpu.memory_space<vmem>>, %arg3: memref<128x64xf32, #tpu.memory_space<vmem>>, %arg4: memref<64x64xf32, #tpu.memory_space<vmem>>, %arg5: memref<2xf32, #tpu.memory_space<smem>>, %arg6: memref<512x64xf32, #tpu.memory_space<vmem>>) attributes {dimension_semantics = [#tpu.dimension_semantics<arbitrary>], iteration_bounds = array<i64: 20>, scalar_prefetch = 0 : i64, scratch_operands = 0 : i64, tpu.core_type = #tpu.core_type<tc>, window_params = [{transform_indices = @transform_0, window_bounds = array<i64: 512, 10, 128>}, {transform_indices = @transform_1, window_bounds = array<i64: 512, 64>}, {pipeline_mode = #tpu.pipeline_mode<synchronous>, transform_indices = @transform_2, window_bounds = array<i64: 128, 64>}, {pipeline_mode = #tpu.pipeline_mode<synchronous>, transform_indices = @transform_3, window_bounds = array<i64: 64, 64>}, {transform_indices = @transform_4, window_bounds = array<i64: 2>}, {transform_indices = @transform_5, window_bounds = array<i64: 512, 64>}]} {
    %get3A = arith.constant 0 : index
    %get3A_0 = memref.load %arg5[%get3A] : memref<2xf32, #tpu.memory_space<smem>>
    %get3A_1 = arith.constant 1 : index
    %get3A_2 = memref.load %arg5[%get3A_1] : memref<2xf32, #tpu.memory_space<smem>>
    %get3A_3 = arith.constant 0 : index
    %get3A_4 = arith.constant 0 : index
    %get3A_5 = vector.load %arg2[%get3A_3, %get3A_4] : memref<512x64xf32, #tpu.memory_space<vmem>>, vector<512x64xf32>
    %get3A_6 = arith.constant 0 : index
    %get3A_7 = arith.constant 0 : index
    %get3A_8 = vector.load %arg3[%get3A_6, %get3A_7] : memref<128x64xf32, #tpu.memory_space<vmem>>, vector<128x64xf32>
    %get3A_9 = arith.constant 0 : index
    %get3A_10 = arith.constant 0 : index
    %get3A_11 = vector.load %arg4[%get3A_9, %get3A_10] : memref<64x64xf32, #tpu.memory_space<vmem>>, vector<64x64xf32>
    %broadcast_in_dim3A = arith.constant -3.400000e+38 : f32
    %broadcast_in_dim3A_12 = vector.broadcast %broadcast_in_dim3A : f32 to vector<512x64xf32>
    %get3A_13 = arith.constant 0 : index
    %get3A_14 = arith.constant 0 : index
    %get3A_15 = arith.constant 0 : index
    %get3A_16 = vector.load %arg1[%get3A_13, %get3A_14, %get3A_15] : memref<512x10x128xf32, #tpu.memory_space<vmem>>, vector<512x1x64xf32>
    %get3A_17 = vector.shape_cast %get3A_16 : vector<512x1x64xf32> to vector<512x64xf32>
    %sub3A = arith.subf %get3A_17, %get3A_5 : vector<512x64xf32>
    %concatenate3A = tpu.concatenate %sub3A, %get3A_5 in 1 : vector<512x64xf32>, vector<512x64xf32> -> vector<512x128xf32>
    %dot_general3A = arith.constant dense<0.000000e+00> : vector<512x64xf32>
    %dot_general3A_18 = tpu.matmul %concatenate3A, %get3A_8, %dot_general3A {dimension_numbers = #tpu.dot_dimension_numbers<[1], [0], [0], [1], [0, 0, 1, 1], [], []>, transpose_lhs_hint = false} : vector<512x128xf32>, vector<128x64xf32>, vector<512x64xf32> -> vector<512x64xf32>
    %ge3A = arith.constant 0.000000e+00 : f32
    %ge3A_19 = vector.broadcast %ge3A : f32 to vector<512x64xf32>
    %ge3A_20 = arith.cmpf oge, %dot_general3A_18, %ge3A_19 : vector<512x64xf32>
    %mul3A = vector.broadcast %get3A_0 : f32 to vector<512x64xf32>
    %mul3A_21 = arith.mulf %mul3A, %dot_general3A_18 : vector<512x64xf32>
    %select_n3A = arith.select %ge3A_20, %dot_general3A_18, %mul3A_21 : vector<512x64xi1>, vector<512x64xf32>
    %dot_general3A_22 = arith.constant dense<0.000000e+00> : vector<512x64xf32>
    %dot_general3A_23 = tpu.matmul %select_n3A, %get3A_11, %dot_general3A_22 {dimension_numbers = #tpu.dot_dimension_numbers<[1], [0], [0], [1], [0, 0, 1, 1], [], []>, transpose_lhs_hint = false} : vector<512x64xf32>, vector<64x64xf32>, vector<512x64xf32> -> vector<512x64xf32>
    %ge3A_24 = arith.constant 0.000000e+00 : f32
    %ge3A_25 = vector.broadcast %ge3A_24 : f32 to vector<512x64xf32>
    %ge3A_26 = arith.cmpf oge, %dot_general3A_23, %ge3A_25 : vector<512x64xf32>
    %mul3A_27 = vector.broadcast %get3A_2 : f32 to vector<512x64xf32>
    %mul3A_28 = arith.mulf %mul3A_27, %dot_general3A_23 : vector<512x64xf32>
    %select_n3A_29 = arith.select %ge3A_26, %dot_general3A_23, %mul3A_28 : vector<512x64xi1>, vector<512x64xf32>
    %max3A = arith.maximumf %broadcast_in_dim3A_12, %select_n3A_29 : vector<512x64xf32>
    %get3A_30 = arith.constant 0 : index
    %get3A_31 = arith.constant 1 : index
    %get3A_32 = arith.constant 0 : index
    %get3A_33 = vector.load %arg1[%get3A_30, %get3A_31, %get3A_32] : memref<512x10x128xf32, #tpu.memory_space<vmem>>, vector<512x1x64xf32>
    %get3A_34 = vector.shape_cast %get3A_33 : vector<512x1x64xf32> to vector<512x64xf32>
    %sub3A_35 = arith.subf %get3A_34, %get3A_5 : vector<512x64xf32>
    %concatenate3A_36 = tpu.concatenate %sub3A_35, %get3A_5 in 1 : vector<512x64xf32>, vector<512x64xf32> -> vector<512x128xf32>
    %dot_general3A_37 = arith.constant dense<0.000000e+00> : vector<512x64xf32>
    %dot_general3A_38 = tpu.matmul %concatenate3A_36, %get3A_8, %dot_general3A_37 {dimension_numbers = #tpu.dot_dimension_numbers<[1], [0], [0], [1], [0, 0, 1, 1], [], []>, transpose_lhs_hint = false} : vector<512x128xf32>, vector<128x64xf32>, vector<512x64xf32> -> vector<512x64xf32>
    %ge3A_39 = arith.constant 0.000000e+00 : f32
    %ge3A_40 = vector.broadcast %ge3A_39 : f32 to vector<512x64xf32>
    %ge3A_41 = arith.cmpf oge, %dot_general3A_38, %ge3A_40 : vector<512x64xf32>
    %mul3A_42 = vector.broadcast %get3A_0 : f32 to vector<512x64xf32>
    %mul3A_43 = arith.mulf %mul3A_42, %dot_general3A_38 : vector<512x64xf32>
    %select_n3A_44 = arith.select %ge3A_41, %dot_general3A_38, %mul3A_43 : vector<512x64xi1>, vector<512x64xf32>
    %dot_general3A_45 = arith.constant dense<0.000000e+00> : vector<512x64xf32>
    %dot_general3A_46 = tpu.matmul %select_n3A_44, %get3A_11, %dot_general3A_45 {dimension_numbers = #tpu.dot_dimension_numbers<[1], [0], [0], [1], [0, 0, 1, 1], [], []>, transpose_lhs_hint = false} : vector<512x64xf32>, vector<64x64xf32>, vector<512x64xf32> -> vector<512x64xf32>
    %ge3A_47 = arith.constant 0.000000e+00 : f32
    %ge3A_48 = vector.broadcast %ge3A_47 : f32 to vector<512x64xf32>
    %ge3A_49 = arith.cmpf oge, %dot_general3A_46, %ge3A_48 : vector<512x64xf32>
    %mul3A_50 = vector.broadcast %get3A_2 : f32 to vector<512x64xf32>
    %mul3A_51 = arith.mulf %mul3A_50, %dot_general3A_46 : vector<512x64xf32>
    %select_n3A_52 = arith.select %ge3A_49, %dot_general3A_46, %mul3A_51 : vector<512x64xi1>, vector<512x64xf32>
    %max3A_53 = arith.maximumf %max3A, %select_n3A_52 : vector<512x64xf32>
    %get3A_54 = arith.constant 0 : index
    %get3A_55 = arith.constant 2 : index
    %get3A_56 = arith.constant 0 : index
    %get3A_57 = vector.load %arg1[%get3A_54, %get3A_55, %get3A_56] : memref<512x10x128xf32, #tpu.memory_space<vmem>>, vector<512x1x64xf32>
    %get3A_58 = vector.shape_cast %get3A_57 : vector<512x1x64xf32> to vector<512x64xf32>
    %sub3A_59 = arith.subf %get3A_58, %get3A_5 : vector<512x64xf32>
    %concatenate3A_60 = tpu.concatenate %sub3A_59, %get3A_5 in 1 : vector<512x64xf32>, vector<512x64xf32> -> vector<512x128xf32>
    %dot_general3A_61 = arith.constant dense<0.000000e+00> : vector<512x64xf32>
    %dot_general3A_62 = tpu.matmul %concatenate3A_60, %get3A_8, %dot_general3A_61 {dimension_numbers = #tpu.dot_dimension_numbers<[1], [0], [0], [1], [0, 0, 1, 1], [], []>, transpose_lhs_hint = false} : vector<512x128xf32>, vector<128x64xf32>, vector<512x64xf32> -> vector<512x64xf32>
    %ge3A_63 = arith.constant 0.000000e+00 : f32
    %ge3A_64 = vector.broadcast %ge3A_63 : f32 to vector<512x64xf32>
    %ge3A_65 = arith.cmpf oge, %dot_general3A_62, %ge3A_64 : vector<512x64xf32>
    %mul3A_66 = vector.broadcast %get3A_0 : f32 to vector<512x64xf32>
    %mul3A_67 = arith.mulf %mul3A_66, %dot_general3A_62 : vector<512x64xf32>
    %select_n3A_68 = arith.select %ge3A_65, %dot_general3A_62, %mul3A_67 : vector<512x64xi1>, vector<512x64xf32>
    %dot_general3A_69 = arith.constant dense<0.000000e+00> : vector<512x64xf32>
    %dot_general3A_70 = tpu.matmul %select_n3A_68, %get3A_11, %dot_general3A_69 {dimension_numbers = #tpu.dot_dimension_numbers<[1], [0], [0], [1], [0, 0, 1, 1], [], []>, transpose_lhs_hint = false} : vector<512x64xf32>, vector<64x64xf32>, vector<512x64xf32> -> vector<512x64xf32>
    %ge3A_71 = arith.constant 0.000000e+00 : f32
    %ge3A_72 = vector.broadcast %ge3A_71 : f32 to vector<512x64xf32>
    %ge3A_73 = arith.cmpf oge, %dot_general3A_70, %ge3A_72 : vector<512x64xf32>
    %mul3A_74 = vector.broadcast %get3A_2 : f32 to vector<512x64xf32>
    %mul3A_75 = arith.mulf %mul3A_74, %dot_general3A_70 : vector<512x64xf32>
    %select_n3A_76 = arith.select %ge3A_73, %dot_general3A_70, %mul3A_75 : vector<512x64xi1>, vector<512x64xf32>
    %max3A_77 = arith.maximumf %max3A_53, %select_n3A_76 : vector<512x64xf32>
    %get3A_78 = arith.constant 0 : index
    %get3A_79 = arith.constant 3 : index
    %get3A_80 = arith.constant 0 : index
    %get3A_81 = vector.load %arg1[%get3A_78, %get3A_79, %get3A_80] : memref<512x10x128xf32, #tpu.memory_space<vmem>>, vector<512x1x64xf32>
    %get3A_82 = vector.shape_cast %get3A_81 : vector<512x1x64xf32> to vector<512x64xf32>
    %sub3A_83 = arith.subf %get3A_82, %get3A_5 : vector<512x64xf32>
    %concatenate3A_84 = tpu.concatenate %sub3A_83, %get3A_5 in 1 : vector<512x64xf32>, vector<512x64xf32> -> vector<512x128xf32>
    %dot_general3A_85 = arith.constant dense<0.000000e+00> : vector<512x64xf32>
    %dot_general3A_86 = tpu.matmul %concatenate3A_84, %get3A_8, %dot_general3A_85 {dimension_numbers = #tpu.dot_dimension_numbers<[1], [0], [0], [1], [0, 0, 1, 1], [], []>, transpose_lhs_hint = false} : vector<512x128xf32>, vector<128x64xf32>, vector<512x64xf32> -> vector<512x64xf32>
    %ge3A_87 = arith.constant 0.000000e+00 : f32
    %ge3A_88 = vector.broadcast %ge3A_87 : f32 to vector<512x64xf32>
    %ge3A_89 = arith.cmpf oge, %dot_general3A_86, %ge3A_88 : vector<512x64xf32>
    %mul3A_90 = vector.broadcast %get3A_0 : f32 to vector<512x64xf32>
    %mul3A_91 = arith.mulf %mul3A_90, %dot_general3A_86 : vector<512x64xf32>
    %select_n3A_92 = arith.select %ge3A_89, %dot_general3A_86, %mul3A_91 : vector<512x64xi1>, vector<512x64xf32>
    %dot_general3A_93 = arith.constant dense<0.000000e+00> : vector<512x64xf32>
    %dot_general3A_94 = tpu.matmul %select_n3A_92, %get3A_11, %dot_general3A_93 {dimension_numbers = #tpu.dot_dimension_numbers<[1], [0], [0], [1], [0, 0, 1, 1], [], []>, transpose_lhs_hint = false} : vector<512x64xf32>, vector<64x64xf32>, vector<512x64xf32> -> vector<512x64xf32>
    %ge3A_95 = arith.constant 0.000000e+00 : f32
    %ge3A_96 = vector.broadcast %ge3A_95 : f32 to vector<512x64xf32>
    %ge3A_97 = arith.cmpf oge, %dot_general3A_94, %ge3A_96 : vector<512x64xf32>
    %mul3A_98 = vector.broadcast %get3A_2 : f32 to vector<512x64xf32>
    %mul3A_99 = arith.mulf %mul3A_98, %dot_general3A_94 : vector<512x64xf32>
    %select_n3A_100 = arith.select %ge3A_97, %dot_general3A_94, %mul3A_99 : vector<512x64xi1>, vector<512x64xf32>
    %max3A_101 = arith.maximumf %max3A_77, %select_n3A_100 : vector<512x64xf32>
    %get3A_102 = arith.constant 0 : index
    %get3A_103 = arith.constant 4 : index
    %get3A_104 = arith.constant 0 : index
    %get3A_105 = vector.load %arg1[%get3A_102, %get3A_103, %get3A_104] : memref<512x10x128xf32, #tpu.memory_space<vmem>>, vector<512x1x64xf32>
    %get3A_106 = vector.shape_cast %get3A_105 : vector<512x1x64xf32> to vector<512x64xf32>
    %sub3A_107 = arith.subf %get3A_106, %get3A_5 : vector<512x64xf32>
    %concatenate3A_108 = tpu.concatenate %sub3A_107, %get3A_5 in 1 : vector<512x64xf32>, vector<512x64xf32> -> vector<512x128xf32>
    %dot_general3A_109 = arith.constant dense<0.000000e+00> : vector<512x64xf32>
    %dot_general3A_110 = tpu.matmul %concatenate3A_108, %get3A_8, %dot_general3A_109 {dimension_numbers = #tpu.dot_dimension_numbers<[1], [0], [0], [1], [0, 0, 1, 1], [], []>, transpose_lhs_hint = false} : vector<512x128xf32>, vector<128x64xf32>, vector<512x64xf32> -> vector<512x64xf32>
    %ge3A_111 = arith.constant 0.000000e+00 : f32
    %ge3A_112 = vector.broadcast %ge3A_111 : f32 to vector<512x64xf32>
    %ge3A_113 = arith.cmpf oge, %dot_general3A_110, %ge3A_112 : vector<512x64xf32>
    %mul3A_114 = vector.broadcast %get3A_0 : f32 to vector<512x64xf32>
    %mul3A_115 = arith.mulf %mul3A_114, %dot_general3A_110 : vector<512x64xf32>
    %select_n3A_116 = arith.select %ge3A_113, %dot_general3A_110, %mul3A_115 : vector<512x64xi1>, vector<512x64xf32>
    %dot_general3A_117 = arith.constant dense<0.000000e+00> : vector<512x64xf32>
    %dot_general3A_118 = tpu.matmul %select_n3A_116, %get3A_11, %dot_general3A_117 {dimension_numbers = #tpu.dot_dimension_numbers<[1], [0], [0], [1], [0, 0, 1, 1], [], []>, transpose_lhs_hint = false} : vector<512x64xf32>, vector<64x64xf32>, vector<512x64xf32> -> vector<512x64xf32>
    %ge3A_119 = arith.constant 0.000000e+00 : f32
    %ge3A_120 = vector.broadcast %ge3A_119 : f32 to vector<512x64xf32>
    %ge3A_121 = arith.cmpf oge, %dot_general3A_118, %ge3A_120 : vector<512x64xf32>
    %mul3A_122 = vector.broadcast %get3A_2 : f32 to vector<512x64xf32>
    %mul3A_123 = arith.mulf %mul3A_122, %dot_general3A_118 : vector<512x64xf32>
    %select_n3A_124 = arith.select %ge3A_121, %dot_general3A_118, %mul3A_123 : vector<512x64xi1>, vector<512x64xf32>
    %max3A_125 = arith.maximumf %max3A_101, %select_n3A_124 : vector<512x64xf32>
    %get3A_126 = arith.constant 0 : index
    %get3A_127 = arith.constant 5 : index
    %get3A_128 = arith.constant 0 : index
    %get3A_129 = vector.load %arg1[%get3A_126, %get3A_127, %get3A_128] : memref<512x10x128xf32, #tpu.memory_space<vmem>>, vector<512x1x64xf32>
    %get3A_130 = vector.shape_cast %get3A_129 : vector<512x1x64xf32> to vector<512x64xf32>
    %sub3A_131 = arith.subf %get3A_130, %get3A_5 : vector<512x64xf32>
    %concatenate3A_132 = tpu.concatenate %sub3A_131, %get3A_5 in 1 : vector<512x64xf32>, vector<512x64xf32> -> vector<512x128xf32>
    %dot_general3A_133 = arith.constant dense<0.000000e+00> : vector<512x64xf32>
    %dot_general3A_134 = tpu.matmul %concatenate3A_132, %get3A_8, %dot_general3A_133 {dimension_numbers = #tpu.dot_dimension_numbers<[1], [0], [0], [1], [0, 0, 1, 1], [], []>, transpose_lhs_hint = false} : vector<512x128xf32>, vector<128x64xf32>, vector<512x64xf32> -> vector<512x64xf32>
    %ge3A_135 = arith.constant 0.000000e+00 : f32
    %ge3A_136 = vector.broadcast %ge3A_135 : f32 to vector<512x64xf32>
    %ge3A_137 = arith.cmpf oge, %dot_general3A_134, %ge3A_136 : vector<512x64xf32>
    %mul3A_138 = vector.broadcast %get3A_0 : f32 to vector<512x64xf32>
    %mul3A_139 = arith.mulf %mul3A_138, %dot_general3A_134 : vector<512x64xf32>
    %select_n3A_140 = arith.select %ge3A_137, %dot_general3A_134, %mul3A_139 : vector<512x64xi1>, vector<512x64xf32>
    %dot_general3A_141 = arith.constant dense<0.000000e+00> : vector<512x64xf32>
    %dot_general3A_142 = tpu.matmul %select_n3A_140, %get3A_11, %dot_general3A_141 {dimension_numbers = #tpu.dot_dimension_numbers<[1], [0], [0], [1], [0, 0, 1, 1], [], []>, transpose_lhs_hint = false} : vector<512x64xf32>, vector<64x64xf32>, vector<512x64xf32> -> vector<512x64xf32>
    %ge3A_143 = arith.constant 0.000000e+00 : f32
    %ge3A_144 = vector.broadcast %ge3A_143 : f32 to vector<512x64xf32>
    %ge3A_145 = arith.cmpf oge, %dot_general3A_142, %ge3A_144 : vector<512x64xf32>
    %mul3A_146 = vector.broadcast %get3A_2 : f32 to vector<512x64xf32>
    %mul3A_147 = arith.mulf %mul3A_146, %dot_general3A_142 : vector<512x64xf32>
    %select_n3A_148 = arith.select %ge3A_145, %dot_general3A_142, %mul3A_147 : vector<512x64xi1>, vector<512x64xf32>
    %max3A_149 = arith.maximumf %max3A_125, %select_n3A_148 : vector<512x64xf32>
    %get3A_150 = arith.constant 0 : index
    %get3A_151 = arith.constant 6 : index
    %get3A_152 = arith.constant 0 : index
    %get3A_153 = vector.load %arg1[%get3A_150, %get3A_151, %get3A_152] : memref<512x10x128xf32, #tpu.memory_space<vmem>>, vector<512x1x64xf32>
    %get3A_154 = vector.shape_cast %get3A_153 : vector<512x1x64xf32> to vector<512x64xf32>
    %sub3A_155 = arith.subf %get3A_154, %get3A_5 : vector<512x64xf32>
    %concatenate3A_156 = tpu.concatenate %sub3A_155, %get3A_5 in 1 : vector<512x64xf32>, vector<512x64xf32> -> vector<512x128xf32>
    %dot_general3A_157 = arith.constant dense<0.000000e+00> : vector<512x64xf32>
    %dot_general3A_158 = tpu.matmul %concatenate3A_156, %get3A_8, %dot_general3A_157 {dimension_numbers = #tpu.dot_dimension_numbers<[1], [0], [0], [1], [0, 0, 1, 1], [], []>, transpose_lhs_hint = false} : vector<512x128xf32>, vector<128x64xf32>, vector<512x64xf32> -> vector<512x64xf32>
    %ge3A_159 = arith.constant 0.000000e+00 : f32
    %ge3A_160 = vector.broadcast %ge3A_159 : f32 to vector<512x64xf32>
    %ge3A_161 = arith.cmpf oge, %dot_general3A_158, %ge3A_160 : vector<512x64xf32>
    %mul3A_162 = vector.broadcast %get3A_0 : f32 to vector<512x64xf32>
    %mul3A_163 = arith.mulf %mul3A_162, %dot_general3A_158 : vector<512x64xf32>
    %select_n3A_164 = arith.select %ge3A_161, %dot_general3A_158, %mul3A_163 : vector<512x64xi1>, vector<512x64xf32>
    %dot_general3A_165 = arith.constant dense<0.000000e+00> : vector<512x64xf32>
    %dot_general3A_166 = tpu.matmul %select_n3A_164, %get3A_11, %dot_general3A_165 {dimension_numbers = #tpu.dot_dimension_numbers<[1], [0], [0], [1], [0, 0, 1, 1], [], []>, transpose_lhs_hint = false} : vector<512x64xf32>, vector<64x64xf32>, vector<512x64xf32> -> vector<512x64xf32>
    %ge3A_167 = arith.constant 0.000000e+00 : f32
    %ge3A_168 = vector.broadcast %ge3A_167 : f32 to vector<512x64xf32>
    %ge3A_169 = arith.cmpf oge, %dot_general3A_166, %ge3A_168 : vector<512x64xf32>
    %mul3A_170 = vector.broadcast %get3A_2 : f32 to vector<512x64xf32>
    %mul3A_171 = arith.mulf %mul3A_170, %dot_general3A_166 : vector<512x64xf32>
    %select_n3A_172 = arith.select %ge3A_169, %dot_general3A_166, %mul3A_171 : vector<512x64xi1>, vector<512x64xf32>
    %max3A_173 = arith.maximumf %max3A_149, %select_n3A_172 : vector<512x64xf32>
    %get3A_174 = arith.constant 0 : index
    %get3A_175 = arith.constant 7 : index
    %get3A_176 = arith.constant 0 : index
    %get3A_177 = vector.load %arg1[%get3A_174, %get3A_175, %get3A_176] : memref<512x10x128xf32, #tpu.memory_space<vmem>>, vector<512x1x64xf32>
    %get3A_178 = vector.shape_cast %get3A_177 : vector<512x1x64xf32> to vector<512x64xf32>
    %sub3A_179 = arith.subf %get3A_178, %get3A_5 : vector<512x64xf32>
    %concatenate3A_180 = tpu.concatenate %sub3A_179, %get3A_5 in 1 : vector<512x64xf32>, vector<512x64xf32> -> vector<512x128xf32>
    %dot_general3A_181 = arith.constant dense<0.000000e+00> : vector<512x64xf32>
    %dot_general3A_182 = tpu.matmul %concatenate3A_180, %get3A_8, %dot_general3A_181 {dimension_numbers = #tpu.dot_dimension_numbers<[1], [0], [0], [1], [0, 0, 1, 1], [], []>, transpose_lhs_hint = false} : vector<512x128xf32>, vector<128x64xf32>, vector<512x64xf32> -> vector<512x64xf32>
    %ge3A_183 = arith.constant 0.000000e+00 : f32
    %ge3A_184 = vector.broadcast %ge3A_183 : f32 to vector<512x64xf32>
    %ge3A_185 = arith.cmpf oge, %dot_general3A_182, %ge3A_184 : vector<512x64xf32>
    %mul3A_186 = vector.broadcast %get3A_0 : f32 to vector<512x64xf32>
    %mul3A_187 = arith.mulf %mul3A_186, %dot_general3A_182 : vector<512x64xf32>
    %select_n3A_188 = arith.select %ge3A_185, %dot_general3A_182, %mul3A_187 : vector<512x64xi1>, vector<512x64xf32>
    %dot_general3A_189 = arith.constant dense<0.000000e+00> : vector<512x64xf32>
    %dot_general3A_190 = tpu.matmul %select_n3A_188, %get3A_11, %dot_general3A_189 {dimension_numbers = #tpu.dot_dimension_numbers<[1], [0], [0], [1], [0, 0, 1, 1], [], []>, transpose_lhs_hint = false} : vector<512x64xf32>, vector<64x64xf32>, vector<512x64xf32> -> vector<512x64xf32>
    %ge3A_191 = arith.constant 0.000000e+00 : f32
    %ge3A_192 = vector.broadcast %ge3A_191 : f32 to vector<512x64xf32>
    %ge3A_193 = arith.cmpf oge, %dot_general3A_190, %ge3A_192 : vector<512x64xf32>
    %mul3A_194 = vector.broadcast %get3A_2 : f32 to vector<512x64xf32>
    %mul3A_195 = arith.mulf %mul3A_194, %dot_general3A_190 : vector<512x64xf32>
    %select_n3A_196 = arith.select %ge3A_193, %dot_general3A_190, %mul3A_195 : vector<512x64xi1>, vector<512x64xf32>
    %max3A_197 = arith.maximumf %max3A_173, %select_n3A_196 : vector<512x64xf32>
    %get3A_198 = arith.constant 0 : index
    %get3A_199 = arith.constant 8 : index
    %get3A_200 = arith.constant 0 : index
    %get3A_201 = vector.load %arg1[%get3A_198, %get3A_199, %get3A_200] : memref<512x10x128xf32, #tpu.memory_space<vmem>>, vector<512x1x64xf32>
    %get3A_202 = vector.shape_cast %get3A_201 : vector<512x1x64xf32> to vector<512x64xf32>
    %sub3A_203 = arith.subf %get3A_202, %get3A_5 : vector<512x64xf32>
    %concatenate3A_204 = tpu.concatenate %sub3A_203, %get3A_5 in 1 : vector<512x64xf32>, vector<512x64xf32> -> vector<512x128xf32>
    %dot_general3A_205 = arith.constant dense<0.000000e+00> : vector<512x64xf32>
    %dot_general3A_206 = tpu.matmul %concatenate3A_204, %get3A_8, %dot_general3A_205 {dimension_numbers = #tpu.dot_dimension_numbers<[1], [0], [0], [1], [0, 0, 1, 1], [], []>, transpose_lhs_hint = false} : vector<512x128xf32>, vector<128x64xf32>, vector<512x64xf32> -> vector<512x64xf32>
    %ge3A_207 = arith.constant 0.000000e+00 : f32
    %ge3A_208 = vector.broadcast %ge3A_207 : f32 to vector<512x64xf32>
    %ge3A_209 = arith.cmpf oge, %dot_general3A_206, %ge3A_208 : vector<512x64xf32>
    %mul3A_210 = vector.broadcast %get3A_0 : f32 to vector<512x64xf32>
    %mul3A_211 = arith.mulf %mul3A_210, %dot_general3A_206 : vector<512x64xf32>
    %select_n3A_212 = arith.select %ge3A_209, %dot_general3A_206, %mul3A_211 : vector<512x64xi1>, vector<512x64xf32>
    %dot_general3A_213 = arith.constant dense<0.000000e+00> : vector<512x64xf32>
    %dot_general3A_214 = tpu.matmul %select_n3A_212, %get3A_11, %dot_general3A_213 {dimension_numbers = #tpu.dot_dimension_numbers<[1], [0], [0], [1], [0, 0, 1, 1], [], []>, transpose_lhs_hint = false} : vector<512x64xf32>, vector<64x64xf32>, vector<512x64xf32> -> vector<512x64xf32>
    %ge3A_215 = arith.constant 0.000000e+00 : f32
    %ge3A_216 = vector.broadcast %ge3A_215 : f32 to vector<512x64xf32>
    %ge3A_217 = arith.cmpf oge, %dot_general3A_214, %ge3A_216 : vector<512x64xf32>
    %mul3A_218 = vector.broadcast %get3A_2 : f32 to vector<512x64xf32>
    %mul3A_219 = arith.mulf %mul3A_218, %dot_general3A_214 : vector<512x64xf32>
    %select_n3A_220 = arith.select %ge3A_217, %dot_general3A_214, %mul3A_219 : vector<512x64xi1>, vector<512x64xf32>
    %max3A_221 = arith.maximumf %max3A_197, %select_n3A_220 : vector<512x64xf32>
    %get3A_222 = arith.constant 0 : index
    %get3A_223 = arith.constant 9 : index
    %get3A_224 = arith.constant 0 : index
    %get3A_225 = vector.load %arg1[%get3A_222, %get3A_223, %get3A_224] : memref<512x10x128xf32, #tpu.memory_space<vmem>>, vector<512x1x64xf32>
    %get3A_226 = vector.shape_cast %get3A_225 : vector<512x1x64xf32> to vector<512x64xf32>
    %sub3A_227 = arith.subf %get3A_226, %get3A_5 : vector<512x64xf32>
    %concatenate3A_228 = tpu.concatenate %sub3A_227, %get3A_5 in 1 : vector<512x64xf32>, vector<512x64xf32> -> vector<512x128xf32>
    %dot_general3A_229 = arith.constant dense<0.000000e+00> : vector<512x64xf32>
    %dot_general3A_230 = tpu.matmul %concatenate3A_228, %get3A_8, %dot_general3A_229 {dimension_numbers = #tpu.dot_dimension_numbers<[1], [0], [0], [1], [0, 0, 1, 1], [], []>, transpose_lhs_hint = false} : vector<512x128xf32>, vector<128x64xf32>, vector<512x64xf32> -> vector<512x64xf32>
    %ge3A_231 = arith.constant 0.000000e+00 : f32
    %ge3A_232 = vector.broadcast %ge3A_231 : f32 to vector<512x64xf32>
    %ge3A_233 = arith.cmpf oge, %dot_general3A_230, %ge3A_232 : vector<512x64xf32>
    %mul3A_234 = vector.broadcast %get3A_0 : f32 to vector<512x64xf32>
    %mul3A_235 = arith.mulf %mul3A_234, %dot_general3A_230 : vector<512x64xf32>
    %select_n3A_236 = arith.select %ge3A_233, %dot_general3A_230, %mul3A_235 : vector<512x64xi1>, vector<512x64xf32>
    %dot_general3A_237 = arith.constant dense<0.000000e+00> : vector<512x64xf32>
    %dot_general3A_238 = tpu.matmul %select_n3A_236, %get3A_11, %dot_general3A_237 {dimension_numbers = #tpu.dot_dimension_numbers<[1], [0], [0], [1], [0, 0, 1, 1], [], []>, transpose_lhs_hint = false} : vector<512x64xf32>, vector<64x64xf32>, vector<512x64xf32> -> vector<512x64xf32>
    %ge3A_239 = arith.constant 0.000000e+00 : f32
    %ge3A_240 = vector.broadcast %ge3A_239 : f32 to vector<512x64xf32>
    %ge3A_241 = arith.cmpf oge, %dot_general3A_238, %ge3A_240 : vector<512x64xf32>
    %mul3A_242 = vector.broadcast %get3A_2 : f32 to vector<512x64xf32>
    %mul3A_243 = arith.mulf %mul3A_242, %dot_general3A_238 : vector<512x64xf32>
    %select_n3A_244 = arith.select %ge3A_241, %dot_general3A_238, %mul3A_243 : vector<512x64xi1>, vector<512x64xf32>
    %max3A_245 = arith.maximumf %max3A_221, %select_n3A_244 : vector<512x64xf32>
    %swap3A = arith.constant 0 : index
    %swap3A_246 = arith.constant 0 : index
    %swap3A_247 = vector.load %arg6[%swap3A, %swap3A_246] : memref<512x64xf32, #tpu.memory_space<vmem>>, vector<512x64xf32>
    tpu.vector_store %arg6[%swap3A, %swap3A_246], %max3A_245 {strides = array<i32>} : memref<512x64xf32, #tpu.memory_space<vmem>>, vector<512x64xf32>,
    return
  }
  func.func @transform_0(%arg0: i32) -> (i32, i32, i32) {
    %c0_i32 = arith.constant 0 : i32
    %c0_i32_0 = arith.constant 0 : i32
    %c0_i32_1 = arith.constant 0 : i32
    return %arg0, %c0_i32, %c0_i32_0 : i32, i32, i32
  }
  func.func @transform_1(%arg0: i32) -> (i32, i32) {
    %c0_i32 = arith.constant 0 : i32
    %c0_i32_0 = arith.constant 0 : i32
    return %arg0, %c0_i32 : i32, i32
  }
  func.func @transform_2(%arg0: i32) -> (i32, i32) {
    %c0_i32 = arith.constant 0 : i32
    %c0_i32_0 = arith.constant 0 : i32
    %c0_i32_1 = arith.constant 0 : i32
    return %c0_i32, %c0_i32_0 : i32, i32
  }
  func.func @transform_3(%arg0: i32) -> (i32, i32) {
    %c0_i32 = arith.constant 0 : i32
    %c0_i32_0 = arith.constant 0 : i32
    %c0_i32_1 = arith.constant 0 : i32
    return %c0_i32, %c0_i32_0 : i32, i32
  }
  func.func @transform_4(%arg0: i32) -> i32 {
    %c0_i32 = arith.constant 0 : i32
    %c0_i32_0 = arith.constant 0 : i32
    return %c0_i32 : i32
  }
  func.func @transform_5(%arg0: i32) -> (i32, i32) {
    %c0_i32 = arith.constant 0 : i32
    %c0_i32_0 = arith.constant 0 : i32
    return %arg0, %c0_i32 : i32, i32
  }
}

module attributes {stable_mosaic.version = 14 : i64} {
  func.func @_edge_exact1_body(%arg0: i32, %arg1: memref<512x10x128xf32, #tpu.memory_space<vmem>>, %arg2: memref<512x64xf32, #tpu.memory_space<vmem>>, %arg3: memref<128x64xf32, #tpu.memory_space<vmem>>, %arg4: memref<1xf32, #tpu.memory_space<smem>>, %arg5: memref<512x64xf32, #tpu.memory_space<vmem>>) attributes {dimension_semantics = [#tpu.dimension_semantics<arbitrary>], iteration_bounds = array<i64: 20>, scalar_prefetch = 0 : i64, scratch_operands = 0 : i64, tpu.core_type = #tpu.core_type<tc>, window_params = [{transform_indices = @transform_0, window_bounds = array<i64: 512, 10, 128>}, {transform_indices = @transform_1, window_bounds = array<i64: 512, 64>}, {pipeline_mode = #tpu.pipeline_mode<synchronous>, transform_indices = @transform_2, window_bounds = array<i64: 128, 64>}, {transform_indices = @transform_3, window_bounds = array<i64: 1>}, {transform_indices = @transform_4, window_bounds = array<i64: 512, 64>}]} {
    %get3A = arith.constant 0 : index
    %get3A_0 = memref.load %arg4[%get3A] : memref<1xf32, #tpu.memory_space<smem>>
    %get3A_1 = arith.constant 0 : index
    %get3A_2 = arith.constant 0 : index
    %get3A_3 = vector.load %arg2[%get3A_1, %get3A_2] : memref<512x64xf32, #tpu.memory_space<vmem>>, vector<512x64xf32>
    %get3A_4 = arith.constant 0 : index
    %get3A_5 = arith.constant 0 : index
    %get3A_6 = vector.load %arg3[%get3A_4, %get3A_5] : memref<128x64xf32, #tpu.memory_space<vmem>>, vector<128x64xf32>
    %broadcast_in_dim3A = arith.constant -3.400000e+38 : f32
    %broadcast_in_dim3A_7 = vector.broadcast %broadcast_in_dim3A : f32 to vector<512x64xf32>
    %get3A_8 = arith.constant 0 : index
    %get3A_9 = arith.constant 0 : index
    %get3A_10 = arith.constant 0 : index
    %get3A_11 = vector.load %arg1[%get3A_8, %get3A_9, %get3A_10] : memref<512x10x128xf32, #tpu.memory_space<vmem>>, vector<512x1x64xf32>
    %get3A_12 = vector.shape_cast %get3A_11 : vector<512x1x64xf32> to vector<512x64xf32>
    %sub3A = arith.subf %get3A_12, %get3A_3 : vector<512x64xf32>
    %concatenate3A = tpu.concatenate %sub3A, %get3A_3 in 1 : vector<512x64xf32>, vector<512x64xf32> -> vector<512x128xf32>
    %dot_general3A = arith.constant dense<0.000000e+00> : vector<512x64xf32>
    %dot_general3A_13 = tpu.matmul %concatenate3A, %get3A_6, %dot_general3A {dimension_numbers = #tpu.dot_dimension_numbers<[1], [0], [0], [1], [0, 0, 1, 1], [], []>, transpose_lhs_hint = false} : vector<512x128xf32>, vector<128x64xf32>, vector<512x64xf32> -> vector<512x64xf32>
    %ge3A = arith.constant 0.000000e+00 : f32
    %ge3A_14 = vector.broadcast %ge3A : f32 to vector<512x64xf32>
    %ge3A_15 = arith.cmpf oge, %dot_general3A_13, %ge3A_14 : vector<512x64xf32>
    %mul3A = vector.broadcast %get3A_0 : f32 to vector<512x64xf32>
    %mul3A_16 = arith.mulf %mul3A, %dot_general3A_13 : vector<512x64xf32>
    %select_n3A = arith.select %ge3A_15, %dot_general3A_13, %mul3A_16 : vector<512x64xi1>, vector<512x64xf32>
    %max3A = arith.maximumf %broadcast_in_dim3A_7, %select_n3A : vector<512x64xf32>
    %get3A_17 = arith.constant 0 : index
    %get3A_18 = arith.constant 1 : index
    %get3A_19 = arith.constant 0 : index
    %get3A_20 = vector.load %arg1[%get3A_17, %get3A_18, %get3A_19] : memref<512x10x128xf32, #tpu.memory_space<vmem>>, vector<512x1x64xf32>
    %get3A_21 = vector.shape_cast %get3A_20 : vector<512x1x64xf32> to vector<512x64xf32>
    %sub3A_22 = arith.subf %get3A_21, %get3A_3 : vector<512x64xf32>
    %concatenate3A_23 = tpu.concatenate %sub3A_22, %get3A_3 in 1 : vector<512x64xf32>, vector<512x64xf32> -> vector<512x128xf32>
    %dot_general3A_24 = arith.constant dense<0.000000e+00> : vector<512x64xf32>
    %dot_general3A_25 = tpu.matmul %concatenate3A_23, %get3A_6, %dot_general3A_24 {dimension_numbers = #tpu.dot_dimension_numbers<[1], [0], [0], [1], [0, 0, 1, 1], [], []>, transpose_lhs_hint = false} : vector<512x128xf32>, vector<128x64xf32>, vector<512x64xf32> -> vector<512x64xf32>
    %ge3A_26 = arith.constant 0.000000e+00 : f32
    %ge3A_27 = vector.broadcast %ge3A_26 : f32 to vector<512x64xf32>
    %ge3A_28 = arith.cmpf oge, %dot_general3A_25, %ge3A_27 : vector<512x64xf32>
    %mul3A_29 = vector.broadcast %get3A_0 : f32 to vector<512x64xf32>
    %mul3A_30 = arith.mulf %mul3A_29, %dot_general3A_25 : vector<512x64xf32>
    %select_n3A_31 = arith.select %ge3A_28, %dot_general3A_25, %mul3A_30 : vector<512x64xi1>, vector<512x64xf32>
    %max3A_32 = arith.maximumf %max3A, %select_n3A_31 : vector<512x64xf32>
    %get3A_33 = arith.constant 0 : index
    %get3A_34 = arith.constant 2 : index
    %get3A_35 = arith.constant 0 : index
    %get3A_36 = vector.load %arg1[%get3A_33, %get3A_34, %get3A_35] : memref<512x10x128xf32, #tpu.memory_space<vmem>>, vector<512x1x64xf32>
    %get3A_37 = vector.shape_cast %get3A_36 : vector<512x1x64xf32> to vector<512x64xf32>
    %sub3A_38 = arith.subf %get3A_37, %get3A_3 : vector<512x64xf32>
    %concatenate3A_39 = tpu.concatenate %sub3A_38, %get3A_3 in 1 : vector<512x64xf32>, vector<512x64xf32> -> vector<512x128xf32>
    %dot_general3A_40 = arith.constant dense<0.000000e+00> : vector<512x64xf32>
    %dot_general3A_41 = tpu.matmul %concatenate3A_39, %get3A_6, %dot_general3A_40 {dimension_numbers = #tpu.dot_dimension_numbers<[1], [0], [0], [1], [0, 0, 1, 1], [], []>, transpose_lhs_hint = false} : vector<512x128xf32>, vector<128x64xf32>, vector<512x64xf32> -> vector<512x64xf32>
    %ge3A_42 = arith.constant 0.000000e+00 : f32
    %ge3A_43 = vector.broadcast %ge3A_42 : f32 to vector<512x64xf32>
    %ge3A_44 = arith.cmpf oge, %dot_general3A_41, %ge3A_43 : vector<512x64xf32>
    %mul3A_45 = vector.broadcast %get3A_0 : f32 to vector<512x64xf32>
    %mul3A_46 = arith.mulf %mul3A_45, %dot_general3A_41 : vector<512x64xf32>
    %select_n3A_47 = arith.select %ge3A_44, %dot_general3A_41, %mul3A_46 : vector<512x64xi1>, vector<512x64xf32>
    %max3A_48 = arith.maximumf %max3A_32, %select_n3A_47 : vector<512x64xf32>
    %get3A_49 = arith.constant 0 : index
    %get3A_50 = arith.constant 3 : index
    %get3A_51 = arith.constant 0 : index
    %get3A_52 = vector.load %arg1[%get3A_49, %get3A_50, %get3A_51] : memref<512x10x128xf32, #tpu.memory_space<vmem>>, vector<512x1x64xf32>
    %get3A_53 = vector.shape_cast %get3A_52 : vector<512x1x64xf32> to vector<512x64xf32>
    %sub3A_54 = arith.subf %get3A_53, %get3A_3 : vector<512x64xf32>
    %concatenate3A_55 = tpu.concatenate %sub3A_54, %get3A_3 in 1 : vector<512x64xf32>, vector<512x64xf32> -> vector<512x128xf32>
    %dot_general3A_56 = arith.constant dense<0.000000e+00> : vector<512x64xf32>
    %dot_general3A_57 = tpu.matmul %concatenate3A_55, %get3A_6, %dot_general3A_56 {dimension_numbers = #tpu.dot_dimension_numbers<[1], [0], [0], [1], [0, 0, 1, 1], [], []>, transpose_lhs_hint = false} : vector<512x128xf32>, vector<128x64xf32>, vector<512x64xf32> -> vector<512x64xf32>
    %ge3A_58 = arith.constant 0.000000e+00 : f32
    %ge3A_59 = vector.broadcast %ge3A_58 : f32 to vector<512x64xf32>
    %ge3A_60 = arith.cmpf oge, %dot_general3A_57, %ge3A_59 : vector<512x64xf32>
    %mul3A_61 = vector.broadcast %get3A_0 : f32 to vector<512x64xf32>
    %mul3A_62 = arith.mulf %mul3A_61, %dot_general3A_57 : vector<512x64xf32>
    %select_n3A_63 = arith.select %ge3A_60, %dot_general3A_57, %mul3A_62 : vector<512x64xi1>, vector<512x64xf32>
    %max3A_64 = arith.maximumf %max3A_48, %select_n3A_63 : vector<512x64xf32>
    %get3A_65 = arith.constant 0 : index
    %get3A_66 = arith.constant 4 : index
    %get3A_67 = arith.constant 0 : index
    %get3A_68 = vector.load %arg1[%get3A_65, %get3A_66, %get3A_67] : memref<512x10x128xf32, #tpu.memory_space<vmem>>, vector<512x1x64xf32>
    %get3A_69 = vector.shape_cast %get3A_68 : vector<512x1x64xf32> to vector<512x64xf32>
    %sub3A_70 = arith.subf %get3A_69, %get3A_3 : vector<512x64xf32>
    %concatenate3A_71 = tpu.concatenate %sub3A_70, %get3A_3 in 1 : vector<512x64xf32>, vector<512x64xf32> -> vector<512x128xf32>
    %dot_general3A_72 = arith.constant dense<0.000000e+00> : vector<512x64xf32>
    %dot_general3A_73 = tpu.matmul %concatenate3A_71, %get3A_6, %dot_general3A_72 {dimension_numbers = #tpu.dot_dimension_numbers<[1], [0], [0], [1], [0, 0, 1, 1], [], []>, transpose_lhs_hint = false} : vector<512x128xf32>, vector<128x64xf32>, vector<512x64xf32> -> vector<512x64xf32>
    %ge3A_74 = arith.constant 0.000000e+00 : f32
    %ge3A_75 = vector.broadcast %ge3A_74 : f32 to vector<512x64xf32>
    %ge3A_76 = arith.cmpf oge, %dot_general3A_73, %ge3A_75 : vector<512x64xf32>
    %mul3A_77 = vector.broadcast %get3A_0 : f32 to vector<512x64xf32>
    %mul3A_78 = arith.mulf %mul3A_77, %dot_general3A_73 : vector<512x64xf32>
    %select_n3A_79 = arith.select %ge3A_76, %dot_general3A_73, %mul3A_78 : vector<512x64xi1>, vector<512x64xf32>
    %max3A_80 = arith.maximumf %max3A_64, %select_n3A_79 : vector<512x64xf32>
    %get3A_81 = arith.constant 0 : index
    %get3A_82 = arith.constant 5 : index
    %get3A_83 = arith.constant 0 : index
    %get3A_84 = vector.load %arg1[%get3A_81, %get3A_82, %get3A_83] : memref<512x10x128xf32, #tpu.memory_space<vmem>>, vector<512x1x64xf32>
    %get3A_85 = vector.shape_cast %get3A_84 : vector<512x1x64xf32> to vector<512x64xf32>
    %sub3A_86 = arith.subf %get3A_85, %get3A_3 : vector<512x64xf32>
    %concatenate3A_87 = tpu.concatenate %sub3A_86, %get3A_3 in 1 : vector<512x64xf32>, vector<512x64xf32> -> vector<512x128xf32>
    %dot_general3A_88 = arith.constant dense<0.000000e+00> : vector<512x64xf32>
    %dot_general3A_89 = tpu.matmul %concatenate3A_87, %get3A_6, %dot_general3A_88 {dimension_numbers = #tpu.dot_dimension_numbers<[1], [0], [0], [1], [0, 0, 1, 1], [], []>, transpose_lhs_hint = false} : vector<512x128xf32>, vector<128x64xf32>, vector<512x64xf32> -> vector<512x64xf32>
    %ge3A_90 = arith.constant 0.000000e+00 : f32
    %ge3A_91 = vector.broadcast %ge3A_90 : f32 to vector<512x64xf32>
    %ge3A_92 = arith.cmpf oge, %dot_general3A_89, %ge3A_91 : vector<512x64xf32>
    %mul3A_93 = vector.broadcast %get3A_0 : f32 to vector<512x64xf32>
    %mul3A_94 = arith.mulf %mul3A_93, %dot_general3A_89 : vector<512x64xf32>
    %select_n3A_95 = arith.select %ge3A_92, %dot_general3A_89, %mul3A_94 : vector<512x64xi1>, vector<512x64xf32>
    %max3A_96 = arith.maximumf %max3A_80, %select_n3A_95 : vector<512x64xf32>
    %get3A_97 = arith.constant 0 : index
    %get3A_98 = arith.constant 6 : index
    %get3A_99 = arith.constant 0 : index
    %get3A_100 = vector.load %arg1[%get3A_97, %get3A_98, %get3A_99] : memref<512x10x128xf32, #tpu.memory_space<vmem>>, vector<512x1x64xf32>
    %get3A_101 = vector.shape_cast %get3A_100 : vector<512x1x64xf32> to vector<512x64xf32>
    %sub3A_102 = arith.subf %get3A_101, %get3A_3 : vector<512x64xf32>
    %concatenate3A_103 = tpu.concatenate %sub3A_102, %get3A_3 in 1 : vector<512x64xf32>, vector<512x64xf32> -> vector<512x128xf32>
    %dot_general3A_104 = arith.constant dense<0.000000e+00> : vector<512x64xf32>
    %dot_general3A_105 = tpu.matmul %concatenate3A_103, %get3A_6, %dot_general3A_104 {dimension_numbers = #tpu.dot_dimension_numbers<[1], [0], [0], [1], [0, 0, 1, 1], [], []>, transpose_lhs_hint = false} : vector<512x128xf32>, vector<128x64xf32>, vector<512x64xf32> -> vector<512x64xf32>
    %ge3A_106 = arith.constant 0.000000e+00 : f32
    %ge3A_107 = vector.broadcast %ge3A_106 : f32 to vector<512x64xf32>
    %ge3A_108 = arith.cmpf oge, %dot_general3A_105, %ge3A_107 : vector<512x64xf32>
    %mul3A_109 = vector.broadcast %get3A_0 : f32 to vector<512x64xf32>
    %mul3A_110 = arith.mulf %mul3A_109, %dot_general3A_105 : vector<512x64xf32>
    %select_n3A_111 = arith.select %ge3A_108, %dot_general3A_105, %mul3A_110 : vector<512x64xi1>, vector<512x64xf32>
    %max3A_112 = arith.maximumf %max3A_96, %select_n3A_111 : vector<512x64xf32>
    %get3A_113 = arith.constant 0 : index
    %get3A_114 = arith.constant 7 : index
    %get3A_115 = arith.constant 0 : index
    %get3A_116 = vector.load %arg1[%get3A_113, %get3A_114, %get3A_115] : memref<512x10x128xf32, #tpu.memory_space<vmem>>, vector<512x1x64xf32>
    %get3A_117 = vector.shape_cast %get3A_116 : vector<512x1x64xf32> to vector<512x64xf32>
    %sub3A_118 = arith.subf %get3A_117, %get3A_3 : vector<512x64xf32>
    %concatenate3A_119 = tpu.concatenate %sub3A_118, %get3A_3 in 1 : vector<512x64xf32>, vector<512x64xf32> -> vector<512x128xf32>
    %dot_general3A_120 = arith.constant dense<0.000000e+00> : vector<512x64xf32>
    %dot_general3A_121 = tpu.matmul %concatenate3A_119, %get3A_6, %dot_general3A_120 {dimension_numbers = #tpu.dot_dimension_numbers<[1], [0], [0], [1], [0, 0, 1, 1], [], []>, transpose_lhs_hint = false} : vector<512x128xf32>, vector<128x64xf32>, vector<512x64xf32> -> vector<512x64xf32>
    %ge3A_122 = arith.constant 0.000000e+00 : f32
    %ge3A_123 = vector.broadcast %ge3A_122 : f32 to vector<512x64xf32>
    %ge3A_124 = arith.cmpf oge, %dot_general3A_121, %ge3A_123 : vector<512x64xf32>
    %mul3A_125 = vector.broadcast %get3A_0 : f32 to vector<512x64xf32>
    %mul3A_126 = arith.mulf %mul3A_125, %dot_general3A_121 : vector<512x64xf32>
    %select_n3A_127 = arith.select %ge3A_124, %dot_general3A_121, %mul3A_126 : vector<512x64xi1>, vector<512x64xf32>
    %max3A_128 = arith.maximumf %max3A_112, %select_n3A_127 : vector<512x64xf32>
    %get3A_129 = arith.constant 0 : index
    %get3A_130 = arith.constant 8 : index
    %get3A_131 = arith.constant 0 : index
    %get3A_132 = vector.load %arg1[%get3A_129, %get3A_130, %get3A_131] : memref<512x10x128xf32, #tpu.memory_space<vmem>>, vector<512x1x64xf32>
    %get3A_133 = vector.shape_cast %get3A_132 : vector<512x1x64xf32> to vector<512x64xf32>
    %sub3A_134 = arith.subf %get3A_133, %get3A_3 : vector<512x64xf32>
    %concatenate3A_135 = tpu.concatenate %sub3A_134, %get3A_3 in 1 : vector<512x64xf32>, vector<512x64xf32> -> vector<512x128xf32>
    %dot_general3A_136 = arith.constant dense<0.000000e+00> : vector<512x64xf32>
    %dot_general3A_137 = tpu.matmul %concatenate3A_135, %get3A_6, %dot_general3A_136 {dimension_numbers = #tpu.dot_dimension_numbers<[1], [0], [0], [1], [0, 0, 1, 1], [], []>, transpose_lhs_hint = false} : vector<512x128xf32>, vector<128x64xf32>, vector<512x64xf32> -> vector<512x64xf32>
    %ge3A_138 = arith.constant 0.000000e+00 : f32
    %ge3A_139 = vector.broadcast %ge3A_138 : f32 to vector<512x64xf32>
    %ge3A_140 = arith.cmpf oge, %dot_general3A_137, %ge3A_139 : vector<512x64xf32>
    %mul3A_141 = vector.broadcast %get3A_0 : f32 to vector<512x64xf32>
    %mul3A_142 = arith.mulf %mul3A_141, %dot_general3A_137 : vector<512x64xf32>
    %select_n3A_143 = arith.select %ge3A_140, %dot_general3A_137, %mul3A_142 : vector<512x64xi1>, vector<512x64xf32>
    %max3A_144 = arith.maximumf %max3A_128, %select_n3A_143 : vector<512x64xf32>
    %get3A_145 = arith.constant 0 : index
    %get3A_146 = arith.constant 9 : index
    %get3A_147 = arith.constant 0 : index
    %get3A_148 = vector.load %arg1[%get3A_145, %get3A_146, %get3A_147] : memref<512x10x128xf32, #tpu.memory_space<vmem>>, vector<512x1x64xf32>
    %get3A_149 = vector.shape_cast %get3A_148 : vector<512x1x64xf32> to vector<512x64xf32>
    %sub3A_150 = arith.subf %get3A_149, %get3A_3 : vector<512x64xf32>
    %concatenate3A_151 = tpu.concatenate %sub3A_150, %get3A_3 in 1 : vector<512x64xf32>, vector<512x64xf32> -> vector<512x128xf32>
    %dot_general3A_152 = arith.constant dense<0.000000e+00> : vector<512x64xf32>
    %dot_general3A_153 = tpu.matmul %concatenate3A_151, %get3A_6, %dot_general3A_152 {dimension_numbers = #tpu.dot_dimension_numbers<[1], [0], [0], [1], [0, 0, 1, 1], [], []>, transpose_lhs_hint = false} : vector<512x128xf32>, vector<128x64xf32>, vector<512x64xf32> -> vector<512x64xf32>
    %ge3A_154 = arith.constant 0.000000e+00 : f32
    %ge3A_155 = vector.broadcast %ge3A_154 : f32 to vector<512x64xf32>
    %ge3A_156 = arith.cmpf oge, %dot_general3A_153, %ge3A_155 : vector<512x64xf32>
    %mul3A_157 = vector.broadcast %get3A_0 : f32 to vector<512x64xf32>
    %mul3A_158 = arith.mulf %mul3A_157, %dot_general3A_153 : vector<512x64xf32>
    %select_n3A_159 = arith.select %ge3A_156, %dot_general3A_153, %mul3A_158 : vector<512x64xi1>, vector<512x64xf32>
    %max3A_160 = arith.maximumf %max3A_144, %select_n3A_159 : vector<512x64xf32>
    %swap3A = arith.constant 0 : index
    %swap3A_161 = arith.constant 0 : index
    %swap3A_162 = vector.load %arg5[%swap3A, %swap3A_161] : memref<512x64xf32, #tpu.memory_space<vmem>>, vector<512x64xf32>
    tpu.vector_store %arg5[%swap3A, %swap3A_161], %max3A_160 {strides = array<i32>} : memref<512x64xf32, #tpu.memory_space<vmem>>, vector<512x64xf32>,
    return
  }
  func.func @transform_0(%arg0: i32) -> (i32, i32, i32) {
    %c0_i32 = arith.constant 0 : i32
    %c0_i32_0 = arith.constant 0 : i32
    %c0_i32_1 = arith.constant 0 : i32
    return %arg0, %c0_i32, %c0_i32_0 : i32, i32, i32
  }
  func.func @transform_1(%arg0: i32) -> (i32, i32) {
    %c0_i32 = arith.constant 0 : i32
    %c0_i32_0 = arith.constant 0 : i32
    return %arg0, %c0_i32 : i32, i32
  }
  func.func @transform_2(%arg0: i32) -> (i32, i32) {
    %c0_i32 = arith.constant 0 : i32
    %c0_i32_0 = arith.constant 0 : i32
    %c0_i32_1 = arith.constant 0 : i32
    return %c0_i32, %c0_i32_0 : i32, i32
  }
  func.func @transform_3(%arg0: i32) -> i32 {
    %c0_i32 = arith.constant 0 : i32
    %c0_i32_0 = arith.constant 0 : i32
    return %c0_i32 : i32
  }
  func.func @transform_4(%arg0: i32) -> (i32, i32) {
    %c0_i32 = arith.constant 0 : i32
    %c0_i32_0 = arith.constant 0 : i32
    return %arg0, %c0_i32 : i32, i32
  }
}

module attributes {stable_mosaic.version = 14 : i64} {
  func.func @_gmax_body(%arg0: i32, %arg1: memref<512x64xf32, #tpu.memory_space<vmem>>, %arg2: memref<512x64xf32, #tpu.memory_space<vmem>>, %arg3: memref<512x64xf32, #tpu.memory_space<vmem>>, %arg4: memref<192x1024xf32, #tpu.memory_space<vmem>>, %arg5: memref<1xf32, #tpu.memory_space<smem>>, %arg6: memref<1x1024xf32, #tpu.memory_space<vmem>>) attributes {dimension_semantics = [#tpu.dimension_semantics<arbitrary>], iteration_bounds = array<i64: 20>, scalar_prefetch = 0 : i64, scratch_operands = 0 : i64, tpu.core_type = #tpu.core_type<tc>, window_params = [{transform_indices = @transform_0, window_bounds = array<i64: 512, 64>}, {transform_indices = @transform_1, window_bounds = array<i64: 512, 64>}, {transform_indices = @transform_2, window_bounds = array<i64: 512, 64>}, {pipeline_mode = #tpu.pipeline_mode<synchronous>, transform_indices = @transform_3, window_bounds = array<i64: 192, 1024>}, {transform_indices = @transform_4, window_bounds = array<i64: 1>}, {pipeline_mode = #tpu.pipeline_mode<synchronous>, transform_indices = @transform_5, window_bounds = array<i64: 1, 1024>}]} {
    %get3A = arith.constant 0 : index
    %get3A_0 = memref.load %arg5[%get3A] : memref<1xf32, #tpu.memory_space<smem>>
    %get3A_1 = arith.constant 0 : index
    %get3A_2 = arith.constant 0 : index
    %get3A_3 = vector.load %arg1[%get3A_1, %get3A_2] : memref<512x64xf32, #tpu.memory_space<vmem>>, vector<512x64xf32>
    %get3A_4 = arith.constant 0 : index
    %get3A_5 = arith.constant 0 : index
    %get3A_6 = vector.load %arg4[%get3A_4, %get3A_5] : memref<192x1024xf32, #tpu.memory_space<vmem>>, vector<64x1024xf32>
    %dot_general3A = arith.constant dense<0.000000e+00> : vector<512x1024xf32>
    %dot_general3A_7 = tpu.matmul %get3A_3, %get3A_6, %dot_general3A {dimension_numbers = #tpu.dot_dimension_numbers<[1], [0], [0], [1], [0, 0, 1, 1], [], []>, transpose_lhs_hint = false} : vector<512x64xf32>, vector<64x1024xf32>, vector<512x1024xf32> -> vector<512x1024xf32>
    %get3A_8 = arith.constant 0 : index
    %get3A_9 = arith.constant 0 : index
    %get3A_10 = vector.load %arg2[%get3A_8, %get3A_9] : memref<512x64xf32, #tpu.memory_space<vmem>>, vector<512x64xf32>
    %get3A_11 = arith.constant 64 : index
    %get3A_12 = arith.constant 0 : index
    %get3A_13 = vector.load %arg4[%get3A_11, %get3A_12] : memref<192x1024xf32, #tpu.memory_space<vmem>>, vector<64x1024xf32>
    %dot_general3A_14 = arith.constant dense<0.000000e+00> : vector<512x1024xf32>
    %dot_general3A_15 = tpu.matmul %get3A_10, %get3A_13, %dot_general3A_14 {dimension_numbers = #tpu.dot_dimension_numbers<[1], [0], [0], [1], [0, 0, 1, 1], [], []>, transpose_lhs_hint = false} : vector<512x64xf32>, vector<64x1024xf32>, vector<512x1024xf32> -> vector<512x1024xf32>
    %add3A = arith.addf %dot_general3A_7, %dot_general3A_15 : vector<512x1024xf32>
    %get3A_16 = arith.constant 0 : index
    %get3A_17 = arith.constant 0 : index
    %get3A_18 = vector.load %arg3[%get3A_16, %get3A_17] : memref<512x64xf32, #tpu.memory_space<vmem>>, vector<512x64xf32>
    %get3A_19 = arith.constant 128 : index
    %get3A_20 = arith.constant 0 : index
    %get3A_21 = vector.load %arg4[%get3A_19, %get3A_20] : memref<192x1024xf32, #tpu.memory_space<vmem>>, vector<64x1024xf32>
    %dot_general3A_22 = arith.constant dense<0.000000e+00> : vector<512x1024xf32>
    %dot_general3A_23 = tpu.matmul %get3A_18, %get3A_21, %dot_general3A_22 {dimension_numbers = #tpu.dot_dimension_numbers<[1], [0], [0], [1], [0, 0, 1, 1], [], []>, transpose_lhs_hint = false} : vector<512x64xf32>, vector<64x1024xf32>, vector<512x1024xf32> -> vector<512x1024xf32>
    %add3A_24 = arith.addf %add3A, %dot_general3A_23 : vector<512x1024xf32>
    %ge3A = arith.constant 0.000000e+00 : f32
    %ge3A_25 = vector.broadcast %ge3A : f32 to vector<512x1024xf32>
    %ge3A_26 = arith.cmpf oge, %add3A_24, %ge3A_25 : vector<512x1024xf32>
    %mul3A = vector.broadcast %get3A_0 : f32 to vector<512x1024xf32>
    %mul3A_27 = arith.mulf %mul3A, %add3A_24 : vector<512x1024xf32>
    %select_n3A = arith.select %ge3A_26, %add3A_24, %mul3A_27 : vector<512x1024xi1>, vector<512x1024xf32>
    %iota3A = tpu.iota {dimensions = array<i32: 0>} : vector<512x1xi32>
    %mul3A_28 = arith.constant 512 : i32
    %mul3A_29 = arith.muli %arg0, %mul3A_28 : i32
    %add3A_30 = vector.broadcast %mul3A_29 : i32 to vector<512x1xi32>
    %add3A_31 = arith.addi %iota3A, %add3A_30 : vector<512x1xi32>
    %lt3A = arith.constant 10000 : i32
    %lt3A_32 = vector.broadcast %lt3A : i32 to vector<512x1xi32>
    %lt3A_33 = arith.cmpi slt, %add3A_31, %lt3A_32 : vector<512x1xi32>
    %jit3A = arith.constant -3.400000e+38 : f32
    %broadcast_in_dim3A = vector.shape_cast %lt3A_33 : vector<512x1xi1> to vector<512x1xi1>
    %broadcast_in_dim3A_34 = vector.broadcast %broadcast_in_dim3A : vector<512x1xi1> to vector<512x1024xi1>
    %broadcast_in_dim3A_35 = vector.broadcast %jit3A : f32 to vector<512x1024xf32>
    %select_n3A_36 = arith.select %broadcast_in_dim3A_34, %select_n3A, %broadcast_in_dim3A_35 : vector<512x1024xi1>, vector<512x1024xf32>
    %reduce_max3A = arith.constant dense<0xFF800000> : vector<1024xf32>
    %reduce_max3A_37 = vector.multi_reduction <maximumf>, %select_n3A_36, %reduce_max3A [0] : vector<512x1024xf32> to vector<1024xf32>
    %broadcast_in_dim3A_38 = vector.shape_cast %reduce_max3A_37 : vector<1024xf32> to vector<1x1024xf32>
    %eq3A = arith.constant 0 : i32
    %eq3A_39 = arith.cmpi eq, %arg0, %eq3A : i32
    %convert_element_type3A = arith.extui %eq3A_39 : i1 to i32
    %cond3A = arith.constant 0 : i32
    %cond3A_40 = arith.cmpi ne, %convert_element_type3A, %cond3A : i32
    scf.if %cond3A_40 {
      %swap3A = arith.constant 0 : index
      %swap3A_45 = arith.constant 0 : index
      %swap3A_46 = vector.load %arg6[%swap3A, %swap3A_45] : memref<1x1024xf32, #tpu.memory_space<vmem>>, vector<1x1024xf32>
      tpu.vector_store %arg6[%swap3A, %swap3A_45], %broadcast_in_dim3A_38 {strides = array<i32>} : memref<1x1024xf32, #tpu.memory_space<vmem>>, vector<1x1024xf32>,
    } else {
    }
    %gt3A = arith.constant 0 : i32
    %gt3A_41 = arith.cmpi sgt, %arg0, %gt3A : i32
    %convert_element_type3A_42 = arith.extui %gt3A_41 : i1 to i32
    %cond3A_43 = arith.constant 0 : i32
    %cond3A_44 = arith.cmpi ne, %convert_element_type3A_42, %cond3A_43 : i32
    scf.if %cond3A_44 {
      %get3A_45 = arith.constant 0 : index
      %get3A_46 = arith.constant 0 : index
      %get3A_47 = vector.load %arg6[%get3A_45, %get3A_46] : memref<1x1024xf32, #tpu.memory_space<vmem>>, vector<1x1024xf32>
      %max3A = arith.maximumf %get3A_47, %broadcast_in_dim3A_38 : vector<1x1024xf32>
      %swap3A = arith.constant 0 : index
      %swap3A_48 = arith.constant 0 : index
      %swap3A_49 = vector.load %arg6[%swap3A, %swap3A_48] : memref<1x1024xf32, #tpu.memory_space<vmem>>, vector<1x1024xf32>
      tpu.vector_store %arg6[%swap3A, %swap3A_48], %max3A {strides = array<i32>} : memref<1x1024xf32, #tpu.memory_space<vmem>>, vector<1x1024xf32>,
    } else {
    }
    return
  }
  func.func @transform_0(%arg0: i32) -> (i32, i32) {
    %c0_i32 = arith.constant 0 : i32
    %c0_i32_0 = arith.constant 0 : i32
    return %arg0, %c0_i32 : i32, i32
  }
  func.func @transform_1(%arg0: i32) -> (i32, i32) {
    %c0_i32 = arith.constant 0 : i32
    %c0_i32_0 = arith.constant 0 : i32
    return %arg0, %c0_i32 : i32, i32
  }
  func.func @transform_2(%arg0: i32) -> (i32, i32) {
    %c0_i32 = arith.constant 0 : i32
    %c0_i32_0 = arith.constant 0 : i32
    return %arg0, %c0_i32 : i32, i32
  }
  func.func @transform_3(%arg0: i32) -> (i32, i32) {
    %c0_i32 = arith.constant 0 : i32
    %c0_i32_0 = arith.constant 0 : i32
    %c0_i32_1 = arith.constant 0 : i32
    return %c0_i32, %c0_i32_0 : i32, i32
  }
  func.func @transform_4(%arg0: i32) -> i32 {
    %c0_i32 = arith.constant 0 : i32
    %c0_i32_0 = arith.constant 0 : i32
    return %c0_i32 : i32
  }
  func.func @transform_5(%arg0: i32) -> (i32, i32) {
    %c0_i32 = arith.constant 0 : i32
    %c0_i32_0 = arith.constant 0 : i32
    %c0_i32_1 = arith.constant 0 : i32
    return %c0_i32, %c0_i32_0 : i32, i32
  }
}

module attributes {stable_mosaic.version = 14 : i64} {
  func.func @_mlp_body(%arg0: i32, %arg1: memref<512x64xf32, #tpu.memory_space<vmem>>, %arg2: memref<512x64xf32, #tpu.memory_space<vmem>>, %arg3: memref<512x64xf32, #tpu.memory_space<vmem>>, %arg4: memref<1x1024xf32, #tpu.memory_space<vmem>>, %arg5: memref<64x256xf32, #tpu.memory_space<vmem>>, %arg6: memref<64x256xf32, #tpu.memory_space<vmem>>, %arg7: memref<64x256xf32, #tpu.memory_space<vmem>>, %arg8: memref<1024x256xf32, #tpu.memory_space<vmem>>, %arg9: memref<256x256xf32, #tpu.memory_space<vmem>>, %arg10: memref<256x128xf32, #tpu.memory_space<vmem>>, %arg11: memref<128x8xf32, #tpu.memory_space<vmem>>, %arg12: memref<4xf32, #tpu.memory_space<smem>>, %arg13: memref<512x8xf32, #tpu.memory_space<vmem>>) attributes {dimension_semantics = [#tpu.dimension_semantics<arbitrary>], iteration_bounds = array<i64: 20>, scalar_prefetch = 0 : i64, scratch_operands = 0 : i64, tpu.core_type = #tpu.core_type<tc>, window_params = [{transform_indices = @transform_0, window_bounds = array<i64: 512, 64>}, {transform_indices = @transform_1, window_bounds = array<i64: 512, 64>}, {transform_indices = @transform_2, window_bounds = array<i64: 512, 64>}, {pipeline_mode = #tpu.pipeline_mode<synchronous>, transform_indices = @transform_3, window_bounds = array<i64: 1, 1024>}, {pipeline_mode = #tpu.pipeline_mode<synchronous>, transform_indices = @transform_4, window_bounds = array<i64: 64, 256>}, {pipeline_mode = #tpu.pipeline_mode<synchronous>, transform_indices = @transform_5, window_bounds = array<i64: 64, 256>}, {pipeline_mode = #tpu.pipeline_mode<synchronous>, transform_indices = @transform_6, window_bounds = array<i64: 64, 256>}, {pipeline_mode = #tpu.pipeline_mode<synchronous>, transform_indices = @transform_7, window_bounds = array<i64: 1024, 256>}, {pipeline_mode = #tpu.pipeline_mode<synchronous>, transform_indices = @transform_8, window_bounds = array<i64: 256, 256>}, {pipeline_mode = #tpu.pipeline_mode<synchronous>, transform_indices = @transform_9, window_bounds = array<i64: 256, 128>}, {pipeline_mode = #tpu.pipeline_mode<synchronous>, transform_indices = @transform_10, window_bounds = array<i64: 128, 8>}, {transform_indices = @transform_11, window_bounds = array<i64: 4>}, {transform_indices = @transform_12, window_bounds = array<i64: 512, 8>}]} {
    %get3A = arith.constant 0 : index
    %get3A_0 = memref.load %arg12[%get3A] : memref<4xf32, #tpu.memory_space<smem>>
    %get3A_1 = arith.constant 1 : index
    %get3A_2 = memref.load %arg12[%get3A_1] : memref<4xf32, #tpu.memory_space<smem>>
    %get3A_3 = arith.constant 2 : index
    %get3A_4 = memref.load %arg12[%get3A_3] : memref<4xf32, #tpu.memory_space<smem>>
    %get3A_5 = arith.constant 3 : index
    %get3A_6 = memref.load %arg12[%get3A_5] : memref<4xf32, #tpu.memory_space<smem>>
    %get3A_7 = arith.constant 0 : index
    %get3A_8 = arith.constant 0 : index
    %get3A_9 = vector.load %arg4[%get3A_7, %get3A_8] : memref<1x1024xf32, #tpu.memory_space<vmem>>, vector<1x1024xf32>
    %get3A_10 = arith.constant 0 : index
    %get3A_11 = arith.constant 0 : index
    %get3A_12 = vector.load %arg8[%get3A_10, %get3A_11] : memref<1024x256xf32, #tpu.memory_space<vmem>>, vector<1024x256xf32>
    %dot_general3A = arith.constant dense<0.000000e+00> : vector<1x256xf32>
    %dot_general3A_13 = tpu.matmul %get3A_9, %get3A_12, %dot_general3A {dimension_numbers = #tpu.dot_dimension_numbers<[1], [0], [0], [1], [0, 0, 1, 1], [], []>, transpose_lhs_hint = false} : vector<1x1024xf32>, vector<1024x256xf32>, vector<1x256xf32> -> vector<1x256xf32>
    %get3A_14 = arith.constant 0 : index
    %get3A_15 = arith.constant 0 : index
    %get3A_16 = vector.load %arg1[%get3A_14, %get3A_15] : memref<512x64xf32, #tpu.memory_space<vmem>>, vector<512x64xf32>
    %get3A_17 = arith.constant 0 : index
    %get3A_18 = arith.constant 0 : index
    %get3A_19 = vector.load %arg5[%get3A_17, %get3A_18] : memref<64x256xf32, #tpu.memory_space<vmem>>, vector<64x256xf32>
    %dot_general3A_20 = arith.constant dense<0.000000e+00> : vector<512x256xf32>
    %dot_general3A_21 = tpu.matmul %get3A_16, %get3A_19, %dot_general3A_20 {dimension_numbers = #tpu.dot_dimension_numbers<[1], [0], [0], [1], [0, 0, 1, 1], [], []>, transpose_lhs_hint = false} : vector<512x64xf32>, vector<64x256xf32>, vector<512x256xf32> -> vector<512x256xf32>
    %get3A_22 = arith.constant 0 : index
    %get3A_23 = arith.constant 0 : index
    %get3A_24 = vector.load %arg2[%get3A_22, %get3A_23] : memref<512x64xf32, #tpu.memory_space<vmem>>, vector<512x64xf32>
    %get3A_25 = arith.constant 0 : index
    %get3A_26 = arith.constant 0 : index
    %get3A_27 = vector.load %arg6[%get3A_25, %get3A_26] : memref<64x256xf32, #tpu.memory_space<vmem>>, vector<64x256xf32>
    %dot_general3A_28 = arith.constant dense<0.000000e+00> : vector<512x256xf32>
    %dot_general3A_29 = tpu.matmul %get3A_24, %get3A_27, %dot_general3A_28 {dimension_numbers = #tpu.dot_dimension_numbers<[1], [0], [0], [1], [0, 0, 1, 1], [], []>, transpose_lhs_hint = false} : vector<512x64xf32>, vector<64x256xf32>, vector<512x256xf32> -> vector<512x256xf32>
    %add3A = arith.addf %dot_general3A_21, %dot_general3A_29 : vector<512x256xf32>
    %get3A_30 = arith.constant 0 : index
    %get3A_31 = arith.constant 0 : index
    %get3A_32 = vector.load %arg3[%get3A_30, %get3A_31] : memref<512x64xf32, #tpu.memory_space<vmem>>, vector<512x64xf32>
    %get3A_33 = arith.constant 0 : index
    %get3A_34 = arith.constant 0 : index
    %get3A_35 = vector.load %arg7[%get3A_33, %get3A_34] : memref<64x256xf32, #tpu.memory_space<vmem>>, vector<64x256xf32>
    %dot_general3A_36 = arith.constant dense<0.000000e+00> : vector<512x256xf32>
    %dot_general3A_37 = tpu.matmul %get3A_32, %get3A_35, %dot_general3A_36 {dimension_numbers = #tpu.dot_dimension_numbers<[1], [0], [0], [1], [0, 0, 1, 1], [], []>, transpose_lhs_hint = false} : vector<512x64xf32>, vector<64x256xf32>, vector<512x256xf32> -> vector<512x256xf32>
    %add3A_38 = arith.addf %add3A, %dot_general3A_37 : vector<512x256xf32>
    %add3A_39 = vector.broadcast %dot_general3A_13 : vector<1x256xf32> to vector<512x256xf32>
    %add3A_40 = arith.addf %add3A_38, %add3A_39 : vector<512x256xf32>
    %ge3A = arith.constant 0.000000e+00 : f32
    %ge3A_41 = vector.broadcast %ge3A : f32 to vector<512x256xf32>
    %ge3A_42 = arith.cmpf oge, %add3A_40, %ge3A_41 : vector<512x256xf32>
    %mul3A = vector.broadcast %get3A_0 : f32 to vector<512x256xf32>
    %mul3A_43 = arith.mulf %mul3A, %add3A_40 : vector<512x256xf32>
    %select_n3A = arith.select %ge3A_42, %add3A_40, %mul3A_43 : vector<512x256xi1>, vector<512x256xf32>
    %get3A_44 = arith.constant 0 : index
    %get3A_45 = arith.constant 0 : index
    %get3A_46 = vector.load %arg9[%get3A_44, %get3A_45] : memref<256x256xf32, #tpu.memory_space<vmem>>, vector<256x256xf32>
    %dot_general3A_47 = arith.constant dense<0.000000e+00> : vector<512x256xf32>
    %dot_general3A_48 = tpu.matmul %select_n3A, %get3A_46, %dot_general3A_47 {dimension_numbers = #tpu.dot_dimension_numbers<[1], [0], [0], [1], [0, 0, 1, 1], [], []>, transpose_lhs_hint = false} : vector<512x256xf32>, vector<256x256xf32>, vector<512x256xf32> -> vector<512x256xf32>
    %ge3A_49 = arith.constant 0.000000e+00 : f32
    %ge3A_50 = vector.broadcast %ge3A_49 : f32 to vector<512x256xf32>
    %ge3A_51 = arith.cmpf oge, %dot_general3A_48, %ge3A_50 : vector<512x256xf32>
    %mul3A_52 = vector.broadcast %get3A_2 : f32 to vector<512x256xf32>
    %mul3A_53 = arith.mulf %mul3A_52, %dot_general3A_48 : vector<512x256xf32>
    %select_n3A_54 = arith.select %ge3A_51, %dot_general3A_48, %mul3A_53 : vector<512x256xi1>, vector<512x256xf32>
    %get3A_55 = arith.constant 0 : index
    %get3A_56 = arith.constant 0 : index
    %get3A_57 = vector.load %arg10[%get3A_55, %get3A_56] : memref<256x128xf32, #tpu.memory_space<vmem>>, vector<256x128xf32>
    %dot_general3A_58 = arith.constant dense<0.000000e+00> : vector<512x128xf32>
    %dot_general3A_59 = tpu.matmul %select_n3A_54, %get3A_57, %dot_general3A_58 {dimension_numbers = #tpu.dot_dimension_numbers<[1], [0], [0], [1], [0, 0, 1, 1], [], []>, transpose_lhs_hint = false} : vector<512x256xf32>, vector<256x128xf32>, vector<512x128xf32> -> vector<512x128xf32>
    %ge3A_60 = arith.constant 0.000000e+00 : f32
    %ge3A_61 = vector.broadcast %ge3A_60 : f32 to vector<512x128xf32>
    %ge3A_62 = arith.cmpf oge, %dot_general3A_59, %ge3A_61 : vector<512x128xf32>
    %mul3A_63 = vector.broadcast %get3A_4 : f32 to vector<512x128xf32>
    %mul3A_64 = arith.mulf %mul3A_63, %dot_general3A_59 : vector<512x128xf32>
    %select_n3A_65 = arith.select %ge3A_62, %dot_general3A_59, %mul3A_64 : vector<512x128xi1>, vector<512x128xf32>
    %get3A_66 = arith.constant 0 : index
    %get3A_67 = arith.constant 0 : index
    %get3A_68 = vector.load %arg11[%get3A_66, %get3A_67] : memref<128x8xf32, #tpu.memory_space<vmem>>, vector<128x8xf32>
    %dot_general3A_69 = arith.constant dense<0.000000e+00> : vector<512x8xf32>
    %dot_general3A_70 = tpu.matmul %select_n3A_65, %get3A_68, %dot_general3A_69 {dimension_numbers = #tpu.dot_dimension_numbers<[1], [0], [0], [1], [0, 0, 1, 1], [], []>, transpose_lhs_hint = false} : vector<512x128xf32>, vector<128x8xf32>, vector<512x8xf32> -> vector<512x8xf32>
    %ge3A_71 = arith.constant 0.000000e+00 : f32
    %ge3A_72 = vector.broadcast %ge3A_71 : f32 to vector<512x8xf32>
    %ge3A_73 = arith.cmpf oge, %dot_general3A_70, %ge3A_72 : vector<512x8xf32>
    %mul3A_74 = vector.broadcast %get3A_6 : f32 to vector<512x8xf32>
    %mul3A_75 = arith.mulf %mul3A_74, %dot_general3A_70 : vector<512x8xf32>
    %select_n3A_76 = arith.select %ge3A_73, %dot_general3A_70, %mul3A_75 : vector<512x8xi1>, vector<512x8xf32>
    %swap3A = arith.constant 0 : index
    %swap3A_77 = arith.constant 0 : index
    %swap3A_78 = vector.load %arg13[%swap3A, %swap3A_77] : memref<512x8xf32, #tpu.memory_space<vmem>>, vector<512x8xf32>
    tpu.vector_store %arg13[%swap3A, %swap3A_77], %select_n3A_76 {strides = array<i32>} : memref<512x8xf32, #tpu.memory_space<vmem>>, vector<512x8xf32>,
    return
  }
  func.func @transform_0(%arg0: i32) -> (i32, i32) {
    %c0_i32 = arith.constant 0 : i32
    %c0_i32_0 = arith.constant 0 : i32
    return %arg0, %c0_i32 : i32, i32
  }
  func.func @transform_1(%arg0: i32) -> (i32, i32) {
    %c0_i32 = arith.constant 0 : i32
    %c0_i32_0 = arith.constant 0 : i32
    return %arg0, %c0_i32 : i32, i32
  }
  func.func @transform_2(%arg0: i32) -> (i32, i32) {
    %c0_i32 = arith.constant 0 : i32
    %c0_i32_0 = arith.constant 0 : i32
    return %arg0, %c0_i32 : i32, i32
  }
  func.func @transform_3(%arg0: i32) -> (i32, i32) {
    %c0_i32 = arith.constant 0 : i32
    %c0_i32_0 = arith.constant 0 : i32
    %c0_i32_1 = arith.constant 0 : i32
    return %c0_i32, %c0_i32_0 : i32, i32
  }
  func.func @transform_4(%arg0: i32) -> (i32, i32) {
    %c0_i32 = arith.constant 0 : i32
    %c0_i32_0 = arith.constant 0 : i32
    %c0_i32_1 = arith.constant 0 : i32
    return %c0_i32, %c0_i32_0 : i32, i32
  }
  func.func @transform_5(%arg0: i32) -> (i32, i32) {
    %c0_i32 = arith.constant 0 : i32
    %c0_i32_0 = arith.constant 0 : i32
    %c0_i32_1 = arith.constant 0 : i32
    return %c0_i32, %c0_i32_0 : i32, i32
  }
  func.func @transform_6(%arg0: i32) -> (i32, i32) {
    %c0_i32 = arith.constant 0 : i32
    %c0_i32_0 = arith.constant 0 : i32
    %c0_i32_1 = arith.constant 0 : i32
    return %c0_i32, %c0_i32_0 : i32, i32
  }
  func.func @transform_7(%arg0: i32) -> (i32, i32) {
    %c0_i32 = arith.constant 0 : i32
    %c0_i32_0 = arith.constant 0 : i32
    %c0_i32_1 = arith.constant 0 : i32
    return %c0_i32, %c0_i32_0 : i32, i32
  }
  func.func @transform_8(%arg0: i32) -> (i32, i32) {
    %c0_i32 = arith.constant 0 : i32
    %c0_i32_0 = arith.constant 0 : i32
    %c0_i32_1 = arith.constant 0 : i32
    return %c0_i32, %c0_i32_0 : i32, i32
  }
  func.func @transform_9(%arg0: i32) -> (i32, i32) {
    %c0_i32 = arith.constant 0 : i32
    %c0_i32_0 = arith.constant 0 : i32
    %c0_i32_1 = arith.constant 0 : i32
    return %c0_i32, %c0_i32_0 : i32, i32
  }
  func.func @transform_10(%arg0: i32) -> (i32, i32) {
    %c0_i32 = arith.constant 0 : i32
    %c0_i32_0 = arith.constant 0 : i32
    %c0_i32_1 = arith.constant 0 : i32
    return %c0_i32, %c0_i32_0 : i32, i32
  }
  func.func @transform_11(%arg0: i32) -> i32 {
    %c0_i32 = arith.constant 0 : i32
    %c0_i32_0 = arith.constant 0 : i32
    return %c0_i32 : i32
  }
  func.func @transform_12(%arg0: i32) -> (i32, i32) {
    %c0_i32 = arith.constant 0 : i32
    %c0_i32_0 = arith.constant 0 : i32
    return %arg0, %c0_i32 : i32, i32
  }
}

</mosaic_0001>

<sc_bundles>
// kernel: kernel.16.cloned.1.call-start
scs
__scs_entry_jumppad:
0x0: {  	(pc) =	sbr.rel $0x88, $3  }
0x1: {  	(tag) =	ssettag $0x0;
	lr =	simm.s32 $0x1  }
0x2: {  	[smem:$0x3F8C] =	sst lr;
	_ =	strace $0xD0000000  }
0x3: {  	_ = 	snop  }
0x4: {  	_ = 	snop  }
0x5: {  	_ = 	snop  }
0x6: {  	_ = 	snop  }
0x7: {  	_ = 	snop  }
__scs_overlays_trampoline_lowered:
0x8: {  	[smem:$0x3F9B] =	sst s0  }
0x9: {  	[smem:$0x3F9C] =	sst s1  }
0xa: {  	[smem:$0x3F9D] =	sst s2  }
0xb: {  	[smem:$0x3F9E] =	sst s3  }
0xc: {  	[smem:$0x3F9F] =	sst s4  }
0xd: {  	[smem:$0x3FA0] =	sst s5  }
0xe: {  	[smem:$0x3FA1] =	sst s6  }
0xf: {  	[smem:$0x3FA2] =	sst s7  }
0x10: {  	[smem:$0x3FA3] =	sst s8  }
0x11: {  	[smem:$0x3FA4] =	sst s9;
	s0 =	simm.s32 @!p0 $0x0  }
0x12: {  	s1 =	sld [smem:$0x3F8A];
	s0 =	simm.s32 @p0 $0x1  }
0x13: {  	[smem:$0x3FA5] =	sst s0;
	s0 =	simm.s32 @!p1 $0x0  }
0x14: {  	s2 =	sld [smem:$0x3F89];
	s0 =	simm.s32 @p1 $0x1  }
0x15: {  	[smem:$0x3FA6] =	sst s0;
	s0 =	simm.s32 @!p2 $0x0  }
0x16: {  	s3 =	sld [smem:$0x3FDB];
	s0 =	simm.s32 @p2 $0x1  }
0x17: {  	s4 =	simm.s32 $0x1BF5;
	[smem:$0x3FA8] =	sst s0  }
0x18: {  	s0 =	sld [smem:$0x3F8B];
	_ =	swait.ge [sflag:s4], $0x0  }
0x19: {  	s7 =	sld [smem:$0x3F8C]  }
0x1a: {  	s8 =	sadd.s32 $0xFFFFE003, lr  }
0x1b: {  	s9 =	sadd.s32 $0xFFFFFEF7, lr;
	s5 =	simm.s32 $0xFFFFFFFF;
	p2 =	slt.u32 s8, $0xFFFFF086  }
0x1c: {  	p1 =	slt.u32 s9, $0xF7A;
	s5 =	simm.s32 @!p2 $0x0  }
0x1d: {  	s5 =	simm.s32 @p1 $0x1;
	p0 =	seq.s32 s7, s2  }
0x1e: {  	s7 =	smul.u32 @!p0 $0xF7A, s2;
	p2 =	seq.s32 @!p0 s5, $0x0  }
0x1f: {  	s9 =	smul.u32 $0xF7A, s1;
	s8 =	simm.s32 @!p0 $0x1BF5;
	p2 =	por !p2, p0  }
0x20: {  	[sflag:s8] =	ssyncset.s32 @!p0 $0xFFFFF086;
	s6 =	sadd.s32 @!p0 s3, s7;
	s7 =	simm.s32 @!p0 $0x108  }
0x21: {  	s3 =	sadd.s32 s3, s9;
	s6 =	sadd.s32 @!p0 $0x88, s6;
	s7 =	simm.s32 @p2 $0x1082  }
0x22: {  	[simem:s7], [sflag:s8] =	dma.local @!p0 [hbm:s6], $0xF7A  }
0x23: {  	s9 =	sor.u32 $0xD0000000, s2;
	s6 =	simm.s32 $0x108;
	_ =	swait.ge @!p0 [sflag:s8], $0x0  }
0x24: {  	s3 =	sadd.s32 $0x88, s3;
	s6 =	simm.s32 @!p1 $0x1082;
	[sflag:s4] =	ssyncset.s32 $0xFFFFF086  }
0x25: {  	[simem:s6], [sflag:s4] =	dma.local [hbm:s3], $0xF7A  }
0x26: {  	[smem:$0x3F8C] =	sst s1;
	(tag) =	ssettag s2;
	_ =	strace s9  }
0x27: {  	s1 =	sld [smem:$0x3F9C]  }
0x28: {  	s2 =	sld [smem:$0x3F9D]  }
0x29: {  	s4 =	sld [smem:$0x3F9F]  }
0x2a: {  	p0 =	seq.s32 s5, $0x0;
	s5 =	sld [smem:$0x3FA0]  }
0x2b: {  	s6 =	sld [smem:$0x3FA1]  }
0x2c: {  	s7 =	sld [smem:$0x3FA2]  }
0x2d: {  	s3 =	simm.s32 $0x108;
	s8 =	sld [smem:$0x3FA3]  }
0x2e: {  	s3 =	simm.s32 @!p0 $0x1082;
	s9 =	sld [smem:$0x3FA4]  }
0x2f: {  	lr =	sadd.s32 s0, s3;
	s0 =	sld [smem:$0x3F9B]  }
0x30: {  	s3 =	sld [smem:$0x3F9E]  }
0x31: {  	[smem:$0x3FA7] =	sst s10  }
0x32: {  	s10 =	sld [smem:$0x3FA5];
	_ =	sdelay $0x3  }
0x33: {  	p0 =	seq.s32 s10, $0x1;
	s10 =	sld [smem:$0x3FA7];
	_ =	sdelay $0x3  }
0x34: {  	[smem:$0x3FA7] =	sst s10  }
0x35: {  	s10 =	sld [smem:$0x3FA6];
	_ =	sdelay $0x3  }
0x36: {  	p1 =	seq.s32 s10, $0x1;
	s10 =	sld [smem:$0x3FA7];
	_ =	sdelay $0x3  }
0x37: {  	[smem:$0x3FA7] =	sst s10  }
0x38: {  	s10 =	sld [smem:$0x3FA8]  }
0x39: {  	_ = 	snop;
	(pc) =	sbr.ind lr, $3  }
0x3a: {  	_ = 	snop  }
0x3b: {  	_ = 	snop  }
0x3c: {  	p2 =	seq.s32 s10, $0x1;
	s10 =	sld [smem:$0x3FA7]  }
0x3d: {  	_ =	shalt  }
0x3e: {  	_ =	shalt  }
0x3f: {  	_ =	shalt  }
0x40: {  	_ =	shalt  }
0x41: {  	_ =	shalt  }
0x42: {  	_ =	shalt  }
0x43: {  	_ =	shalt  }
0x44: {  	_ =	shalt  }
0x45: {  	_ =	shalt  }
0x46: {  	_ =	shalt  }
0x47: {  	_ =	shalt  }
0x48: {  	_ =	shalt  }
0x49: {  	_ =	shalt  }
0x4a: {  	_ =	shalt  }
0x4b: {  	_ =	shalt  }
0x4c: {  	_ =	shalt  }
0x4d: {  	_ =	shalt  }
0x4e: {  	_ =	shalt  }
0x4f: {  	_ =	shalt  }
0x50: {  	_ =	shalt  }
0x51: {  	_ =	shalt  }
0x52: {  	_ =	shalt  }
0x53: {  	_ =	shalt  }
0x54: {  	_ =	shalt  }
0x55: {  	_ =	shalt  }
0x56: {  	_ =	shalt  }
0x57: {  	_ =	shalt  }
0x58: {  	_ =	shalt  }
0x59: {  	_ =	shalt  }
0x5a: {  	_ =	shalt  }
0x5b: {  	_ =	shalt  }
0x5c: {  	_ =	shalt  }
0x5d: {  	_ =	shalt  }
0x5e: {  	_ =	shalt  }
0x5f: {  	_ =	shalt  }
0x60: {  	_ =	shalt  }
0x61: {  	_ =	shalt  }
0x62: {  	_ =	shalt  }
0x63: {  	_ =	shalt  }
0x64: {  	_ =	shalt  }
0x65: {  	_ =	shalt  }
0x66: {  	_ =	shalt  }
0x67: {  	_ =	shalt  }
0x68: {  	_ =	shalt  }
0x69: {  	_ =	shalt  }
0x6a: {  	_ =	shalt  }
0x6b: {  	_ =	shalt  }
0x6c: {  	_ =	shalt  }
0x6d: {  	_ =	shalt  }
0x6e: {  	_ =	shalt  }
0x6f: {  	_ =	shalt  }
0x70: {  	_ =	shalt  }
0x71: {  	_ =	shalt  }
0x72: {  	_ =	shalt  }
0x73: {  	_ =	shalt  }
0x74: {  	_ =	shalt  }
0x75: {  	_ =	shalt  }
0x76: {  	_ =	shalt  }
0x77: {  	_ =	shalt  }
0x78: {  	_ =	shalt  }
0x79: {  	_ =	shalt  }
0x7a: {  	_ =	shalt  }
0x7b: {  	_ =	shalt  }
0x7c: {  	_ =	shalt  }
0x7d: {  	_ =	shalt  }
0x7e: {  	_ =	shalt  }
0x7f: {  	_ =	shalt  }
0x80: {  	_ =	shalt  }
0x81: {  	_ =	shalt  }
0x82: {  	_ =	shalt  }
0x83: {  	_ =	shalt  }
0x84: {  	_ =	shalt  }
0x85: {  	_ =	shalt  }
0x86: {  	_ =	shalt  }
0x87: {  	_ =	shalt  }
.Lfunc_end0:
.L_simem_size_0:
called_computation_lowered:
.L_overlay_start_0:
0x88: {  	s2 =	sld [smem:$0x3FD9]  }
0x89: {  	s3 =	sld [smem:$0x3FFE];
	_ =	sdelay $0x1  }
0x8a: {  	s1 =	srdreg.scid  }
0x8b: {  	s0 =	sand.u32 $0x1, s1  }
0x8c: {  	s16 =	sshll.u32 s0, $0xA;
	s2 =	sadd.s32 s3, s2  }
0x8d: {  	s2 =	sadd.s32 s2, s16  }
0x8e: {  	[smem:$0x3FB3] =	sst s2  }
0x8f: {  	_ = 	snop  }
0x90: {  	(tm) =	ssettm $0x1  }
0x91: {  	s17 =	sld [smem:$0x3FFB];
	_ =	sdelay $0x3  }
0x92: {  	_ =	strace s17  }
0x93: {  	s2 =	sld [smem:$0x3FFC];
	_ =	sdelay $0x3  }
0x94: {  	_ =	strace s2  }
0x95: {  	s2 =	sld [smem:$0x3FFD];
	_ =	sdelay $0x3  }
0x96: {  	_ =	strace s2  }
0x97: {  	_ =	strace $0x8FFFFFFF  }
0x98: {  	s18 =	sld [smem:$0x3FDB];
	_ =	sdelay $0x1  }
0x99: {  	s19 =	simm.s32 $_scs_section_size  }
0x9a: {  	s4 =	simm.s32 $_size__tile_overlayer_lowered;
	s5 =	simm.s32 $_tile_overlayer_lowered  }
0x9b: {  	s22 =	simm.s32 $0x1BFF;
	s21 =	sshll.u32 s5, $0x1;
	s2 =	sadd.s32 s19, s18  }
0x9c: {  	s6 =	simm.s32 $0x0;
	s20 =	sshll.u32 s4, $0x1;
	s4 =	sadd.s32 s21, s2  }
0x9d: {  	[timem:s6], [sflag:s22] =	dma.local [hbm:s4], s20  }
0x9e: {  	_ =	swait.ge [sflag:s22], s20  }
0x9f: {  	s3 =	ssub.s32 $0x0, s20;
	[sflag:s22] =	ssyncset.done $0x0  }
0xa0: {  	[sflag:s22] =	ssyncadd.s32 s3;
	_ =	sdelay $0x1  }
0xa1: {  	s23 =	simm.s32 $0x1B8B  }
0xa2: {  	_ =	swait.ge [sflag:s23], $0x1  }
0xa3: {  	[sflag:s23] =	ssyncset.done $0x0  }
0xa4: {  	s25 =	simm.s32 $0x1B8E;
	s24 =	sld [smem:$0x3FFE];
	[sflag:s23] =	ssyncadd.s32 $0xFFFFFFFF  }
0xa5: {  	s26 =	simm.s32 $execute0_lowered;
	[smem:$0x3FD2] =	sst s25  }
0xa6: {  	s4 =	sshll.u32 s26, $0x1;
	_ =	strace $0x80000046;
	[dreg:$0x1] =	wrdreg $0xFFFFFFFF  }
0xa7: {  	s28 =	simm.s32 $_size_execute0_lowered;
	s2 =	sadd.s32 s2, s4;
	[dreg:$0x0] =	wrdreg $0x0  }
0xa8: {  	s4 =	sshll.u32 s28, $0x1;
	[dreg:$0x2] =	wrdreg s2  }
0xa9: {  	[dreg:$0x3] =	wrdreg s4  }
0xaa: {  	[dreg:$0x4] =	wrdreg $0xC0  }
0xab: {  	_ =	task [dreg:s6], $0x5FFFF  }
0xac: {  	[dreg:$0x1] =	wrdreg $0xFFFFFFFF  }
0xad: {  	[dreg:$0x0] =	wrdreg $0x60  }
0xae: {  	[dreg:$0x2] =	wrdreg s24  }
0xaf: {  	[dreg:$0x3] =	wrdreg $0x9  }
0xb0: {  	_ =	task.clear_ibuf [dreg:s6], $0x4FFFF;
	_ =	strace $0x90000046  }
0xb1: {  	s29 =	simm.s32 $0x9;
	_ =	strace $0x80000048  }
0xb2: {  	_ =	swait.ge [sflag:s29], $0x1  }
0xb3: {  	[sflag:s29] =	ssyncadd.s32 $0xFFFFFFFF  }
0xb4: {  	_ =	strace $0x90000048  }
0xb5: {  	_ =	sfence  }
0xb6: {  	s30 =	sld [smem:$0x0];
	_ =	sdelay $0x2  }
0xb7: {  	s31 =	sshll.u32 s1, $0xD;
	s1 =	sshrl.u32 s1, $0x2  }
0xb8: {  	s3 =	sand.u32 $0x4000, s31;
	s1 =	sadd.s32 s1, s30  }
0xb9: {  	s0 =	sor.u32 s3, s0;
	s1 =	sshll.u32 s1, $0x11  }
0xba: {  	s0 =	sor.u32 s1, s0  }
0xbb: {  	s0 =	sadd.s32 $0x8F2B, s0  }
0xbc: {  	[sflag:s0] =	ssyncadd.remote.s32 $0x1  }
0xbd: {  	_ =	sfence.sel $0xFFFF  }
0xbe: {  	[dreg:$0x0] =	wrdreg $0xFFFFFFFF;
	(pc) =	sbr.abs _section_cstart, $3  }
0xbf: {  	[dreg:$0x1] =	wrdreg $0xFFFFFFFF  }
0xc0: {  	_ =	task.clear_ibuf [dreg:s6], $0x2FFFF;
	_ =	strace $0x9FFFFFFF  }
0xc1: {  	(tm) =	ssettm $0x7FFFFFFF  }
tec
execute0_lowered:
.L_overlay_start_1:
0x0: {  	(tag) =	ssettag $0x1  }
0x1: {  	s1 =	srdreg.scid;
	s0 =	stileid.u32  }
0x2: {  	s24 =	sand.u32 $0x1, s1;
	s30 =	sshll.u32 s0, $0x1  }
0x3: {  	s11 =	sor.u32 s24, s30  }
0x4: {  	s10 =	rddreg [dreg:$0x0];
	s3 =	smul.u32 $0x190, s11  }
0x5: {  	s2 =	simm.s32 $0x0;
	s1 =	rddreg [dreg:$0x1]  }
0x6: {  	[smem:$0x7FF] =	sst s2;
	s3 =	sadd.s32 s3, s10  }
0x7: {  	_ =	strace $0x80000047;
	s4 =	sadd.s32 $0x1600, s3;
	s3 =	simm.s32 $0x3  }
0x8: {  	[tilespmem:s2], [sflag:$0x3] =	stream.linear.gather [hbm4b:s4+s2], $0xC80, $0x38;
	[tilespmem:$0x19C80] =	vst v63  }
0x9: {  	_ =	swait.ge [sflag:s3], $0xC80  }
0xa: {  	s6 =	simm.s32 $0x190;
	[sflag:s3] =	ssyncset.done $0x0  }
0xb: {  	s7 =	simm.s32 $0xC80;
	s5 =	sadd.s32 $0x4800, s10;
	[sflag:s3] =	ssyncadd.s32 $0xFFFFF380  }
0xc: {  	[tilespmem:s7], [sflag:$0x1] =	stream.indirect.gather [hbm4b:s5+s6], $0x80, s2, s6, $0xb8;
	[tilespmem:$0x19C80] =	vst v63  }
0xd: {  	s8 =	simm.s32 $0xD480;
	s9 =	simm.s32 $0x1  }
0xe: {  	[tilespmem:s8], [sflag:$0x2] =	stream.indirect.gather [hbm4b:s5+s6], $0x80, s6, s6, $0xb8;
	[tilespmem:$0x19C80] =	vst v63  }
0xf: {  	s12 =	smul.u32 $0xC800, s11;
	_ =	swait.ge [sflag:s9], $0xC800  }
0x10: {  	s13 =	sadd.s32 $0x2C800, s10;
	[sflag:s9] =	ssyncset.done $0x0  }
0x11: {  	s10 =	sadd.s32 s13, s12;
	[sflag:s9] =	ssyncadd.s32 $0xFFFF3800  }
0x12: {  	[hbm4b:s10+s2] =	stream.linear.scatter [tilespmem:s7], [sflag:$0x3], $0xC800, $0x38;
	[tilespmem:$0x19C80] =	vst v63  }
0x13: {  	_ =	swait.ge [sflag:s3], $0xC800  }
0x14: {  	s14 =	smul.u32 $0x64000, s11;
	[sflag:s3] =	ssyncset.done $0x0  }
0x15: {  	s11 =	simm.s32 $0x320;
	s12 =	simm.s32 $0x2;
	[sflag:s3] =	ssyncadd.s32 $0xFFFF3800  }
0x16: {  	[tilespmem:s7], [sflag:$0x1] =	stream.indirect.gather [hbm4b:s5+s6], $0x80, s11, s6, $0xb8;
	[tilespmem:$0x19C80] =	vst v63  }
0x17: {  	s14 =	sshrl.u32 s14, $0x3;
	_ =	swait.ge [sflag:s12], $0xC800  }
0x18: {  	s25 =	sadd.s32 s13, s14;
	[sflag:s12] =	ssyncset.done $0x0  }
0x19: {  	s13 =	sadd.s32 $0x1900, s25;
	[sflag:s12] =	ssyncadd.s32 $0xFFFF3800  }
0x1a: {  	[hbm4b:s13+s2] =	stream.linear.scatter [tilespmem:s8], [sflag:$0x3], $0xC800, $0x38;
	[tilespmem:$0x19C80] =	vst v63  }
0x1b: {  	_ =	swait.ge [sflag:s3], $0xC800  }
0x1c: {  	[sflag:s3] =	ssyncset.done $0x0  }
0x1d: {  	s14 =	simm.s32 $0x4B0;
	[sflag:s3] =	ssyncadd.s32 $0xFFFF3800  }
0x1e: {  	[tilespmem:s8], [sflag:$0x2] =	stream.indirect.gather [hbm4b:s5+s6], $0x80, s14, s6, $0xb8;
	[tilespmem:$0x19C80] =	vst v63  }
0x1f: {  	_ =	swait.ge [sflag:s9], $0xC800  }
0x20: {  	[sflag:s9] =	ssyncset.done $0x0  }
0x21: {  	s15 =	sadd.s32 $0x3200, s25;
	[sflag:s9] =	ssyncadd.s32 $0xFFFF3800  }
0x22: {  	[hbm4b:s15+s2] =	stream.linear.scatter [tilespmem:s7], [sflag:$0x3], $0xC800, $0x38;
	[tilespmem:$0x19C80] =	vst v63  }
0x23: {  	_ =	swait.ge [sflag:s3], $0xC800  }
0x24: {  	[sflag:s3] =	ssyncset.done $0x0  }
0x25: {  	s16 =	simm.s32 $0x640;
	[sflag:s3] =	ssyncadd.s32 $0xFFFF3800  }
0x26: {  	[tilespmem:s7], [sflag:$0x1] =	stream.indirect.gather [hbm4b:s5+s6], $0x80, s16, s6, $0xb8;
	[tilespmem:$0x19C80] =	vst v63  }
0x27: {  	_ =	swait.ge [sflag:s12], $0xC800  }
0x28: {  	[sflag:s12] =	ssyncset.done $0x0  }
0x29: {  	s17 =	sadd.s32 $0x4B00, s25;
	[sflag:s12] =	ssyncadd.s32 $0xFFFF3800  }
0x2a: {  	[hbm4b:s17+s2] =	stream.linear.scatter [tilespmem:s8], [sflag:$0x3], $0xC800, $0x38;
	[tilespmem:$0x19C80] =	vst v63  }
0x2b: {  	_ =	swait.ge [sflag:s3], $0xC800  }
0x2c: {  	[sflag:s3] =	ssyncset.done $0x0  }
0x2d: {  	s18 =	simm.s32 $0x7D0;
	[sflag:s3] =	ssyncadd.s32 $0xFFFF3800  }
0x2e: {  	[tilespmem:s8], [sflag:$0x2] =	stream.indirect.gather [hbm4b:s5+s6], $0x80, s18, s6, $0xb8;
	[tilespmem:$0x19C80] =	vst v63  }
0x2f: {  	_ =	swait.ge [sflag:s9], $0xC800  }
0x30: {  	[sflag:s9] =	ssyncset.done $0x0  }
0x31: {  	s19 =	sadd.s32 $0x6400, s25;
	[sflag:s9] =	ssyncadd.s32 $0xFFFF3800  }
0x32: {  	[hbm4b:s19+s2] =	stream.linear.scatter [tilespmem:s7], [sflag:$0x3], $0xC800, $0x38;
	[tilespmem:$0x19C80] =	vst v63  }
0x33: {  	_ =	swait.ge [sflag:s3], $0xC800  }
0x34: {  	[sflag:s3] =	ssyncset.done $0x0  }
0x35: {  	s20 =	simm.s32 $0x960;
	[sflag:s3] =	ssyncadd.s32 $0xFFFF3800  }
0x36: {  	[tilespmem:s7], [sflag:$0x1] =	stream.indirect.gather [hbm4b:s5+s6], $0x80, s20, s6, $0xb8;
	[tilespmem:$0x19C80] =	vst v63  }
0x37: {  	_ =	swait.ge [sflag:s12], $0xC800  }
0x38: {  	[sflag:s12] =	ssyncset.done $0x0  }
0x39: {  	s21 =	sadd.s32 $0x7D00, s25;
	[sflag:s12] =	ssyncadd.s32 $0xFFFF3800  }
0x3a: {  	[hbm4b:s21+s2] =	stream.linear.scatter [tilespmem:s8], [sflag:$0x3], $0xC800, $0x38;
	[tilespmem:$0x19C80] =	vst v63  }
0x3b: {  	_ =	swait.ge [sflag:s3], $0xC800  }
0x3c: {  	[sflag:s3] =	ssyncset.done $0x0  }
0x3d: {  	s22 =	simm.s32 $0xAF0;
	[sflag:s3] =	ssyncadd.s32 $0xFFFF3800  }
0x3e: {  	[tilespmem:s8], [sflag:$0x2] =	stream.indirect.gather [hbm4b:s5+s6], $0x80, s22, s6, $0xb8;
	[tilespmem:$0x19C80] =	vst v63  }
0x3f: {  	_ =	swait.ge [sflag:s9], $0xC800  }
0x40: {  	[sflag:s9] =	ssyncset.done $0x0  }
0x41: {  	s24 =	ssub.s32 $0x2, s24;
	s23 =	sadd.s32 $0x9600, s25;
	[sflag:s9] =	ssyncadd.s32 $0xFFFF3800  }
0x42: {  	[hbm4b:s23+s2] =	stream.linear.scatter [tilespmem:s7], [sflag:$0x3], $0xC800, $0x38;
	[tilespmem:$0x19C80] =	vst v63  }
0x43: {  	s26 =	sshrl.u32 s24, $0x1;
	_ =	swait.ge [sflag:s3], $0xC800  }
0x44: {  	s26 =	ssub.s32 s24, s26;
	[sflag:s3] =	ssyncset.done $0x0  }
0x45: {  	s31 =	smax.u32 s26, $0x1;
	[sflag:s3] =	ssyncadd.s32 $0xFFFF3800  }
0x46: {  	p0 =	sne.s32 s31, $0x1;
	_ =	swait.ge [sflag:s12], $0xC800  }
.Ltmp0:
0x47: {  	[sflag:s12] =	ssyncset.done $0x0;
	(pc) =	sbr.rel @!p0 .LBB2_2-.Ltmp0, $4  }
0x48: {  	s24 =	sadd.s32 $0xAF00, s25;
	[sflag:s12] =	ssyncadd.s32 $0xFFFF3800  }
0x49: {  	[hbm4b:s24+s2] =	stream.linear.scatter [tilespmem:s8], [sflag:$0x3], $0xC800, $0x38;
	[tilespmem:$0x19C80] =	vst v63  }
0x4a: {  	_ =	swait.ge [sflag:s3], $0xC800  }
0x4b: {  	s25 =	sadd.s32 $0xFFFFFFFF, s31;
	[sflag:s3] =	ssyncset.done $0x0  }
.LBB2_1:
0x4c: {  	p0 =	sne.s32 s25, $0x1;
	s25 =	sadd.s32 $0xFFFFFFFF, s25;
	[sflag:s3] =	ssyncadd.s32 $0xFFFF3800  }
0x4d: {  	[tilespmem:s2], [sflag:$0x3] =	stream.linear.gather [hbm4b:s4+s2], $0xC80, $0x38;
	[tilespmem:$0x19C80] =	vst v63  }
0x4e: {  	_ =	swait.ge [sflag:s3], $0xC80  }
0x4f: {  	[sflag:s3] =	ssyncset.done $0x0  }
0x50: {  	[sflag:s3] =	ssyncadd.s32 $0xFFFFF380  }
0x51: {  	[tilespmem:s7], [sflag:$0x1] =	stream.indirect.gather [hbm4b:s5+s6], $0x80, s2, s6, $0xb8;
	[tilespmem:$0x19C80] =	vst v63  }
0x52: {  	_ = 	snop  }
0x53: {  	[tilespmem:s8], [sflag:$0x2] =	stream.indirect.gather [hbm4b:s5+s6], $0x80, s6, s6, $0xb8;
	[tilespmem:$0x19C80] =	vst v63  }
0x54: {  	_ =	swait.ge [sflag:s9], $0xC800  }
0x55: {  	[sflag:s9] =	ssyncset.done $0x0  }
0x56: {  	[sflag:s9] =	ssyncadd.s32 $0xFFFF3800  }
0x57: {  	[hbm4b:s10+s2] =	stream.linear.scatter [tilespmem:s7], [sflag:$0x3], $0xC800, $0x38;
	[tilespmem:$0x19C80] =	vst v63  }
0x58: {  	_ =	swait.ge [sflag:s3], $0xC800  }
0x59: {  	[sflag:s3] =	ssyncset.done $0x0  }
0x5a: {  	[sflag:s3] =	ssyncadd.s32 $0xFFFF3800  }
0x5b: {  	[tilespmem:s7], [sflag:$0x1] =	stream.indirect.gather [hbm4b:s5+s6], $0x80, s11, s6, $0xb8;
	[tilespmem:$0x19C80] =	vst v63  }
0x5c: {  	_ =	swait.ge [sflag:s12], $0xC800  }
0x5d: {  	[sflag:s12] =	ssyncset.done $0x0  }
0x5e: {  	[sflag:s12] =	ssyncadd.s32 $0xFFFF3800  }
0x5f: {  	[hbm4b:s13+s2] =	stream.linear.scatter [tilespmem:s8], [sflag:$0x3], $0xC800, $0x38;
	[tilespmem:$0x19C80] =	vst v63  }
0x60: {  	_ =	swait.ge [sflag:s3], $0xC800  }
0x61: {  	[sflag:s3] =	ssyncset.done $0x0  }
0x62: {  	[sflag:s3] =	ssyncadd.s32 $0xFFFF3800  }
0x63: {  	[tilespmem:s8], [sflag:$0x2] =	stream.indirect.gather [hbm4b:s5+s6], $0x80, s14, s6, $0xb8;
	[tilespmem:$0x19C80] =	vst v63  }
0x64: {  	_ =	swait.ge [sflag:s9], $0xC800  }
0x65: {  	[sflag:s9] =	ssyncset.done $0x0  }
0x66: {  	[sflag:s9] =	ssyncadd.s32 $0xFFFF3800  }
0x67: {  	[hbm4b:s15+s2] =	stream.linear.scatter [tilespmem:s7], [sflag:$0x3], $0xC800, $0x38;
	[tilespmem:$0x19C80] =	vst v63  }
0x68: {  	_ =	swait.ge [sflag:s3], $0xC800  }
0x69: {  	[sflag:s3] =	ssyncset.done $0x0  }
0x6a: {  	[sflag:s3] =	ssyncadd.s32 $0xFFFF3800  }
0x6b: {  	[tilespmem:s7], [sflag:$0x1] =	stream.indirect.gather [hbm4b:s5+s6], $0x80, s16, s6, $0xb8;
	[tilespmem:$0x19C80] =	vst v63  }
0x6c: {  	_ =	swait.ge [sflag:s12], $0xC800  }
0x6d: {  	[sflag:s12] =	ssyncset.done $0x0  }
0x6e: {  	[sflag:s12] =	ssyncadd.s32 $0xFFFF3800  }
0x6f: {  	[hbm4b:s17+s2] =	stream.linear.scatter [tilespmem:s8], [sflag:$0x3], $0xC800, $0x38;
	[tilespmem:$0x19C80] =	vst v63  }
0x70: {  	_ =	swait.ge [sflag:s3], $0xC800  }
0x71: {  	[sflag:s3] =	ssyncset.done $0x0  }
0x72: {  	[sflag:s3] =	ssyncadd.s32 $0xFFFF3800  }
0x73: {  	[tilespmem:s8], [sflag:$0x2] =	stream.indirect.gather [hbm4b:s5+s6], $0x80, s18, s6, $0xb8;
	[tilespmem:$0x19C80] =	vst v63  }
0x74: {  	_ =	swait.ge [sflag:s9], $0xC800  }
0x75: {  	[sflag:s9] =	ssyncset.done $0x0  }
0x76: {  	[sflag:s9] =	ssyncadd.s32 $0xFFFF3800  }
0x77: {  	[hbm4b:s19+s2] =	stream.linear.scatter [tilespmem:s7], [sflag:$0x3], $0xC800, $0x38;
	[tilespmem:$0x19C80] =	vst v63  }
0x78: {  	_ =	swait.ge [sflag:s3], $0xC800  }
0x79: {  	[sflag:s3] =	ssyncset.done $0x0  }
0x7a: {  	[sflag:s3] =	ssyncadd.s32 $0xFFFF3800  }
0x7b: {  	[tilespmem:s7], [sflag:$0x1] =	stream.indirect.gather [hbm4b:s5+s6], $0x80, s20, s6, $0xb8;
	[tilespmem:$0x19C80] =	vst v63  }
0x7c: {  	_ =	swait.ge [sflag:s12], $0xC800  }
0x7d: {  	[sflag:s12] =	ssyncset.done $0x0  }
0x7e: {  	[sflag:s12] =	ssyncadd.s32 $0xFFFF3800  }
0x7f: {  	[hbm4b:s21+s2] =	stream.linear.scatter [tilespmem:s8], [sflag:$0x3], $0xC800, $0x38;
	[tilespmem:$0x19C80] =	vst v63  }
0x80: {  	_ =	swait.ge [sflag:s3], $0xC800  }
0x81: {  	[sflag:s3] =	ssyncset.done $0x0  }
0x82: {  	[sflag:s3] =	ssyncadd.s32 $0xFFFF3800  }
0x83: {  	[tilespmem:s8], [sflag:$0x2] =	stream.indirect.gather [hbm4b:s5+s6], $0x80, s22, s6, $0xb8;
	[tilespmem:$0x19C80] =	vst v63  }
0x84: {  	_ =	swait.ge [sflag:s9], $0xC800  }
0x85: {  	[sflag:s9] =	ssyncset.done $0x0  }
0x86: {  	[sflag:s9] =	ssyncadd.s32 $0xFFFF3800  }
0x87: {  	[hbm4b:s23+s2] =	stream.linear.scatter [tilespmem:s7], [sflag:$0x3], $0xC800, $0x38;
	[tilespmem:$0x19C80] =	vst v63  }
0x88: {  	_ =	swait.ge [sflag:s3], $0xC800  }
0x89: {  	[sflag:s3] =	ssyncset.done $0x0  }
0x8a: {  	[sflag:s3] =	ssyncadd.s32 $0xFFFF3800  }
0x8b: {  	_ =	swait.ge [sflag:s12], $0xC800  }
.Ltmp1:
0x8c: {  	[sflag:s12] =	ssyncset.done $0x0;
	(pc) =	sbr.rel @p0 .LBB2_1-.Ltmp1, $4  }
0x8d: {  	[sflag:s12] =	ssyncadd.s32 $0xFFFF3800  }
0x8e: {  	[hbm4b:s24+s2] =	stream.linear.scatter [tilespmem:s8], [sflag:$0x3], $0xC800, $0x38;
	[tilespmem:$0x19C80] =	vst v63  }
0x8f: {  	_ =	swait.ge [sflag:s3], $0xC800  }
0x90: {  	[sflag:s3] =	ssyncset.done $0x0  }
.LBB2_2:
0x91: {  	[sflag:s3] =	ssyncadd.s32 $0xFFFF3800  }
0x92: {  	_ =	sfence.sel $0x180000  }
0x93: {  	[bflag:$0x0] =	sbarrier.arrive $0xFFFF  }
0x94: {  	p0 =	sne.s32 s0, $0x0;
	_ =	strace $0x90000047  }
0x95: {  	s0 =	sadd.s32 @!p0 $0x100000, s1;
	[bflag:$0x2] =	sbarrier.arrive $0xFFFF  }
0x96: {  	[sflag:s0] =	ssyncadd.tile.s32 @!p0 $0x1;
	_ =	shalt  }
.Lfunc_end2:
_tile_overlayer_lowered:
.L_overlay_start_2:
0x97: {  	(tag) =	ssettag $0x2  }
0x98: {  	s0 =	rddreg [dreg:$0x0];
	s2 =	stileid.u32  }
0x99: {  	s1 =	rddreg [dreg:$0x1];
	p0 =	sne.s32 s2, $0x0  }
0x9a: {  	s3 =	rddreg [dreg:$0x2];
	[bflag:$0x3] =	sbarrier.arrive $0xFFFF;
	s2 =	simm.s32 @!p0 $0x1C03  }
0x9b: {  	[timem:s3], [sflag:s2] =	dma.local @!p0 [hbm:s0], s1  }
0x9c: {  	s0 =	simm.s32 @!p0 $0x3  }
0x9d: {  	_ =	swait.ge @!p0 [sflag:s0], s1  }
0x9e: {  	s1 =	ssub.s32 @!p0 $0x0, s1;
	[sflag:s0] =	ssyncset.done @!p0 $0x0  }
0x9f: {  	[sflag:s0] =	ssyncadd.s32 @!p0 s1  }
0xa0: {  	[bflag:$0x3] =	sbarrier.arrive $0xFFFF  }
0xa1: {  	_ =	shalt  }

// kernel: kernel.19.cloned.1.call-start
scs
__scs_entry_jumppad:
0x0: {  	(pc) =	sbr.rel $0x88, $3  }
0x1: {  	(tag) =	ssettag $0x0;
	lr =	simm.s32 $0x1  }
0x2: {  	[smem:$0x3F8C] =	sst lr;
	_ =	strace $0xD0000000  }
0x3: {  	_ = 	snop  }
0x4: {  	_ = 	snop  }
0x5: {  	_ = 	snop  }
0x6: {  	_ = 	snop  }
0x7: {  	_ = 	snop  }
__scs_overlays_trampoline_lowered:
0x8: {  	[smem:$0x3F9B] =	sst s0  }
0x9: {  	[smem:$0x3F9C] =	sst s1  }
0xa: {  	[smem:$0x3F9D] =	sst s2  }
0xb: {  	[smem:$0x3F9E] =	sst s3  }
0xc: {  	[smem:$0x3F9F] =	sst s4  }
0xd: {  	[smem:$0x3FA0] =	sst s5  }
0xe: {  	[smem:$0x3FA1] =	sst s6  }
0xf: {  	[smem:$0x3FA2] =	sst s7  }
0x10: {  	[smem:$0x3FA3] =	sst s8  }
0x11: {  	[smem:$0x3FA4] =	sst s9;
	s0 =	simm.s32 @!p0 $0x0  }
0x12: {  	s1 =	sld [smem:$0x3F8A];
	s0 =	simm.s32 @p0 $0x1  }
0x13: {  	[smem:$0x3FA5] =	sst s0;
	s0 =	simm.s32 @!p1 $0x0  }
0x14: {  	s2 =	sld [smem:$0x3F89];
	s0 =	simm.s32 @p1 $0x1  }
0x15: {  	[smem:$0x3FA6] =	sst s0;
	s0 =	simm.s32 @!p2 $0x0  }
0x16: {  	s3 =	sld [smem:$0x3FDB];
	s0 =	simm.s32 @p2 $0x1  }
0x17: {  	s4 =	simm.s32 $0x1BF5;
	[smem:$0x3FA8] =	sst s0  }
0x18: {  	s0 =	sld [smem:$0x3F8B];
	_ =	swait.ge [sflag:s4], $0x0  }
0x19: {  	s7 =	sld [smem:$0x3F8C]  }
0x1a: {  	s8 =	sadd.s32 $0xFFFFE003, lr  }
0x1b: {  	s9 =	sadd.s32 $0xFFFFFEF7, lr;
	s5 =	simm.s32 $0xFFFFFFFF;
	p2 =	slt.u32 s8, $0xFFFFF086  }
0x1c: {  	p1 =	slt.u32 s9, $0xF7A;
	s5 =	simm.s32 @!p2 $0x0  }
0x1d: {  	s5 =	simm.s32 @p1 $0x1;
	p0 =	seq.s32 s7, s2  }
0x1e: {  	s7 =	smul.u32 @!p0 $0xF7A, s2;
	p2 =	seq.s32 @!p0 s5, $0x0  }
0x1f: {  	s9 =	smul.u32 $0xF7A, s1;
	s8 =	simm.s32 @!p0 $0x1BF5;
	p2 =	por !p2, p0  }
0x20: {  	[sflag:s8] =	ssyncset.s32 @!p0 $0xFFFFF086;
	s6 =	sadd.s32 @!p0 s3, s7;
	s7 =	simm.s32 @!p0 $0x108  }
0x21: {  	s3 =	sadd.s32 s3, s9;
	s6 =	sadd.s32 @!p0 $0x88, s6;
	s7 =	simm.s32 @p2 $0x1082  }
0x22: {  	[simem:s7], [sflag:s8] =	dma.local @!p0 [hbm:s6], $0xF7A  }
0x23: {  	s9 =	sor.u32 $0xD0000000, s2;
	s6 =	simm.s32 $0x108;
	_ =	swait.ge @!p0 [sflag:s8], $0x0  }
0x24: {  	s3 =	sadd.s32 $0x88, s3;
	s6 =	simm.s32 @!p1 $0x1082;
	[sflag:s4] =	ssyncset.s32 $0xFFFFF086  }
0x25: {  	[simem:s6], [sflag:s4] =	dma.local [hbm:s3], $0xF7A  }
0x26: {  	[smem:$0x3F8C] =	sst s1;
	(tag) =	ssettag s2;
	_ =	strace s9  }
0x27: {  	s1 =	sld [smem:$0x3F9C]  }
0x28: {  	s2 =	sld [smem:$0x3F9D]  }
0x29: {  	s4 =	sld [smem:$0x3F9F]  }
0x2a: {  	p0 =	seq.s32 s5, $0x0;
	s5 =	sld [smem:$0x3FA0]  }
0x2b: {  	s6 =	sld [smem:$0x3FA1]  }
0x2c: {  	s7 =	sld [smem:$0x3FA2]  }
0x2d: {  	s3 =	simm.s32 $0x108;
	s8 =	sld [smem:$0x3FA3]  }
0x2e: {  	s3 =	simm.s32 @!p0 $0x1082;
	s9 =	sld [smem:$0x3FA4]  }
0x2f: {  	lr =	sadd.s32 s0, s3;
	s0 =	sld [smem:$0x3F9B]  }
0x30: {  	s3 =	sld [smem:$0x3F9E]  }
0x31: {  	[smem:$0x3FA7] =	sst s10  }
0x32: {  	s10 =	sld [smem:$0x3FA5];
	_ =	sdelay $0x3  }
0x33: {  	p0 =	seq.s32 s10, $0x1;
	s10 =	sld [smem:$0x3FA7];
	_ =	sdelay $0x3  }
0x34: {  	[smem:$0x3FA7] =	sst s10  }
0x35: {  	s10 =	sld [smem:$0x3FA6];
	_ =	sdelay $0x3  }
0x36: {  	p1 =	seq.s32 s10, $0x1;
	s10 =	sld [smem:$0x3FA7];
	_ =	sdelay $0x3  }
0x37: {  	[smem:$0x3FA7] =	sst s10  }
0x38: {  	s10 =	sld [smem:$0x3FA8]  }
0x39: {  	_ = 	snop;
	(pc) =	sbr.ind lr, $3  }
0x3a: {  	_ = 	snop  }
0x3b: {  	_ = 	snop  }
0x3c: {  	p2 =	seq.s32 s10, $0x1;
	s10 =	sld [smem:$0x3FA7]  }
0x3d: {  	_ =	shalt  }
0x3e: {  	_ =	shalt  }
0x3f: {  	_ =	shalt  }
0x40: {  	_ =	shalt  }
0x41: {  	_ =	shalt  }
0x42: {  	_ =	shalt  }
0x43: {  	_ =	shalt  }
0x44: {  	_ =	shalt  }
0x45: {  	_ =	shalt  }
0x46: {  	_ =	shalt  }
0x47: {  	_ =	shalt  }
0x48: {  	_ =	shalt  }
0x49: {  	_ =	shalt  }
0x4a: {  	_ =	shalt  }
0x4b: {  	_ =	shalt  }
0x4c: {  	_ =	shalt  }
0x4d: {  	_ =	shalt  }
0x4e: {  	_ =	shalt  }
0x4f: {  	_ =	shalt  }
0x50: {  	_ =	shalt  }
0x51: {  	_ =	shalt  }
0x52: {  	_ =	shalt  }
0x53: {  	_ =	shalt  }
0x54: {  	_ =	shalt  }
0x55: {  	_ =	shalt  }
0x56: {  	_ =	shalt  }
0x57: {  	_ =	shalt  }
0x58: {  	_ =	shalt  }
0x59: {  	_ =	shalt  }
0x5a: {  	_ =	shalt  }
0x5b: {  	_ =	shalt  }
0x5c: {  	_ =	shalt  }
0x5d: {  	_ =	shalt  }
0x5e: {  	_ =	shalt  }
0x5f: {  	_ =	shalt  }
0x60: {  	_ =	shalt  }
0x61: {  	_ =	shalt  }
0x62: {  	_ =	shalt  }
0x63: {  	_ =	shalt  }
0x64: {  	_ =	shalt  }
0x65: {  	_ =	shalt  }
0x66: {  	_ =	shalt  }
0x67: {  	_ =	shalt  }
0x68: {  	_ =	shalt  }
0x69: {  	_ =	shalt  }
0x6a: {  	_ =	shalt  }
0x6b: {  	_ =	shalt  }
0x6c: {  	_ =	shalt  }
0x6d: {  	_ =	shalt  }
0x6e: {  	_ =	shalt  }
0x6f: {  	_ =	shalt  }
0x70: {  	_ =	shalt  }
0x71: {  	_ =	shalt  }
0x72: {  	_ =	shalt  }
0x73: {  	_ =	shalt  }
0x74: {  	_ =	shalt  }
0x75: {  	_ =	shalt  }
0x76: {  	_ =	shalt  }
0x77: {  	_ =	shalt  }
0x78: {  	_ =	shalt  }
0x79: {  	_ =	shalt  }
0x7a: {  	_ =	shalt  }
0x7b: {  	_ =	shalt  }
0x7c: {  	_ =	shalt  }
0x7d: {  	_ =	shalt  }
0x7e: {  	_ =	shalt  }
0x7f: {  	_ =	shalt  }
0x80: {  	_ =	shalt  }
0x81: {  	_ =	shalt  }
0x82: {  	_ =	shalt  }
0x83: {  	_ =	shalt  }
0x84: {  	_ =	shalt  }
0x85: {  	_ =	shalt  }
0x86: {  	_ =	shalt  }
0x87: {  	_ =	shalt  }
.Lfunc_end0:
.L_simem_size_0:
called_computation.1_lowered:
.L_overlay_start_0:
0x88: {  	s2 =	sld [smem:$0x3FD9]  }
0x89: {  	s3 =	sld [smem:$0x3FFE];
	_ =	sdelay $0x1  }
0x8a: {  	s1 =	srdreg.scid  }
0x8b: {  	s0 =	sand.u32 $0x1, s1  }
0x8c: {  	s16 =	sshll.u32 s0, $0xA;
	s2 =	sadd.s32 s3, s2  }
0x8d: {  	s2 =	sadd.s32 s2, s16  }
0x8e: {  	[smem:$0x3FB3] =	sst s2  }
0x8f: {  	_ = 	snop  }
0x90: {  	(tm) =	ssettm $0x1  }
0x91: {  	s17 =	sld [smem:$0x3FFB];
	_ =	sdelay $0x3  }
0x92: {  	_ =	strace s17  }
0x93: {  	s2 =	sld [smem:$0x3FFC];
	_ =	sdelay $0x3  }
0x94: {  	_ =	strace s2  }
0x95: {  	s2 =	sld [smem:$0x3FFD];
	_ =	sdelay $0x3  }
0x96: {  	_ =	strace s2  }
0x97: {  	_ =	strace $0x8FFFFFFF  }
0x98: {  	s18 =	sld [smem:$0x3FDB];
	_ =	sdelay $0x1  }
0x99: {  	s19 =	simm.s32 $_scs_section_size  }
0x9a: {  	s4 =	simm.s32 $_size__tile_overlayer_lowered;
	s5 =	simm.s32 $_tile_overlayer_lowered  }
0x9b: {  	s22 =	simm.s32 $0x1BFF;
	s21 =	sshll.u32 s5, $0x1;
	s2 =	sadd.s32 s19, s18  }
0x9c: {  	s6 =	simm.s32 $0x0;
	s20 =	sshll.u32 s4, $0x1;
	s4 =	sadd.s32 s21, s2  }
0x9d: {  	[timem:s6], [sflag:s22] =	dma.local [hbm:s4], s20  }
0x9e: {  	_ =	swait.ge [sflag:s22], s20  }
0x9f: {  	s3 =	ssub.s32 $0x0, s20;
	[sflag:s22] =	ssyncset.done $0x0  }
0xa0: {  	[sflag:s22] =	ssyncadd.s32 s3;
	_ =	sdelay $0x1  }
0xa1: {  	s23 =	simm.s32 $0x1B8B  }
0xa2: {  	_ =	swait.ge [sflag:s23], $0x1  }
0xa3: {  	[sflag:s23] =	ssyncset.done $0x0  }
0xa4: {  	s25 =	simm.s32 $0x1B8E;
	s24 =	sld [smem:$0x3FFE];
	[sflag:s23] =	ssyncadd.s32 $0xFFFFFFFF  }
0xa5: {  	s26 =	simm.s32 $execute0_lowered;
	[smem:$0x3FD2] =	sst s25  }
0xa6: {  	s4 =	sshll.u32 s26, $0x1;
	_ =	strace $0x80000049;
	[dreg:$0x1] =	wrdreg $0xFFFFFFFF  }
0xa7: {  	s28 =	simm.s32 $_size_execute0_lowered;
	s2 =	sadd.s32 s2, s4;
	[dreg:$0x0] =	wrdreg $0x0  }
0xa8: {  	s4 =	sshll.u32 s28, $0x1;
	[dreg:$0x2] =	wrdreg s2  }
0xa9: {  	[dreg:$0x3] =	wrdreg s4  }
0xaa: {  	[dreg:$0x4] =	wrdreg $0xC0  }
0xab: {  	_ =	task [dreg:s6], $0x5FFFF  }
0xac: {  	[dreg:$0x1] =	wrdreg $0xFFFFFFFF  }
0xad: {  	[dreg:$0x0] =	wrdreg $0x60  }
0xae: {  	[dreg:$0x2] =	wrdreg s24  }
0xaf: {  	[dreg:$0x3] =	wrdreg $0x9  }
0xb0: {  	_ =	task.clear_ibuf [dreg:s6], $0x4FFFF;
	_ =	strace $0x90000049  }
0xb1: {  	s29 =	simm.s32 $0x9;
	_ =	strace $0x8000004B  }
0xb2: {  	_ =	swait.ge [sflag:s29], $0x1  }
0xb3: {  	[sflag:s29] =	ssyncadd.s32 $0xFFFFFFFF  }
0xb4: {  	_ =	strace $0x9000004B  }
0xb5: {  	_ =	sfence  }
0xb6: {  	s30 =	sld [smem:$0x0];
	_ =	sdelay $0x2  }
0xb7: {  	s31 =	sshll.u32 s1, $0xD;
	s1 =	sshrl.u32 s1, $0x2  }
0xb8: {  	s3 =	sand.u32 $0x4000, s31;
	s1 =	sadd.s32 s1, s30  }
0xb9: {  	s0 =	sor.u32 s3, s0;
	s1 =	sshll.u32 s1, $0x11  }
0xba: {  	s0 =	sor.u32 s1, s0  }
0xbb: {  	s0 =	sadd.s32 $0x8F2B, s0  }
0xbc: {  	[sflag:s0] =	ssyncadd.remote.s32 $0x1  }
0xbd: {  	_ =	sfence.sel $0xFFFF  }
0xbe: {  	[dreg:$0x0] =	wrdreg $0xFFFFFFFF;
	(pc) =	sbr.abs _section_cstart, $3  }
0xbf: {  	[dreg:$0x1] =	wrdreg $0xFFFFFFFF  }
0xc0: {  	_ =	task.clear_ibuf [dreg:s6], $0x2FFFF;
	_ =	strace $0x9FFFFFFF  }
0xc1: {  	(tm) =	ssettm $0x7FFFFFFF  }
tec
execute0_lowered:
.L_overlay_start_1:
0x0: {  	(tag) =	ssettag $0x1  }
0x1: {  	s1 =	srdreg.scid;
	s0 =	stileid.u32  }
0x2: {  	s24 =	sand.u32 $0x1, s1;
	s30 =	sshll.u32 s0, $0x1  }
0x3: {  	s11 =	sor.u32 s24, s30  }
0x4: {  	s10 =	rddreg [dreg:$0x0];
	s3 =	smul.u32 $0x190, s11  }
0x5: {  	s2 =	simm.s32 $0x0;
	s1 =	rddreg [dreg:$0x1]  }
0x6: {  	[smem:$0x7FF] =	sst s2;
	s3 =	sadd.s32 s3, s10  }
0x7: {  	_ =	strace $0x8000004A;
	s4 =	sadd.s32 $0x29600, s3;
	s3 =	simm.s32 $0x3  }
0x8: {  	[tilespmem:s2], [sflag:$0x3] =	stream.linear.gather [hbm4b:s4+s2], $0xC80, $0x38;
	[tilespmem:$0x19C80] =	vst v63  }
0x9: {  	_ =	swait.ge [sflag:s3], $0xC80  }
0xa: {  	s6 =	simm.s32 $0x190;
	[sflag:s3] =	ssyncset.done $0x0  }
0xb: {  	s7 =	simm.s32 $0xC80;
	s5 =	sadd.s32 $0x1600, s10;
	[sflag:s3] =	ssyncadd.s32 $0xFFFFF380  }
0xc: {  	[tilespmem:s7], [sflag:$0x1] =	stream.indirect.gather [hbm4b:s5+s6], $0x80, s2, s6, $0xb8;
	[tilespmem:$0x19C80] =	vst v63  }
0xd: {  	s8 =	simm.s32 $0xD480;
	s9 =	simm.s32 $0x1  }
0xe: {  	[tilespmem:s8], [sflag:$0x2] =	stream.indirect.gather [hbm4b:s5+s6], $0x80, s6, s6, $0xb8;
	[tilespmem:$0x19C80] =	vst v63  }
0xf: {  	s12 =	smul.u32 $0xC800, s11;
	_ =	swait.ge [sflag:s9], $0xC800  }
0x10: {  	s13 =	sadd.s32 $0x2C800, s10;
	[sflag:s9] =	ssyncset.done $0x0  }
0x11: {  	s10 =	sadd.s32 s13, s12;
	[sflag:s9] =	ssyncadd.s32 $0xFFFF3800  }
0x12: {  	[hbm4b:s10+s2] =	stream.linear.scatter [tilespmem:s7], [sflag:$0x3], $0xC800, $0x38;
	[tilespmem:$0x19C80] =	vst v63  }
0x13: {  	_ =	swait.ge [sflag:s3], $0xC800  }
0x14: {  	s14 =	smul.u32 $0x64000, s11;
	[sflag:s3] =	ssyncset.done $0x0  }
0x15: {  	s11 =	simm.s32 $0x320;
	s12 =	simm.s32 $0x2;
	[sflag:s3] =	ssyncadd.s32 $0xFFFF3800  }
0x16: {  	[tilespmem:s7], [sflag:$0x1] =	stream.indirect.gather [hbm4b:s5+s6], $0x80, s11, s6, $0xb8;
	[tilespmem:$0x19C80] =	vst v63  }
0x17: {  	s14 =	sshrl.u32 s14, $0x3;
	_ =	swait.ge [sflag:s12], $0xC800  }
0x18: {  	s25 =	sadd.s32 s13, s14;
	[sflag:s12] =	ssyncset.done $0x0  }
0x19: {  	s13 =	sadd.s32 $0x1900, s25;
	[sflag:s12] =	ssyncadd.s32 $0xFFFF3800  }
0x1a: {  	[hbm4b:s13+s2] =	stream.linear.scatter [tilespmem:s8], [sflag:$0x3], $0xC800, $0x38;
	[tilespmem:$0x19C80] =	vst v63  }
0x1b: {  	_ =	swait.ge [sflag:s3], $0xC800  }
0x1c: {  	[sflag:s3] =	ssyncset.done $0x0  }
0x1d: {  	s14 =	simm.s32 $0x4B0;
	[sflag:s3] =	ssyncadd.s32 $0xFFFF3800  }
0x1e: {  	[tilespmem:s8], [sflag:$0x2] =	stream.indirect.gather [hbm4b:s5+s6], $0x80, s14, s6, $0xb8;
	[tilespmem:$0x19C80] =	vst v63  }
0x1f: {  	_ =	swait.ge [sflag:s9], $0xC800  }
0x20: {  	[sflag:s9] =	ssyncset.done $0x0  }
0x21: {  	s15 =	sadd.s32 $0x3200, s25;
	[sflag:s9] =	ssyncadd.s32 $0xFFFF3800  }
0x22: {  	[hbm4b:s15+s2] =	stream.linear.scatter [tilespmem:s7], [sflag:$0x3], $0xC800, $0x38;
	[tilespmem:$0x19C80] =	vst v63  }
0x23: {  	_ =	swait.ge [sflag:s3], $0xC800  }
0x24: {  	[sflag:s3] =	ssyncset.done $0x0  }
0x25: {  	s16 =	simm.s32 $0x640;
	[sflag:s3] =	ssyncadd.s32 $0xFFFF3800  }
0x26: {  	[tilespmem:s7], [sflag:$0x1] =	stream.indirect.gather [hbm4b:s5+s6], $0x80, s16, s6, $0xb8;
	[tilespmem:$0x19C80] =	vst v63  }
0x27: {  	_ =	swait.ge [sflag:s12], $0xC800  }
0x28: {  	[sflag:s12] =	ssyncset.done $0x0  }
0x29: {  	s17 =	sadd.s32 $0x4B00, s25;
	[sflag:s12] =	ssyncadd.s32 $0xFFFF3800  }
0x2a: {  	[hbm4b:s17+s2] =	stream.linear.scatter [tilespmem:s8], [sflag:$0x3], $0xC800, $0x38;
	[tilespmem:$0x19C80] =	vst v63  }
0x2b: {  	_ =	swait.ge [sflag:s3], $0xC800  }
0x2c: {  	[sflag:s3] =	ssyncset.done $0x0  }
0x2d: {  	s18 =	simm.s32 $0x7D0;
	[sflag:s3] =	ssyncadd.s32 $0xFFFF3800  }
0x2e: {  	[tilespmem:s8], [sflag:$0x2] =	stream.indirect.gather [hbm4b:s5+s6], $0x80, s18, s6, $0xb8;
	[tilespmem:$0x19C80] =	vst v63  }
0x2f: {  	_ =	swait.ge [sflag:s9], $0xC800  }
0x30: {  	[sflag:s9] =	ssyncset.done $0x0  }
0x31: {  	s19 =	sadd.s32 $0x6400, s25;
	[sflag:s9] =	ssyncadd.s32 $0xFFFF3800  }
0x32: {  	[hbm4b:s19+s2] =	stream.linear.scatter [tilespmem:s7], [sflag:$0x3], $0xC800, $0x38;
	[tilespmem:$0x19C80] =	vst v63  }
0x33: {  	_ =	swait.ge [sflag:s3], $0xC800  }
0x34: {  	[sflag:s3] =	ssyncset.done $0x0  }
0x35: {  	s20 =	simm.s32 $0x960;
	[sflag:s3] =	ssyncadd.s32 $0xFFFF3800  }
0x36: {  	[tilespmem:s7], [sflag:$0x1] =	stream.indirect.gather [hbm4b:s5+s6], $0x80, s20, s6, $0xb8;
	[tilespmem:$0x19C80] =	vst v63  }
0x37: {  	_ =	swait.ge [sflag:s12], $0xC800  }
0x38: {  	[sflag:s12] =	ssyncset.done $0x0  }
0x39: {  	s21 =	sadd.s32 $0x7D00, s25;
	[sflag:s12] =	ssyncadd.s32 $0xFFFF3800  }
0x3a: {  	[hbm4b:s21+s2] =	stream.linear.scatter [tilespmem:s8], [sflag:$0x3], $0xC800, $0x38;
	[tilespmem:$0x19C80] =	vst v63  }
0x3b: {  	_ =	swait.ge [sflag:s3], $0xC800  }
0x3c: {  	[sflag:s3] =	ssyncset.done $0x0  }
0x3d: {  	s22 =	simm.s32 $0xAF0;
	[sflag:s3] =	ssyncadd.s32 $0xFFFF3800  }
0x3e: {  	[tilespmem:s8], [sflag:$0x2] =	stream.indirect.gather [hbm4b:s5+s6], $0x80, s22, s6, $0xb8;
	[tilespmem:$0x19C80] =	vst v63  }
0x3f: {  	_ =	swait.ge [sflag:s9], $0xC800  }
0x40: {  	[sflag:s9] =	ssyncset.done $0x0  }
0x41: {  	s24 =	ssub.s32 $0x2, s24;
	s23 =	sadd.s32 $0x9600, s25;
	[sflag:s9] =	ssyncadd.s32 $0xFFFF3800  }
0x42: {  	[hbm4b:s23+s2] =	stream.linear.scatter [tilespmem:s7], [sflag:$0x3], $0xC800, $0x38;
	[tilespmem:$0x19C80] =	vst v63  }
0x43: {  	s26 =	sshrl.u32 s24, $0x1;
	_ =	swait.ge [sflag:s3], $0xC800  }
0x44: {  	s26 =	ssub.s32 s24, s26;
	[sflag:s3] =	ssyncset.done $0x0  }
0x45: {  	s31 =	smax.u32 s26, $0x1;
	[sflag:s3] =	ssyncadd.s32 $0xFFFF3800  }
0x46: {  	p0 =	sne.s32 s31, $0x1;
	_ =	swait.ge [sflag:s12], $0xC800  }
.Ltmp0:
0x47: {  	[sflag:s12] =	ssyncset.done $0x0;
	(pc) =	sbr.rel @!p0 .LBB2_2-.Ltmp0, $4  }
0x48: {  	s24 =	sadd.s32 $0xAF00, s25;
	[sflag:s12] =	ssyncadd.s32 $0xFFFF3800  }
0x49: {  	[hbm4b:s24+s2] =	stream.linear.scatter [tilespmem:s8], [sflag:$0x3], $0xC800, $0x38;
	[tilespmem:$0x19C80] =	vst v63  }
0x4a: {  	_ =	swait.ge [sflag:s3], $0xC800  }
0x4b: {  	s25 =	sadd.s32 $0xFFFFFFFF, s31;
	[sflag:s3] =	ssyncset.done $0x0  }
.LBB2_1:
0x4c: {  	p0 =	sne.s32 s25, $0x1;
	s25 =	sadd.s32 $0xFFFFFFFF, s25;
	[sflag:s3] =	ssyncadd.s32 $0xFFFF3800  }
0x4d: {  	[tilespmem:s2], [sflag:$0x3] =	stream.linear.gather [hbm4b:s4+s2], $0xC80, $0x38;
	[tilespmem:$0x19C80] =	vst v63  }
0x4e: {  	_ =	swait.ge [sflag:s3], $0xC80  }
0x4f: {  	[sflag:s3] =	ssyncset.done $0x0  }
0x50: {  	[sflag:s3] =	ssyncadd.s32 $0xFFFFF380  }
0x51: {  	[tilespmem:s7], [sflag:$0x1] =	stream.indirect.gather [hbm4b:s5+s6], $0x80, s2, s6, $0xb8;
	[tilespmem:$0x19C80] =	vst v63  }
0x52: {  	_ = 	snop  }
0x53: {  	[tilespmem:s8], [sflag:$0x2] =	stream.indirect.gather [hbm4b:s5+s6], $0x80, s6, s6, $0xb8;
	[tilespmem:$0x19C80] =	vst v63  }
0x54: {  	_ =	swait.ge [sflag:s9], $0xC800  }
0x55: {  	[sflag:s9] =	ssyncset.done $0x0  }
0x56: {  	[sflag:s9] =	ssyncadd.s32 $0xFFFF3800  }
0x57: {  	[hbm4b:s10+s2] =	stream.linear.scatter [tilespmem:s7], [sflag:$0x3], $0xC800, $0x38;
	[tilespmem:$0x19C80] =	vst v63  }
0x58: {  	_ =	swait.ge [sflag:s3], $0xC800  }
0x59: {  	[sflag:s3] =	ssyncset.done $0x0  }
0x5a: {  	[sflag:s3] =	ssyncadd.s32 $0xFFFF3800  }
0x5b: {  	[tilespmem:s7], [sflag:$0x1] =	stream.indirect.gather [hbm4b:s5+s6], $0x80, s11, s6, $0xb8;
	[tilespmem:$0x19C80] =	vst v63  }
0x5c: {  	_ =	swait.ge [sflag:s12], $0xC800  }
0x5d: {  	[sflag:s12] =	ssyncset.done $0x0  }
0x5e: {  	[sflag:s12] =	ssyncadd.s32 $0xFFFF3800  }
0x5f: {  	[hbm4b:s13+s2] =	stream.linear.scatter [tilespmem:s8], [sflag:$0x3], $0xC800, $0x38;
	[tilespmem:$0x19C80] =	vst v63  }
0x60: {  	_ =	swait.ge [sflag:s3], $0xC800  }
0x61: {  	[sflag:s3] =	ssyncset.done $0x0  }
0x62: {  	[sflag:s3] =	ssyncadd.s32 $0xFFFF3800  }
0x63: {  	[tilespmem:s8], [sflag:$0x2] =	stream.indirect.gather [hbm4b:s5+s6], $0x80, s14, s6, $0xb8;
	[tilespmem:$0x19C80] =	vst v63  }
0x64: {  	_ =	swait.ge [sflag:s9], $0xC800  }
0x65: {  	[sflag:s9] =	ssyncset.done $0x0  }
0x66: {  	[sflag:s9] =	ssyncadd.s32 $0xFFFF3800  }
0x67: {  	[hbm4b:s15+s2] =	stream.linear.scatter [tilespmem:s7], [sflag:$0x3], $0xC800, $0x38;
	[tilespmem:$0x19C80] =	vst v63  }
0x68: {  	_ =	swait.ge [sflag:s3], $0xC800  }
0x69: {  	[sflag:s3] =	ssyncset.done $0x0  }
0x6a: {  	[sflag:s3] =	ssyncadd.s32 $0xFFFF3800  }
0x6b: {  	[tilespmem:s7], [sflag:$0x1] =	stream.indirect.gather [hbm4b:s5+s6], $0x80, s16, s6, $0xb8;
	[tilespmem:$0x19C80] =	vst v63  }
0x6c: {  	_ =	swait.ge [sflag:s12], $0xC800  }
0x6d: {  	[sflag:s12] =	ssyncset.done $0x0  }
0x6e: {  	[sflag:s12] =	ssyncadd.s32 $0xFFFF3800  }
0x6f: {  	[hbm4b:s17+s2] =	stream.linear.scatter [tilespmem:s8], [sflag:$0x3], $0xC800, $0x38;
	[tilespmem:$0x19C80] =	vst v63  }
0x70: {  	_ =	swait.ge [sflag:s3], $0xC800  }
0x71: {  	[sflag:s3] =	ssyncset.done $0x0  }
0x72: {  	[sflag:s3] =	ssyncadd.s32 $0xFFFF3800  }
0x73: {  	[tilespmem:s8], [sflag:$0x2] =	stream.indirect.gather [hbm4b:s5+s6], $0x80, s18, s6, $0xb8;
	[tilespmem:$0x19C80] =	vst v63  }
0x74: {  	_ =	swait.ge [sflag:s9], $0xC800  }
0x75: {  	[sflag:s9] =	ssyncset.done $0x0  }
0x76: {  	[sflag:s9] =	ssyncadd.s32 $0xFFFF3800  }
0x77: {  	[hbm4b:s19+s2] =	stream.linear.scatter [tilespmem:s7], [sflag:$0x3], $0xC800, $0x38;
	[tilespmem:$0x19C80] =	vst v63  }
0x78: {  	_ =	swait.ge [sflag:s3], $0xC800  }
0x79: {  	[sflag:s3] =	ssyncset.done $0x0  }
0x7a: {  	[sflag:s3] =	ssyncadd.s32 $0xFFFF3800  }
0x7b: {  	[tilespmem:s7], [sflag:$0x1] =	stream.indirect.gather [hbm4b:s5+s6], $0x80, s20, s6, $0xb8;
	[tilespmem:$0x19C80] =	vst v63  }
0x7c: {  	_ =	swait.ge [sflag:s12], $0xC800  }
0x7d: {  	[sflag:s12] =	ssyncset.done $0x0  }
0x7e: {  	[sflag:s12] =	ssyncadd.s32 $0xFFFF3800  }
0x7f: {  	[hbm4b:s21+s2] =	stream.linear.scatter [tilespmem:s8], [sflag:$0x3], $0xC800, $0x38;
	[tilespmem:$0x19C80] =	vst v63  }
0x80: {  	_ =	swait.ge [sflag:s3], $0xC800  }
0x81: {  	[sflag:s3] =	ssyncset.done $0x0  }
0x82: {  	[sflag:s3] =	ssyncadd.s32 $0xFFFF3800  }
0x83: {  	[tilespmem:s8], [sflag:$0x2] =	stream.indirect.gather [hbm4b:s5+s6], $0x80, s22, s6, $0xb8;
	[tilespmem:$0x19C80] =	vst v63  }
0x84: {  	_ =	swait.ge [sflag:s9], $0xC800  }
0x85: {  	[sflag:s9] =	ssyncset.done $0x0  }
0x86: {  	[sflag:s9] =	ssyncadd.s32 $0xFFFF3800  }
0x87: {  	[hbm4b:s23+s2] =	stream.linear.scatter [tilespmem:s7], [sflag:$0x3], $0xC800, $0x38;
	[tilespmem:$0x19C80] =	vst v63  }
0x88: {  	_ =	swait.ge [sflag:s3], $0xC800  }
0x89: {  	[sflag:s3] =	ssyncset.done $0x0  }
0x8a: {  	[sflag:s3] =	ssyncadd.s32 $0xFFFF3800  }
0x8b: {  	_ =	swait.ge [sflag:s12], $0xC800  }
.Ltmp1:
0x8c: {  	[sflag:s12] =	ssyncset.done $0x0;
	(pc) =	sbr.rel @p0 .LBB2_1-.Ltmp1, $4  }
0x8d: {  	[sflag:s12] =	ssyncadd.s32 $0xFFFF3800  }
0x8e: {  	[hbm4b:s24+s2] =	stream.linear.scatter [tilespmem:s8], [sflag:$0x3], $0xC800, $0x38;
	[tilespmem:$0x19C80] =	vst v63  }
0x8f: {  	_ =	swait.ge [sflag:s3], $0xC800  }
0x90: {  	[sflag:s3] =	ssyncset.done $0x0  }
.LBB2_2:
0x91: {  	[sflag:s3] =	ssyncadd.s32 $0xFFFF3800  }
0x92: {  	_ =	sfence.sel $0x180000  }
0x93: {  	[bflag:$0x0] =	sbarrier.arrive $0xFFFF  }
0x94: {  	p0 =	sne.s32 s0, $0x0;
	_ =	strace $0x9000004A  }
0x95: {  	s0 =	sadd.s32 @!p0 $0x100000, s1;
	[bflag:$0x2] =	sbarrier.arrive $0xFFFF  }
0x96: {  	[sflag:s0] =	ssyncadd.tile.s32 @!p0 $0x1;
	_ =	shalt  }
.Lfunc_end2:
_tile_overlayer_lowered:
.L_overlay_start_2:
0x97: {  	(tag) =	ssettag $0x2  }
0x98: {  	s0 =	rddreg [dreg:$0x0];
	s2 =	stileid.u32  }
0x99: {  	s1 =	rddreg [dreg:$0x1];
	p0 =	sne.s32 s2, $0x0  }
0x9a: {  	s3 =	rddreg [dreg:$0x2];
	[bflag:$0x3] =	sbarrier.arrive $0xFFFF;
	s2 =	simm.s32 @!p0 $0x1C03  }
0x9b: {  	[timem:s3], [sflag:s2] =	dma.local @!p0 [hbm:s0], s1  }
0x9c: {  	s0 =	simm.s32 @!p0 $0x3  }
0x9d: {  	_ =	swait.ge @!p0 [sflag:s0], s1  }
0x9e: {  	s1 =	ssub.s32 @!p0 $0x0, s1;
	[sflag:s0] =	ssyncset.done @!p0 $0x0  }
0x9f: {  	[sflag:s0] =	ssyncadd.s32 @!p0 s1  }
0xa0: {  	[bflag:$0x3] =	sbarrier.arrive $0xFFFF  }
0xa1: {  	_ =	shalt  }

// kernel: kernel.22.cloned.1.call-start
scs
__scs_entry_jumppad:
0x0: {  	(pc) =	sbr.rel $0x88, $3  }
0x1: {  	(tag) =	ssettag $0x0;
	lr =	simm.s32 $0x1  }
0x2: {  	[smem:$0x3F8C] =	sst lr;
	_ =	strace $0xD0000000  }
0x3: {  	_ = 	snop  }
0x4: {  	_ = 	snop  }
0x5: {  	_ = 	snop  }
0x6: {  	_ = 	snop  }
0x7: {  	_ = 	snop  }
__scs_overlays_trampoline_lowered:
0x8: {  	[smem:$0x3F9B] =	sst s0  }
0x9: {  	[smem:$0x3F9C] =	sst s1  }
0xa: {  	[smem:$0x3F9D] =	sst s2  }
0xb: {  	[smem:$0x3F9E] =	sst s3  }
0xc: {  	[smem:$0x3F9F] =	sst s4  }
0xd: {  	[smem:$0x3FA0] =	sst s5  }
0xe: {  	[smem:$0x3FA1] =	sst s6  }
0xf: {  	[smem:$0x3FA2] =	sst s7  }
0x10: {  	[smem:$0x3FA3] =	sst s8  }
0x11: {  	[smem:$0x3FA4] =	sst s9;
	s0 =	simm.s32 @!p0 $0x0  }
0x12: {  	s1 =	sld [smem:$0x3F8A];
	s0 =	simm.s32 @p0 $0x1  }
0x13: {  	[smem:$0x3FA5] =	sst s0;
	s0 =	simm.s32 @!p1 $0x0  }
0x14: {  	s2 =	sld [smem:$0x3F89];
	s0 =	simm.s32 @p1 $0x1  }
0x15: {  	[smem:$0x3FA6] =	sst s0;
	s0 =	simm.s32 @!p2 $0x0  }
0x16: {  	s3 =	sld [smem:$0x3FDB];
	s0 =	simm.s32 @p2 $0x1  }
0x17: {  	s4 =	simm.s32 $0x1BF5;
	[smem:$0x3FA8] =	sst s0  }
0x18: {  	s0 =	sld [smem:$0x3F8B];
	_ =	swait.ge [sflag:s4], $0x0  }
0x19: {  	s7 =	sld [smem:$0x3F8C]  }
0x1a: {  	s8 =	sadd.s32 $0xFFFFE003, lr  }
0x1b: {  	s9 =	sadd.s32 $0xFFFFFEF7, lr;
	s5 =	simm.s32 $0xFFFFFFFF;
	p2 =	slt.u32 s8, $0xFFFFF086  }
0x1c: {  	p1 =	slt.u32 s9, $0xF7A;
	s5 =	simm.s32 @!p2 $0x0  }
0x1d: {  	s5 =	simm.s32 @p1 $0x1;
	p0 =	seq.s32 s7, s2  }
0x1e: {  	s7 =	smul.u32 @!p0 $0xF7A, s2;
	p2 =	seq.s32 @!p0 s5, $0x0  }
0x1f: {  	s9 =	smul.u32 $0xF7A, s1;
	s8 =	simm.s32 @!p0 $0x1BF5;
	p2 =	por !p2, p0  }
0x20: {  	[sflag:s8] =	ssyncset.s32 @!p0 $0xFFFFF086;
	s6 =	sadd.s32 @!p0 s3, s7;
	s7 =	simm.s32 @!p0 $0x108  }
0x21: {  	s3 =	sadd.s32 s3, s9;
	s6 =	sadd.s32 @!p0 $0x88, s6;
	s7 =	simm.s32 @p2 $0x1082  }
0x22: {  	[simem:s7], [sflag:s8] =	dma.local @!p0 [hbm:s6], $0xF7A  }
0x23: {  	s9 =	sor.u32 $0xD0000000, s2;
	s6 =	simm.s32 $0x108;
	_ =	swait.ge @!p0 [sflag:s8], $0x0  }
0x24: {  	s3 =	sadd.s32 $0x88, s3;
	s6 =	simm.s32 @!p1 $0x1082;
	[sflag:s4] =	ssyncset.s32 $0xFFFFF086  }
0x25: {  	[simem:s6], [sflag:s4] =	dma.local [hbm:s3], $0xF7A  }
0x26: {  	[smem:$0x3F8C] =	sst s1;
	(tag) =	ssettag s2;
	_ =	strace s9  }
0x27: {  	s1 =	sld [smem:$0x3F9C]  }
0x28: {  	s2 =	sld [smem:$0x3F9D]  }
0x29: {  	s4 =	sld [smem:$0x3F9F]  }
0x2a: {  	p0 =	seq.s32 s5, $0x0;
	s5 =	sld [smem:$0x3FA0]  }
0x2b: {  	s6 =	sld [smem:$0x3FA1]  }
0x2c: {  	s7 =	sld [smem:$0x3FA2]  }
0x2d: {  	s3 =	simm.s32 $0x108;
	s8 =	sld [smem:$0x3FA3]  }
0x2e: {  	s3 =	simm.s32 @!p0 $0x1082;
	s9 =	sld [smem:$0x3FA4]  }
0x2f: {  	lr =	sadd.s32 s0, s3;
	s0 =	sld [smem:$0x3F9B]  }
0x30: {  	s3 =	sld [smem:$0x3F9E]  }
0x31: {  	[smem:$0x3FA7] =	sst s10  }
0x32: {  	s10 =	sld [smem:$0x3FA5];
	_ =	sdelay $0x3  }
0x33: {  	p0 =	seq.s32 s10, $0x1;
	s10 =	sld [smem:$0x3FA7];
	_ =	sdelay $0x3  }
0x34: {  	[smem:$0x3FA7] =	sst s10  }
0x35: {  	s10 =	sld [smem:$0x3FA6];
	_ =	sdelay $0x3  }
0x36: {  	p1 =	seq.s32 s10, $0x1;
	s10 =	sld [smem:$0x3FA7];
	_ =	sdelay $0x3  }
0x37: {  	[smem:$0x3FA7] =	sst s10  }
0x38: {  	s10 =	sld [smem:$0x3FA8]  }
0x39: {  	_ = 	snop;
	(pc) =	sbr.ind lr, $3  }
0x3a: {  	_ = 	snop  }
0x3b: {  	_ = 	snop  }
0x3c: {  	p2 =	seq.s32 s10, $0x1;
	s10 =	sld [smem:$0x3FA7]  }
0x3d: {  	_ =	shalt  }
0x3e: {  	_ =	shalt  }
0x3f: {  	_ =	shalt  }
0x40: {  	_ =	shalt  }
0x41: {  	_ =	shalt  }
0x42: {  	_ =	shalt  }
0x43: {  	_ =	shalt  }
0x44: {  	_ =	shalt  }
0x45: {  	_ =	shalt  }
0x46: {  	_ =	shalt  }
0x47: {  	_ =	shalt  }
0x48: {  	_ =	shalt  }
0x49: {  	_ =	shalt  }
0x4a: {  	_ =	shalt  }
0x4b: {  	_ =	shalt  }
0x4c: {  	_ =	shalt  }
0x4d: {  	_ =	shalt  }
0x4e: {  	_ =	shalt  }
0x4f: {  	_ =	shalt  }
0x50: {  	_ =	shalt  }
0x51: {  	_ =	shalt  }
0x52: {  	_ =	shalt  }
0x53: {  	_ =	shalt  }
0x54: {  	_ =	shalt  }
0x55: {  	_ =	shalt  }
0x56: {  	_ =	shalt  }
0x57: {  	_ =	shalt  }
0x58: {  	_ =	shalt  }
0x59: {  	_ =	shalt  }
0x5a: {  	_ =	shalt  }
0x5b: {  	_ =	shalt  }
0x5c: {  	_ =	shalt  }
0x5d: {  	_ =	shalt  }
0x5e: {  	_ =	shalt  }
0x5f: {  	_ =	shalt  }
0x60: {  	_ =	shalt  }
0x61: {  	_ =	shalt  }
0x62: {  	_ =	shalt  }
0x63: {  	_ =	shalt  }
0x64: {  	_ =	shalt  }
0x65: {  	_ =	shalt  }
0x66: {  	_ =	shalt  }
0x67: {  	_ =	shalt  }
0x68: {  	_ =	shalt  }
0x69: {  	_ =	shalt  }
0x6a: {  	_ =	shalt  }
0x6b: {  	_ =	shalt  }
0x6c: {  	_ =	shalt  }
0x6d: {  	_ =	shalt  }
0x6e: {  	_ =	shalt  }
0x6f: {  	_ =	shalt  }
0x70: {  	_ =	shalt  }
0x71: {  	_ =	shalt  }
0x72: {  	_ =	shalt  }
0x73: {  	_ =	shalt  }
0x74: {  	_ =	shalt  }
0x75: {  	_ =	shalt  }
0x76: {  	_ =	shalt  }
0x77: {  	_ =	shalt  }
0x78: {  	_ =	shalt  }
0x79: {  	_ =	shalt  }
0x7a: {  	_ =	shalt  }
0x7b: {  	_ =	shalt  }
0x7c: {  	_ =	shalt  }
0x7d: {  	_ =	shalt  }
0x7e: {  	_ =	shalt  }
0x7f: {  	_ =	shalt  }
0x80: {  	_ =	shalt  }
0x81: {  	_ =	shalt  }
0x82: {  	_ =	shalt  }
0x83: {  	_ =	shalt  }
0x84: {  	_ =	shalt  }
0x85: {  	_ =	shalt  }
0x86: {  	_ =	shalt  }
0x87: {  	_ =	shalt  }
.Lfunc_end0:
.L_simem_size_0:
called_computation.2_lowered:
.L_overlay_start_0:
0x88: {  	s2 =	sld [smem:$0x3FD9]  }
0x89: {  	s3 =	sld [smem:$0x3FFE];
	_ =	sdelay $0x1  }
0x8a: {  	s1 =	srdreg.scid  }
0x8b: {  	s0 =	sand.u32 $0x1, s1  }
0x8c: {  	s16 =	sshll.u32 s0, $0xA;
	s2 =	sadd.s32 s3, s2  }
0x8d: {  	s2 =	sadd.s32 s2, s16  }
0x8e: {  	[smem:$0x3FB3] =	sst s2  }
0x8f: {  	_ = 	snop  }
0x90: {  	(tm) =	ssettm $0x1  }
0x91: {  	s17 =	sld [smem:$0x3FFB];
	_ =	sdelay $0x3  }
0x92: {  	_ =	strace s17  }
0x93: {  	s2 =	sld [smem:$0x3FFC];
	_ =	sdelay $0x3  }
0x94: {  	_ =	strace s2  }
0x95: {  	s2 =	sld [smem:$0x3FFD];
	_ =	sdelay $0x3  }
0x96: {  	_ =	strace s2  }
0x97: {  	_ =	strace $0x8FFFFFFF  }
0x98: {  	s18 =	sld [smem:$0x3FDB];
	_ =	sdelay $0x1  }
0x99: {  	s19 =	simm.s32 $_scs_section_size  }
0x9a: {  	s4 =	simm.s32 $_size__tile_overlayer_lowered;
	s5 =	simm.s32 $_tile_overlayer_lowered  }
0x9b: {  	s22 =	simm.s32 $0x1BFF;
	s21 =	sshll.u32 s5, $0x1;
	s2 =	sadd.s32 s19, s18  }
0x9c: {  	s6 =	simm.s32 $0x0;
	s20 =	sshll.u32 s4, $0x1;
	s4 =	sadd.s32 s21, s2  }
0x9d: {  	[timem:s6], [sflag:s22] =	dma.local [hbm:s4], s20  }
0x9e: {  	_ =	swait.ge [sflag:s22], s20  }
0x9f: {  	s3 =	ssub.s32 $0x0, s20;
	[sflag:s22] =	ssyncset.done $0x0  }
0xa0: {  	[sflag:s22] =	ssyncadd.s32 s3;
	_ =	sdelay $0x1  }
0xa1: {  	s23 =	simm.s32 $0x1B8B  }
0xa2: {  	_ =	swait.ge [sflag:s23], $0x1  }
0xa3: {  	[sflag:s23] =	ssyncset.done $0x0  }
0xa4: {  	s25 =	simm.s32 $0x1B8E;
	s24 =	sld [smem:$0x3FFE];
	[sflag:s23] =	ssyncadd.s32 $0xFFFFFFFF  }
0xa5: {  	s26 =	simm.s32 $execute0_lowered;
	[smem:$0x3FD2] =	sst s25  }
0xa6: {  	s4 =	sshll.u32 s26, $0x1;
	_ =	strace $0x8000004C;
	[dreg:$0x1] =	wrdreg $0xFFFFFFFF  }
0xa7: {  	s28 =	simm.s32 $_size_execute0_lowered;
	s2 =	sadd.s32 s2, s4;
	[dreg:$0x0] =	wrdreg $0x0  }
0xa8: {  	s4 =	sshll.u32 s28, $0x1;
	[dreg:$0x2] =	wrdreg s2  }
0xa9: {  	[dreg:$0x3] =	wrdreg s4  }
0xaa: {  	[dreg:$0x4] =	wrdreg $0xC0  }
0xab: {  	_ =	task [dreg:s6], $0x5FFFF  }
0xac: {  	[dreg:$0x1] =	wrdreg $0xFFFFFFFF  }
0xad: {  	[dreg:$0x0] =	wrdreg $0x60  }
0xae: {  	[dreg:$0x2] =	wrdreg s24  }
0xaf: {  	[dreg:$0x3] =	wrdreg $0x9  }
0xb0: {  	_ =	task.clear_ibuf [dreg:s6], $0x4FFFF;
	_ =	strace $0x9000004C  }
0xb1: {  	s29 =	simm.s32 $0x9;
	_ =	strace $0x8000004E  }
0xb2: {  	_ =	swait.ge [sflag:s29], $0x1  }
0xb3: {  	[sflag:s29] =	ssyncadd.s32 $0xFFFFFFFF  }
0xb4: {  	_ =	strace $0x9000004E  }
0xb5: {  	_ =	sfence  }
0xb6: {  	s30 =	sld [smem:$0x0];
	_ =	sdelay $0x2  }
0xb7: {  	s31 =	sshll.u32 s1, $0xD;
	s1 =	sshrl.u32 s1, $0x2  }
0xb8: {  	s3 =	sand.u32 $0x4000, s31;
	s1 =	sadd.s32 s1, s30  }
0xb9: {  	s0 =	sor.u32 s3, s0;
	s1 =	sshll.u32 s1, $0x11  }
0xba: {  	s0 =	sor.u32 s1, s0  }
0xbb: {  	s0 =	sadd.s32 $0x8F2B, s0  }
0xbc: {  	[sflag:s0] =	ssyncadd.remote.s32 $0x1  }
0xbd: {  	_ =	sfence.sel $0xFFFF  }
0xbe: {  	[dreg:$0x0] =	wrdreg $0xFFFFFFFF;
	(pc) =	sbr.abs _section_cstart, $3  }
0xbf: {  	[dreg:$0x1] =	wrdreg $0xFFFFFFFF  }
0xc0: {  	_ =	task.clear_ibuf [dreg:s6], $0x2FFFF;
	_ =	strace $0x9FFFFFFF  }
0xc1: {  	(tm) =	ssettm $0x7FFFFFFF  }
tec
execute0_lowered:
.L_overlay_start_1:
0x0: {  	(tag) =	ssettag $0x1  }
0x1: {  	s1 =	srdreg.scid;
	s0 =	stileid.u32  }
0x2: {  	s24 =	sand.u32 $0x1, s1;
	s30 =	sshll.u32 s0, $0x1  }
0x3: {  	s11 =	sor.u32 s24, s30  }
0x4: {  	s10 =	rddreg [dreg:$0x0];
	s3 =	smul.u32 $0x190, s11  }
0x5: {  	s2 =	simm.s32 $0x0;
	s1 =	rddreg [dreg:$0x1]  }
0x6: {  	[smem:$0x7FF] =	sst s2;
	s3 =	sadd.s32 s3, s10  }
0x7: {  	_ =	strace $0x8000004D;
	s4 =	sadd.s32 $0x29600, s3;
	s3 =	simm.s32 $0x3  }
0x8: {  	[tilespmem:s2], [sflag:$0x3] =	stream.linear.gather [hbm4b:s4+s2], $0xC80, $0x38;
	[tilespmem:$0x19C80] =	vst v63  }
0x9: {  	_ =	swait.ge [sflag:s3], $0xC80  }
0xa: {  	s6 =	simm.s32 $0x190;
	[sflag:s3] =	ssyncset.done $0x0  }
0xb: {  	s7 =	simm.s32 $0xC80;
	s5 =	sadd.s32 $0x1600, s10;
	[sflag:s3] =	ssyncadd.s32 $0xFFFFF380  }
0xc: {  	[tilespmem:s7], [sflag:$0x1] =	stream.indirect.gather [hbm4b:s5+s6], $0x80, s2, s6, $0xb8;
	[tilespmem:$0x19C80] =	vst v63  }
0xd: {  	s8 =	simm.s32 $0xD480;
	s9 =	simm.s32 $0x1  }
0xe: {  	[tilespmem:s8], [sflag:$0x2] =	stream.indirect.gather [hbm4b:s5+s6], $0x80, s6, s6, $0xb8;
	[tilespmem:$0x19C80] =	vst v63  }
0xf: {  	s12 =	smul.u32 $0xC800, s11;
	_ =	swait.ge [sflag:s9], $0xC800  }
0x10: {  	s13 =	sadd.s32 $0x2C800, s10;
	[sflag:s9] =	ssyncset.done $0x0  }
0x11: {  	s10 =	sadd.s32 s13, s12;
	[sflag:s9] =	ssyncadd.s32 $0xFFFF3800  }
0x12: {  	[hbm4b:s10+s2] =	stream.linear.scatter [tilespmem:s7], [sflag:$0x3], $0xC800, $0x38;
	[tilespmem:$0x19C80] =	vst v63  }
0x13: {  	_ =	swait.ge [sflag:s3], $0xC800  }
0x14: {  	s14 =	smul.u32 $0x64000, s11;
	[sflag:s3] =	ssyncset.done $0x0  }
0x15: {  	s11 =	simm.s32 $0x320;
	s12 =	simm.s32 $0x2;
	[sflag:s3] =	ssyncadd.s32 $0xFFFF3800  }
0x16: {  	[tilespmem:s7], [sflag:$0x1] =	stream.indirect.gather [hbm4b:s5+s6], $0x80, s11, s6, $0xb8;
	[tilespmem:$0x19C80] =	vst v63  }
0x17: {  	s14 =	sshrl.u32 s14, $0x3;
	_ =	swait.ge [sflag:s12], $0xC800  }
0x18: {  	s25 =	sadd.s32 s13, s14;
	[sflag:s12] =	ssyncset.done $0x0  }
0x19: {  	s13 =	sadd.s32 $0x1900, s25;
	[sflag:s12] =	ssyncadd.s32 $0xFFFF3800  }
0x1a: {  	[hbm4b:s13+s2] =	stream.linear.scatter [tilespmem:s8], [sflag:$0x3], $0xC800, $0x38;
	[tilespmem:$0x19C80] =	vst v63  }
0x1b: {  	_ =	swait.ge [sflag:s3], $0xC800  }
0x1c: {  	[sflag:s3] =	ssyncset.done $0x0  }
0x1d: {  	s14 =	simm.s32 $0x4B0;
	[sflag:s3] =	ssyncadd.s32 $0xFFFF3800  }
0x1e: {  	[tilespmem:s8], [sflag:$0x2] =	stream.indirect.gather [hbm4b:s5+s6], $0x80, s14, s6, $0xb8;
	[tilespmem:$0x19C80] =	vst v63  }
0x1f: {  	_ =	swait.ge [sflag:s9], $0xC800  }
0x20: {  	[sflag:s9] =	ssyncset.done $0x0  }
0x21: {  	s15 =	sadd.s32 $0x3200, s25;
	[sflag:s9] =	ssyncadd.s32 $0xFFFF3800  }
0x22: {  	[hbm4b:s15+s2] =	stream.linear.scatter [tilespmem:s7], [sflag:$0x3], $0xC800, $0x38;
	[tilespmem:$0x19C80] =	vst v63  }
0x23: {  	_ =	swait.ge [sflag:s3], $0xC800  }
0x24: {  	[sflag:s3] =	ssyncset.done $0x0  }
0x25: {  	s16 =	simm.s32 $0x640;
	[sflag:s3] =	ssyncadd.s32 $0xFFFF3800  }
0x26: {  	[tilespmem:s7], [sflag:$0x1] =	stream.indirect.gather [hbm4b:s5+s6], $0x80, s16, s6, $0xb8;
	[tilespmem:$0x19C80] =	vst v63  }
0x27: {  	_ =	swait.ge [sflag:s12], $0xC800  }
0x28: {  	[sflag:s12] =	ssyncset.done $0x0  }
0x29: {  	s17 =	sadd.s32 $0x4B00, s25;
	[sflag:s12] =	ssyncadd.s32 $0xFFFF3800  }
0x2a: {  	[hbm4b:s17+s2] =	stream.linear.scatter [tilespmem:s8], [sflag:$0x3], $0xC800, $0x38;
	[tilespmem:$0x19C80] =	vst v63  }
0x2b: {  	_ =	swait.ge [sflag:s3], $0xC800  }
0x2c: {  	[sflag:s3] =	ssyncset.done $0x0  }
0x2d: {  	s18 =	simm.s32 $0x7D0;
	[sflag:s3] =	ssyncadd.s32 $0xFFFF3800  }
0x2e: {  	[tilespmem:s8], [sflag:$0x2] =	stream.indirect.gather [hbm4b:s5+s6], $0x80, s18, s6, $0xb8;
	[tilespmem:$0x19C80] =	vst v63  }
0x2f: {  	_ =	swait.ge [sflag:s9], $0xC800  }
0x30: {  	[sflag:s9] =	ssyncset.done $0x0  }
0x31: {  	s19 =	sadd.s32 $0x6400, s25;
	[sflag:s9] =	ssyncadd.s32 $0xFFFF3800  }
0x32: {  	[hbm4b:s19+s2] =	stream.linear.scatter [tilespmem:s7], [sflag:$0x3], $0xC800, $0x38;
	[tilespmem:$0x19C80] =	vst v63  }
0x33: {  	_ =	swait.ge [sflag:s3], $0xC800  }
0x34: {  	[sflag:s3] =	ssyncset.done $0x0  }
0x35: {  	s20 =	simm.s32 $0x960;
	[sflag:s3] =	ssyncadd.s32 $0xFFFF3800  }
0x36: {  	[tilespmem:s7], [sflag:$0x1] =	stream.indirect.gather [hbm4b:s5+s6], $0x80, s20, s6, $0xb8;
	[tilespmem:$0x19C80] =	vst v63  }
0x37: {  	_ =	swait.ge [sflag:s12], $0xC800  }
0x38: {  	[sflag:s12] =	ssyncset.done $0x0  }
0x39: {  	s21 =	sadd.s32 $0x7D00, s25;
	[sflag:s12] =	ssyncadd.s32 $0xFFFF3800  }
0x3a: {  	[hbm4b:s21+s2] =	stream.linear.scatter [tilespmem:s8], [sflag:$0x3], $0xC800, $0x38;
	[tilespmem:$0x19C80] =	vst v63  }
0x3b: {  	_ =	swait.ge [sflag:s3], $0xC800  }
0x3c: {  	[sflag:s3] =	ssyncset.done $0x0  }
0x3d: {  	s22 =	simm.s32 $0xAF0;
	[sflag:s3] =	ssyncadd.s32 $0xFFFF3800  }
0x3e: {  	[tilespmem:s8], [sflag:$0x2] =	stream.indirect.gather [hbm4b:s5+s6], $0x80, s22, s6, $0xb8;
	[tilespmem:$0x19C80] =	vst v63  }
0x3f: {  	_ =	swait.ge [sflag:s9], $0xC800  }
0x40: {  	[sflag:s9] =	ssyncset.done $0x0  }
0x41: {  	s24 =	ssub.s32 $0x2, s24;
	s23 =	sadd.s32 $0x9600, s25;
	[sflag:s9] =	ssyncadd.s32 $0xFFFF3800  }
0x42: {  	[hbm4b:s23+s2] =	stream.linear.scatter [tilespmem:s7], [sflag:$0x3], $0xC800, $0x38;
	[tilespmem:$0x19C80] =	vst v63  }
0x43: {  	s26 =	sshrl.u32 s24, $0x1;
	_ =	swait.ge [sflag:s3], $0xC800  }
0x44: {  	s26 =	ssub.s32 s24, s26;
	[sflag:s3] =	ssyncset.done $0x0  }
0x45: {  	s31 =	smax.u32 s26, $0x1;
	[sflag:s3] =	ssyncadd.s32 $0xFFFF3800  }
0x46: {  	p0 =	sne.s32 s31, $0x1;
	_ =	swait.ge [sflag:s12], $0xC800  }
.Ltmp0:
0x47: {  	[sflag:s12] =	ssyncset.done $0x0;
	(pc) =	sbr.rel @!p0 .LBB2_2-.Ltmp0, $4  }
0x48: {  	s24 =	sadd.s32 $0xAF00, s25;
	[sflag:s12] =	ssyncadd.s32 $0xFFFF3800  }
0x49: {  	[hbm4b:s24+s2] =	stream.linear.scatter [tilespmem:s8], [sflag:$0x3], $0xC800, $0x38;
	[tilespmem:$0x19C80] =	vst v63  }
0x4a: {  	_ =	swait.ge [sflag:s3], $0xC800  }
0x4b: {  	s25 =	sadd.s32 $0xFFFFFFFF, s31;
	[sflag:s3] =	ssyncset.done $0x0  }
.LBB2_1:
0x4c: {  	p0 =	sne.s32 s25, $0x1;
	s25 =	sadd.s32 $0xFFFFFFFF, s25;
	[sflag:s3] =	ssyncadd.s32 $0xFFFF3800  }
0x4d: {  	[tilespmem:s2], [sflag:$0x3] =	stream.linear.gather [hbm4b:s4+s2], $0xC80, $0x38;
	[tilespmem:$0x19C80] =	vst v63  }
0x4e: {  	_ =	swait.ge [sflag:s3], $0xC80  }
0x4f: {  	[sflag:s3] =	ssyncset.done $0x0  }
0x50: {  	[sflag:s3] =	ssyncadd.s32 $0xFFFFF380  }
0x51: {  	[tilespmem:s7], [sflag:$0x1] =	stream.indirect.gather [hbm4b:s5+s6], $0x80, s2, s6, $0xb8;
	[tilespmem:$0x19C80] =	vst v63  }
0x52: {  	_ = 	snop  }
0x53: {  	[tilespmem:s8], [sflag:$0x2] =	stream.indirect.gather [hbm4b:s5+s6], $0x80, s6, s6, $0xb8;
	[tilespmem:$0x19C80] =	vst v63  }
0x54: {  	_ =	swait.ge [sflag:s9], $0xC800  }
0x55: {  	[sflag:s9] =	ssyncset.done $0x0  }
0x56: {  	[sflag:s9] =	ssyncadd.s32 $0xFFFF3800  }
0x57: {  	[hbm4b:s10+s2] =	stream.linear.scatter [tilespmem:s7], [sflag:$0x3], $0xC800, $0x38;
	[tilespmem:$0x19C80] =	vst v63  }
0x58: {  	_ =	swait.ge [sflag:s3], $0xC800  }
0x59: {  	[sflag:s3] =	ssyncset.done $0x0  }
0x5a: {  	[sflag:s3] =	ssyncadd.s32 $0xFFFF3800  }
0x5b: {  	[tilespmem:s7], [sflag:$0x1] =	stream.indirect.gather [hbm4b:s5+s6], $0x80, s11, s6, $0xb8;
	[tilespmem:$0x19C80] =	vst v63  }
0x5c: {  	_ =	swait.ge [sflag:s12], $0xC800  }
0x5d: {  	[sflag:s12] =	ssyncset.done $0x0  }
0x5e: {  	[sflag:s12] =	ssyncadd.s32 $0xFFFF3800  }
0x5f: {  	[hbm4b:s13+s2] =	stream.linear.scatter [tilespmem:s8], [sflag:$0x3], $0xC800, $0x38;
	[tilespmem:$0x19C80] =	vst v63  }
0x60: {  	_ =	swait.ge [sflag:s3], $0xC800  }
0x61: {  	[sflag:s3] =	ssyncset.done $0x0  }
0x62: {  	[sflag:s3] =	ssyncadd.s32 $0xFFFF3800  }
0x63: {  	[tilespmem:s8], [sflag:$0x2] =	stream.indirect.gather [hbm4b:s5+s6], $0x80, s14, s6, $0xb8;
	[tilespmem:$0x19C80] =	vst v63  }
0x64: {  	_ =	swait.ge [sflag:s9], $0xC800  }
0x65: {  	[sflag:s9] =	ssyncset.done $0x0  }
0x66: {  	[sflag:s9] =	ssyncadd.s32 $0xFFFF3800  }
0x67: {  	[hbm4b:s15+s2] =	stream.linear.scatter [tilespmem:s7], [sflag:$0x3], $0xC800, $0x38;
	[tilespmem:$0x19C80] =	vst v63  }
0x68: {  	_ =	swait.ge [sflag:s3], $0xC800  }
0x69: {  	[sflag:s3] =	ssyncset.done $0x0  }
0x6a: {  	[sflag:s3] =	ssyncadd.s32 $0xFFFF3800  }
0x6b: {  	[tilespmem:s7], [sflag:$0x1] =	stream.indirect.gather [hbm4b:s5+s6], $0x80, s16, s6, $0xb8;
	[tilespmem:$0x19C80] =	vst v63  }
0x6c: {  	_ =	swait.ge [sflag:s12], $0xC800  }
0x6d: {  	[sflag:s12] =	ssyncset.done $0x0  }
0x6e: {  	[sflag:s12] =	ssyncadd.s32 $0xFFFF3800  }
0x6f: {  	[hbm4b:s17+s2] =	stream.linear.scatter [tilespmem:s8], [sflag:$0x3], $0xC800, $0x38;
	[tilespmem:$0x19C80] =	vst v63  }
0x70: {  	_ =	swait.ge [sflag:s3], $0xC800  }
0x71: {  	[sflag:s3] =	ssyncset.done $0x0  }
0x72: {  	[sflag:s3] =	ssyncadd.s32 $0xFFFF3800  }
0x73: {  	[tilespmem:s8], [sflag:$0x2] =	stream.indirect.gather [hbm4b:s5+s6], $0x80, s18, s6, $0xb8;
	[tilespmem:$0x19C80] =	vst v63  }
0x74: {  	_ =	swait.ge [sflag:s9], $0xC800  }
0x75: {  	[sflag:s9] =	ssyncset.done $0x0  }
0x76: {  	[sflag:s9] =	ssyncadd.s32 $0xFFFF3800  }
0x77: {  	[hbm4b:s19+s2] =	stream.linear.scatter [tilespmem:s7], [sflag:$0x3], $0xC800, $0x38;
	[tilespmem:$0x19C80] =	vst v63  }
0x78: {  	_ =	swait.ge [sflag:s3], $0xC800  }
0x79: {  	[sflag:s3] =	ssyncset.done $0x0  }
0x7a: {  	[sflag:s3] =	ssyncadd.s32 $0xFFFF3800  }
0x7b: {  	[tilespmem:s7], [sflag:$0x1] =	stream.indirect.gather [hbm4b:s5+s6], $0x80, s20, s6, $0xb8;
	[tilespmem:$0x19C80] =	vst v63  }
0x7c: {  	_ =	swait.ge [sflag:s12], $0xC800  }
0x7d: {  	[sflag:s12] =	ssyncset.done $0x0  }
0x7e: {  	[sflag:s12] =	ssyncadd.s32 $0xFFFF3800  }
0x7f: {  	[hbm4b:s21+s2] =	stream.linear.scatter [tilespmem:s8], [sflag:$0x3], $0xC800, $0x38;
	[tilespmem:$0x19C80] =	vst v63  }
0x80: {  	_ =	swait.ge [sflag:s3], $0xC800  }
0x81: {  	[sflag:s3] =	ssyncset.done $0x0  }
0x82: {  	[sflag:s3] =	ssyncadd.s32 $0xFFFF3800  }
0x83: {  	[tilespmem:s8], [sflag:$0x2] =	stream.indirect.gather [hbm4b:s5+s6], $0x80, s22, s6, $0xb8;
	[tilespmem:$0x19C80] =	vst v63  }
0x84: {  	_ =	swait.ge [sflag:s9], $0xC800  }
0x85: {  	[sflag:s9] =	ssyncset.done $0x0  }
0x86: {  	[sflag:s9] =	ssyncadd.s32 $0xFFFF3800  }
0x87: {  	[hbm4b:s23+s2] =	stream.linear.scatter [tilespmem:s7], [sflag:$0x3], $0xC800, $0x38;
	[tilespmem:$0x19C80] =	vst v63  }
0x88: {  	_ =	swait.ge [sflag:s3], $0xC800  }
0x89: {  	[sflag:s3] =	ssyncset.done $0x0  }
0x8a: {  	[sflag:s3] =	ssyncadd.s32 $0xFFFF3800  }
0x8b: {  	_ =	swait.ge [sflag:s12], $0xC800  }
.Ltmp1:
0x8c: {  	[sflag:s12] =	ssyncset.done $0x0;
	(pc) =	sbr.rel @p0 .LBB2_1-.Ltmp1, $4  }
0x8d: {  	[sflag:s12] =	ssyncadd.s32 $0xFFFF3800  }
0x8e: {  	[hbm4b:s24+s2] =	stream.linear.scatter [tilespmem:s8], [sflag:$0x3], $0xC800, $0x38;
	[tilespmem:$0x19C80] =	vst v63  }
0x8f: {  	_ =	swait.ge [sflag:s3], $0xC800  }
0x90: {  	[sflag:s3] =	ssyncset.done $0x0  }
.LBB2_2:
0x91: {  	[sflag:s3] =	ssyncadd.s32 $0xFFFF3800  }
0x92: {  	_ =	sfence.sel $0x180000  }
0x93: {  	[bflag:$0x0] =	sbarrier.arrive $0xFFFF  }
0x94: {  	p0 =	sne.s32 s0, $0x0;
	_ =	strace $0x9000004D  }
0x95: {  	s0 =	sadd.s32 @!p0 $0x100000, s1;
	[bflag:$0x2] =	sbarrier.arrive $0xFFFF  }
0x96: {  	[sflag:s0] =	ssyncadd.tile.s32 @!p0 $0x1;
	_ =	shalt  }
.Lfunc_end2:
_tile_overlayer_lowered:
.L_overlay_start_2:
0x97: {  	(tag) =	ssettag $0x2  }
0x98: {  	s0 =	rddreg [dreg:$0x0];
	s2 =	stileid.u32  }
0x99: {  	s1 =	rddreg [dreg:$0x1];
	p0 =	sne.s32 s2, $0x0  }
0x9a: {  	s3 =	rddreg [dreg:$0x2];
	[bflag:$0x3] =	sbarrier.arrive $0xFFFF;
	s2 =	simm.s32 @!p0 $0x1C03  }
0x9b: {  	[timem:s3], [sflag:s2] =	dma.local @!p0 [hbm:s0], s1  }
0x9c: {  	s0 =	simm.s32 @!p0 $0x3  }
0x9d: {  	_ =	swait.ge @!p0 [sflag:s0], s1  }
0x9e: {  	s1 =	ssub.s32 @!p0 $0x0, s1;
	[sflag:s0] =	ssyncset.done @!p0 $0x0  }
0x9f: {  	[sflag:s0] =	ssyncadd.s32 @!p0 s1  }
0xa0: {  	[bflag:$0x3] =	sbarrier.arrive $0xFFFF  }
0xa1: {  	_ =	shalt  }

</sc_bundles>
